<compile_context>
chip_gen: v7x
topology: tpu7x:2x2x1
jax: 0.10.2.dev20260603
libtpu: 0.0.44.dev20260713+nightly
codegen_flags: <defaults>
</compile_context>

<pallas_src>
import functools

import jax
import jax.numpy as jnp
from jax import lax
from jax.experimental import pallas as pl
from jax.experimental.pallas import tpu as pltpu
from jax.experimental.pallas import tpu_sc as plsc

N_NODES = 10000
N_EDGES = 320000
D = 128

NS = 16

NC = 2

CHUNK = 125
NCH = 80
G = 4
NSL = NCH // G
TOT_SLABS = NC * NS * NSL
ACC_ROWS = 10112
RPT = ACC_ROWS // NS

_sc_mesh = plsc.VectorSubcoreMesh(core_axis_name="c", subcore_axis_name="s")


@functools.partial(
    pl.kernel,
    mesh=_sc_mesh,
    out_type=[
        jax.ShapeDtypeStruct((ACC_ROWS, D), jnp.float32),
        jax.ShapeDtypeStruct((ACC_ROWS, D), jnp.float32),
    ],
    scratch_types=[
        pltpu.VMEM((2, G, CHUNK), jnp.int32),
        pltpu.VMEM((2, G, CHUNK), jnp.int32),
        pltpu.VMEM((2, CHUNK, D), jnp.float32),
        pltpu.VMEM_SHARED((ACC_ROWS, D), jnp.float32),
        pltpu.SemaphoreType.DMA,
        pltpu.SemaphoreType.DMA,
        pltpu.SemaphoreType.DMA,
        pltpu.SemaphoreType.DMA,
    ],
)
def _sc_agg(h_hbm, ei_hbm, p0_hbm, p1_hbm,
            src_sl, dst_sl, rows_v, acc, rs0, rs1, is0, is1):
    c = lax.axis_index("c")
    s = lax.axis_index("s")
    rsem = (rs0, rs1)
    isem = (is0, is1)
    sbase = (c * NS + s) * NSL

    def idx_start(t, p):
        pltpu.make_async_copy(ei_hbm.at[0, sbase + t], src_sl.at[p],
                              isem[p]).start()
        pltpu.make_async_copy(ei_hbm.at[1, sbase + t], dst_sl.at[p],
                              isem[p]).start()

    def idx_wait(t, p):
        pltpu.make_async_copy(ei_hbm.at[0, sbase + t], src_sl.at[p],
                              isem[p]).wait()
        pltpu.make_async_copy(ei_hbm.at[1, sbase + t], dst_sl.at[p],
                              isem[p]).wait()

    def row_start(p, g, rb):
        pltpu.make_async_copy(h_hbm.at[src_sl.at[p, g]], rows_v.at[rb],
                              rsem[rb]).start()

    def row_wait(p, g, rb):
        pltpu.make_async_copy(h_hbm.at[src_sl.at[p, g]], rows_v.at[rb],
                              rsem[rb]).wait()

    idx_start(0, 0)
    idx_start(1, 1)

    def zstore(i, carry):
        rows_v[0, i // 8, pl.ds((i % 8) * 16, 16)] = jnp.zeros(
            (16,), jnp.float32)
        return carry

    lax.fori_loop(0, 120 * 8, zstore, 0)
    for k in range(5):
        pltpu.sync_copy(rows_v.at[0, pl.ds(0, 120)],
                        acc.at[pl.ds(s * RPT + k * 120, 120)])
    pltpu.sync_copy(rows_v.at[0, pl.ds(0, 32)],
                    acc.at[pl.ds(s * RPT + 600, 32)])
    plsc.subcore_barrier()

    idx_wait(0, 0)
    row_start(0, 0, 0)
    row_start(0, 1, 1)

    def outer(k, carry):
        for p in (0, 1):
            t = 2 * k + p
            for g in range(G):
                rb = g % 2
                row_wait(p, g, rb)
                pltpu.sync_copy(rows_v.at[rb], acc.at[dst_sl.at[p, g]],
                                add=True)
                if g < G - 2:
                    row_start(p, g + 2, rb)
                else:
                    @pl.when(t + 1 < NSL)
                    def _(p=p, g=g, rb=rb, t=t):
                        if g == G - 2:
                            idx_wait(t + 1, 1 - p)
                        row_start(1 - p, g + 2 - G, rb)

            @pl.when(t + 2 < NSL)
            def _(p=p, t=t):
                idx_start(t + 2, p)
        return carry

    lax.fori_loop(0, NSL // 2, outer, 0)
    plsc.subcore_barrier()

    @pl.when(c == 0)
    def _():
        pltpu.sync_copy(acc.at[pl.ds(s * RPT, RPT)],
                        p0_hbm.at[pl.ds(s * RPT, RPT)])

    @pl.when(c == 1)
    def _():
        pltpu.sync_copy(acc.at[pl.ds(s * RPT, RPT)],
                        p1_hbm.at[pl.ds(s * RPT, RPT)])


def _mm_body(p0_ref, p1_ref, x_ref, wt_ref, b_ref, o_ref):
    agg = p0_ref[...] + p1_ref[...] + x_ref[...]
    y = jnp.dot(agg, wt_ref[...], preferred_element_type=jnp.float32)
    o_ref[...] = jnp.maximum(y + b_ref[...], 0.0)


_BM = 2000


def _tc_layer(p0, p1, xin, wt, b):
    return pl.pallas_call(
        _mm_body,
        grid=(N_NODES // _BM,),
        in_specs=[
            pl.BlockSpec((_BM, D), lambda i: (i, 0)),
            pl.BlockSpec((_BM, D), lambda i: (i, 0)),
            pl.BlockSpec((_BM, D), lambda i: (i, 0)),
            pl.BlockSpec((D, D), lambda i: (0, 0)),
            pl.BlockSpec((1, D), lambda i: (0, 0)),
        ],
        out_specs=pl.BlockSpec((_BM, D), lambda i: (i, 0)),
        out_shape=jax.ShapeDtypeStruct((N_NODES, D), jnp.float32),
    )(p0, p1, xin, wt, b)


def kernel(x, edge_index, W1, b1, W2, b2):
    ei = edge_index.astype(jnp.int32).reshape(2, TOT_SLABS, G, CHUNK)
    wt1 = W1.T
    wt2 = W2.T
    b1r = b1.reshape(1, D)
    b2r = b2.reshape(1, D)

    p0, p1 = _sc_agg(x, ei)
    h1 = _tc_layer(p0, p1, x, wt1, b1r)
    q0, q1 = _sc_agg(h1, ei)
    h2 = _tc_layer(q0, q1, h1, wt2, b2r)
    return h2

# --- scband reference (transcript-rebuilt; emitter-appended) ---
"""Pipeline reference for scband-gcn-45105746542606 (READ-ONLY COPY).

The authoritative reference and input builder live on the scoring server;
editing this copy changes nothing except your own understanding.
"""

import jax, jax.numpy as jnp
import numpy as np

N_NODES = 10000
N_EDGES = 320000
D_FEAT = 128
D_HID = 128


def setup_inputs(seed: int = 0) -> dict:
    key = jax.random.key(seed)
    k_x, k_ei, k_w1, k_w2 = jax.random.split(key, 4)
    x = jax.random.normal(k_x, (N_NODES, D_FEAT), dtype=jnp.float32)
    edge_index = jax.random.randint(k_ei, (2, N_EDGES), 0, N_NODES, dtype=jnp.int64)
    # Kaiming-uniform-ish init like nn.Linear.reset_parameters
    bound1 = 1.0 / np.sqrt(D_FEAT)
    W1 = jax.random.uniform(k_w1, (D_HID, D_FEAT), minval=-bound1, maxval=bound1, dtype=jnp.float32)
    b1 = jnp.zeros((D_HID,), dtype=jnp.float32)
    bound2 = 1.0 / np.sqrt(D_HID)
    W2 = jax.random.uniform(k_w2, (D_HID, D_HID), minval=-bound2, maxval=bound2, dtype=jnp.float32)
    b2 = jnp.zeros((D_HID,), dtype=jnp.float32)
    return {"x": x, "edge_index": edge_index, "W1": W1, "b1": b1, "W2": W2, "b2": b2}


def reference(x, edge_index, W1, b1, W2, b2):
    N = x.shape[0]
    # add_self_loops
    loops = jnp.arange(N, dtype=edge_index.dtype)
    ei = jnp.concatenate([edge_index, jnp.stack([loops, loops], axis=0)], axis=1)
    src, dst = ei[0], ei[1]

    def gcn_layer(h, W, b):
        h = h @ W.T  # lin (no bias)
        # norm=False -> norm is all ones; message = x_j; aggr='add' -> scatter-sum at dst
        msgs = jnp.take(h, src, axis=0)
        out = jax.ops.segment_sum(msgs, dst, num_segments=N)
        out = out + b
        return jax.nn.relu(out)  # dropout p=0 -> identity

    h = gcn_layer(x, W1, b1)
    h = gcn_layer(h, W2, b2)
    return h

if __name__ == "__main__":
    import jax
    _d = setup_inputs()
    print(jax.jit(kernel)(*tuple(_d.values())))

</pallas_src>

<mosaic_0001>
#map = affine_map<(d0, d1) -> (0, 0)>
#map1 = affine_map<(d0, d1) -> (0, 0, 0, 0)>
module attributes {stable_mosaic.version = 14 : i64} {
  func.func @_sc_agg(%arg0: i32, %arg1: i32, %arg2: memref<10000x128xf32, #tpu.memory_space<hbm>>, %arg3: memref<2x640x4x125xi32, #tpu.memory_space<hbm>>, %arg4: memref<10112x128xf32, #tpu.memory_space<hbm>>, %arg5: memref<10112x128xf32, #tpu.memory_space<hbm>>, %arg6: memref<2x4x125xi32, #tpu.memory_space<vmem>>, %arg7: memref<2x4x125xi32, #tpu.memory_space<vmem>>, %arg8: memref<2x125x128xf32, #tpu.memory_space<vmem>>, %arg9: memref<10112x128xf32, #tpu.memory_space<vmem_shared>>, %arg10: memref<!tpu.dma_semaphore, #tpu.memory_space<semaphore_mem>>, %arg11: memref<!tpu.dma_semaphore, #tpu.memory_space<semaphore_mem>>, %arg12: memref<!tpu.dma_semaphore, #tpu.memory_space<semaphore_mem>>, %arg13: memref<!tpu.dma_semaphore, #tpu.memory_space<semaphore_mem>>) attributes {dimension_semantics = [#tpu.dimension_semantics<core_parallel>, #tpu.dimension_semantics<subcore_parallel>], iteration_bounds = array<i64: 2, 16>, scalar_prefetch = 0 : i64, scratch_operands = 8 : i64, tpu.core_type = #tpu.core_type<sc_vector_subcore>, window_params = [{transform_indices = #map}, {transform_indices = #map1}, {transform_indices = #map}, {transform_indices = #map}]} {
    %mul3A = arith.constant 16 : i32
    %mul3A_0 = arith.muli %arg0, %mul3A : i32
    %add3A = arith.addi %mul3A_0, %arg1 : i32
    %mul3A_1 = arith.constant 20 : i32
    %mul3A_2 = arith.muli %add3A, %mul3A_1 : i32
    %add3A_3 = arith.constant 0 : i32
    %add3A_4 = arith.addi %mul3A_2, %add3A_3 : i32
    %dma_start3A = arith.constant 0 : i32
    %dma_start3A_5 = arith.constant 0 : i32
    %dma_start3A_6 = arith.constant 0 : i32
    %dma_start3A_7 = arith.constant 0 : i32
    %dma_start3A_8 = tpu.memref_slice %arg6[%dma_start3A_5, %dma_start3A_6, %dma_start3A_7] : memref<2x4x125xi32, #tpu.memory_space<vmem>> -> memref<1x4x125xi32, #tpu.memory_space<vmem>>
    %dma_start3A_9 = tpu.memref_squeeze %dma_start3A_8 : memref<1x4x125xi32, #tpu.memory_space<vmem>> -> memref<4x125xi32, #tpu.memory_space<vmem>>
    %dma_start3A_10 = arith.constant 0 : i32
    %dma_start3A_11 = arith.constant 0 : i32
    %dma_start3A_12 = tpu.memref_slice %arg3[%dma_start3A, %add3A_4, %dma_start3A_10, %dma_start3A_11] : memref<2x640x4x125xi32, #tpu.memory_space<hbm>> -> memref<1x1x4x125xi32, #tpu.memory_space<hbm>>
    %dma_start3A_13 = tpu.memref_squeeze %dma_start3A_12 : memref<1x1x4x125xi32, #tpu.memory_space<hbm>> -> memref<4x125xi32, #tpu.memory_space<hbm>>
    %dma_start3A_14 = arith.constant 0 : i32
    %dma_start3A_15 = arith.constant 0 : i32
    %dma_start3A_16 = tpu.memref_slice %arg6[%dma_start3A_5, %dma_start3A_14, %dma_start3A_15] : memref<2x4x125xi32, #tpu.memory_space<vmem>> -> memref<1x4x125xi32, #tpu.memory_space<vmem>>
    %dma_start3A_17 = tpu.memref_squeeze %dma_start3A_16 : memref<1x4x125xi32, #tpu.memory_space<vmem>> -> memref<4x125xi32, #tpu.memory_space<vmem>>
    %dma_start3A_18 = arith.constant 0 : i32
    %dma_start3A_19 = arith.constant 0 : i32
    %dma_start3A_20 = tpu.memref_slice %arg3[%dma_start3A, %add3A_4, %dma_start3A_18, %dma_start3A_19] : memref<2x640x4x125xi32, #tpu.memory_space<hbm>> -> memref<1x1x4x125xi32, #tpu.memory_space<hbm>>
    %dma_start3A_21 = tpu.memref_squeeze %dma_start3A_20 : memref<1x1x4x125xi32, #tpu.memory_space<hbm>> -> memref<4x125xi32, #tpu.memory_space<hbm>>
    tpu.enqueue_dma source(%dma_start3A_21 : memref<4x125xi32, #tpu.memory_space<hbm>>) target(%dma_start3A_17 : memref<4x125xi32, #tpu.memory_space<vmem>>) target_semaphore(%arg12 : memref<!tpu.dma_semaphore, #tpu.memory_space<semaphore_mem>>)
    %add3A_22 = arith.constant 0 : i32
    %add3A_23 = arith.addi %mul3A_2, %add3A_22 : i32
    %dma_start3A_24 = arith.constant 1 : i32
    %dma_start3A_25 = arith.constant 0 : i32
    %dma_start3A_26 = arith.constant 0 : i32
    %dma_start3A_27 = arith.constant 0 : i32
    %dma_start3A_28 = tpu.memref_slice %arg7[%dma_start3A_25, %dma_start3A_26, %dma_start3A_27] : memref<2x4x125xi32, #tpu.memory_space<vmem>> -> memref<1x4x125xi32, #tpu.memory_space<vmem>>
    %dma_start3A_29 = tpu.memref_squeeze %dma_start3A_28 : memref<1x4x125xi32, #tpu.memory_space<vmem>> -> memref<4x125xi32, #tpu.memory_space<vmem>>
    %dma_start3A_30 = arith.constant 0 : i32
    %dma_start3A_31 = arith.constant 0 : i32
    %dma_start3A_32 = tpu.memref_slice %arg3[%dma_start3A_24, %add3A_23, %dma_start3A_30, %dma_start3A_31] : memref<2x640x4x125xi32, #tpu.memory_space<hbm>> -> memref<1x1x4x125xi32, #tpu.memory_space<hbm>>
    %dma_start3A_33 = tpu.memref_squeeze %dma_start3A_32 : memref<1x1x4x125xi32, #tpu.memory_space<hbm>> -> memref<4x125xi32, #tpu.memory_space<hbm>>
    %dma_start3A_34 = arith.constant 0 : i32
    %dma_start3A_35 = arith.constant 0 : i32
    %dma_start3A_36 = tpu.memref_slice %arg7[%dma_start3A_25, %dma_start3A_34, %dma_start3A_35] : memref<2x4x125xi32, #tpu.memory_space<vmem>> -> memref<1x4x125xi32, #tpu.memory_space<vmem>>
    %dma_start3A_37 = tpu.memref_squeeze %dma_start3A_36 : memref<1x4x125xi32, #tpu.memory_space<vmem>> -> memref<4x125xi32, #tpu.memory_space<vmem>>
    %dma_start3A_38 = arith.constant 0 : i32
    %dma_start3A_39 = arith.constant 0 : i32
    %dma_start3A_40 = tpu.memref_slice %arg3[%dma_start3A_24, %add3A_23, %dma_start3A_38, %dma_start3A_39] : memref<2x640x4x125xi32, #tpu.memory_space<hbm>> -> memref<1x1x4x125xi32, #tpu.memory_space<hbm>>
    %dma_start3A_41 = tpu.memref_squeeze %dma_start3A_40 : memref<1x1x4x125xi32, #tpu.memory_space<hbm>> -> memref<4x125xi32, #tpu.memory_space<hbm>>
    tpu.enqueue_dma source(%dma_start3A_41 : memref<4x125xi32, #tpu.memory_space<hbm>>) target(%dma_start3A_37 : memref<4x125xi32, #tpu.memory_space<vmem>>) target_semaphore(%arg12 : memref<!tpu.dma_semaphore, #tpu.memory_space<semaphore_mem>>)
    %add3A_42 = arith.constant 1 : i32
    %add3A_43 = arith.addi %mul3A_2, %add3A_42 : i32
    %dma_start3A_44 = arith.constant 0 : i32
    %dma_start3A_45 = arith.constant 1 : i32
    %dma_start3A_46 = arith.constant 0 : i32
    %dma_start3A_47 = arith.constant 0 : i32
    %dma_start3A_48 = tpu.memref_slice %arg6[%dma_start3A_45, %dma_start3A_46, %dma_start3A_47] : memref<2x4x125xi32, #tpu.memory_space<vmem>> -> memref<1x4x125xi32, #tpu.memory_space<vmem>>
    %dma_start3A_49 = tpu.memref_squeeze %dma_start3A_48 : memref<1x4x125xi32, #tpu.memory_space<vmem>> -> memref<4x125xi32, #tpu.memory_space<vmem>>
    %dma_start3A_50 = arith.constant 0 : i32
    %dma_start3A_51 = arith.constant 0 : i32
    %dma_start3A_52 = tpu.memref_slice %arg3[%dma_start3A_44, %add3A_43, %dma_start3A_50, %dma_start3A_51] : memref<2x640x4x125xi32, #tpu.memory_space<hbm>> -> memref<1x1x4x125xi32, #tpu.memory_space<hbm>>
    %dma_start3A_53 = tpu.memref_squeeze %dma_start3A_52 : memref<1x1x4x125xi32, #tpu.memory_space<hbm>> -> memref<4x125xi32, #tpu.memory_space<hbm>>
    %dma_start3A_54 = arith.constant 0 : i32
    %dma_start3A_55 = arith.constant 0 : i32
    %dma_start3A_56 = tpu.memref_slice %arg6[%dma_start3A_45, %dma_start3A_54, %dma_start3A_55] : memref<2x4x125xi32, #tpu.memory_space<vmem>> -> memref<1x4x125xi32, #tpu.memory_space<vmem>>
    %dma_start3A_57 = tpu.memref_squeeze %dma_start3A_56 : memref<1x4x125xi32, #tpu.memory_space<vmem>> -> memref<4x125xi32, #tpu.memory_space<vmem>>
    %dma_start3A_58 = arith.constant 0 : i32
    %dma_start3A_59 = arith.constant 0 : i32
    %dma_start3A_60 = tpu.memref_slice %arg3[%dma_start3A_44, %add3A_43, %dma_start3A_58, %dma_start3A_59] : memref<2x640x4x125xi32, #tpu.memory_space<hbm>> -> memref<1x1x4x125xi32, #tpu.memory_space<hbm>>
    %dma_start3A_61 = tpu.memref_squeeze %dma_start3A_60 : memref<1x1x4x125xi32, #tpu.memory_space<hbm>> -> memref<4x125xi32, #tpu.memory_space<hbm>>
    tpu.enqueue_dma source(%dma_start3A_61 : memref<4x125xi32, #tpu.memory_space<hbm>>) target(%dma_start3A_57 : memref<4x125xi32, #tpu.memory_space<vmem>>) target_semaphore(%arg13 : memref<!tpu.dma_semaphore, #tpu.memory_space<semaphore_mem>>)
    %add3A_62 = arith.constant 1 : i32
    %add3A_63 = arith.addi %mul3A_2, %add3A_62 : i32
    %dma_start3A_64 = arith.constant 1 : i32
    %dma_start3A_65 = arith.constant 1 : i32
    %dma_start3A_66 = arith.constant 0 : i32
    %dma_start3A_67 = arith.constant 0 : i32
    %dma_start3A_68 = tpu.memref_slice %arg7[%dma_start3A_65, %dma_start3A_66, %dma_start3A_67] : memref<2x4x125xi32, #tpu.memory_space<vmem>> -> memref<1x4x125xi32, #tpu.memory_space<vmem>>
    %dma_start3A_69 = tpu.memref_squeeze %dma_start3A_68 : memref<1x4x125xi32, #tpu.memory_space<vmem>> -> memref<4x125xi32, #tpu.memory_space<vmem>>
    %dma_start3A_70 = arith.constant 0 : i32
    %dma_start3A_71 = arith.constant 0 : i32
    %dma_start3A_72 = tpu.memref_slice %arg3[%dma_start3A_64, %add3A_63, %dma_start3A_70, %dma_start3A_71] : memref<2x640x4x125xi32, #tpu.memory_space<hbm>> -> memref<1x1x4x125xi32, #tpu.memory_space<hbm>>
    %dma_start3A_73 = tpu.memref_squeeze %dma_start3A_72 : memref<1x1x4x125xi32, #tpu.memory_space<hbm>> -> memref<4x125xi32, #tpu.memory_space<hbm>>
    %dma_start3A_74 = arith.constant 0 : i32
    %dma_start3A_75 = arith.constant 0 : i32
    %dma_start3A_76 = tpu.memref_slice %arg7[%dma_start3A_65, %dma_start3A_74, %dma_start3A_75] : memref<2x4x125xi32, #tpu.memory_space<vmem>> -> memref<1x4x125xi32, #tpu.memory_space<vmem>>
    %dma_start3A_77 = tpu.memref_squeeze %dma_start3A_76 : memref<1x4x125xi32, #tpu.memory_space<vmem>> -> memref<4x125xi32, #tpu.memory_space<vmem>>
    %dma_start3A_78 = arith.constant 0 : i32
    %dma_start3A_79 = arith.constant 0 : i32
    %dma_start3A_80 = tpu.memref_slice %arg3[%dma_start3A_64, %add3A_63, %dma_start3A_78, %dma_start3A_79] : memref<2x640x4x125xi32, #tpu.memory_space<hbm>> -> memref<1x1x4x125xi32, #tpu.memory_space<hbm>>
    %dma_start3A_81 = tpu.memref_squeeze %dma_start3A_80 : memref<1x1x4x125xi32, #tpu.memory_space<hbm>> -> memref<4x125xi32, #tpu.memory_space<hbm>>
    tpu.enqueue_dma source(%dma_start3A_81 : memref<4x125xi32, #tpu.memory_space<hbm>>) target(%dma_start3A_77 : memref<4x125xi32, #tpu.memory_space<vmem>>) target_semaphore(%arg13 : memref<!tpu.dma_semaphore, #tpu.memory_space<semaphore_mem>>)
    %scan3A = arith.constant 0 : i32
    %scan3A_82 = arith.constant 0 : i32
    %scan3A_83 = arith.constant 960 : i32
    %scan3A_84 = arith.addi %scan3A_82, %scan3A_83 : i32
    %scan3A_85 = arith.constant 1 : i32
    scf.for %scan3A_195 = %scan3A_82 to %scan3A_84 step %scan3A_85  : i32 {
      %broadcast_in_dim3A = arith.constant 0.000000e+00 : f32
      %broadcast_in_dim3A_196 = vector.broadcast %broadcast_in_dim3A : f32 to vector<16xf32>
      %jit3A = arith.constant 8 : i32
      %div3A = arith.divsi %scan3A_195, %jit3A : i32
      %sign3A = arith.constant 0 : i32
      %sign3A_197 = arith.cmpi sgt, %scan3A_195, %sign3A : i32
      %sign3A_198 = arith.extui %sign3A_197 : i1 to i32
      %sign3A_199 = arith.constant 0 : i32
      %sign3A_200 = arith.cmpi slt, %scan3A_195, %sign3A_199 : i32
      %sign3A_201 = arith.extui %sign3A_200 : i1 to i32
      %sign3A_202 = arith.subi %sign3A_198, %sign3A_201 : i32
      %sign3A_203 = arith.constant 0 : i32
      %sign3A_204 = arith.cmpi sgt, %jit3A, %sign3A_203 : i32
      %sign3A_205 = arith.extui %sign3A_204 : i1 to i32
      %sign3A_206 = arith.constant 0 : i32
      %sign3A_207 = arith.cmpi slt, %jit3A, %sign3A_206 : i32
      %sign3A_208 = arith.extui %sign3A_207 : i1 to i32
      %sign3A_209 = arith.subi %sign3A_205, %sign3A_208 : i32
      %ne3A = arith.cmpi ne, %sign3A_202, %sign3A_209 : i32
      %rem3A = arith.remsi %scan3A_195, %jit3A : i32
      %ne3A_210 = arith.constant 0 : i32
      %ne3A_211 = arith.cmpi ne, %rem3A, %ne3A_210 : i32
      %and3A = arith.andi %ne3A, %ne3A_211 : i1
      %sub3A = arith.constant 1 : i32
      %sub3A_212 = arith.subi %div3A, %sub3A : i32
      %select_n3A = arith.select %and3A, %sub3A_212, %div3A : i32
      %jit3A_213 = arith.constant 8 : i32
      %eq3A_214 = arith.constant 0 : i32
      %eq3A_215 = arith.cmpi eq, %jit3A_213, %eq3A_214 : i32
      %jit3A_216 = arith.constant 1 : i32
      %select_n3A_217 = arith.select %eq3A_215, %jit3A_216, %jit3A_213 : i32
      %rem3A_218 = arith.remsi %scan3A_195, %select_n3A_217 : i32
      %ne3A_219 = arith.constant 0 : i32
      %ne3A_220 = arith.cmpi ne, %rem3A_218, %ne3A_219 : i32
      %lt3A = arith.constant 0 : i32
      %lt3A_221 = arith.cmpi slt, %rem3A_218, %lt3A : i32
      %lt3A_222 = arith.constant 0 : i32
      %lt3A_223 = arith.cmpi slt, %select_n3A_217, %lt3A_222 : i32
      %ne3A_224 = arith.xori %lt3A_221, %lt3A_223 : i1
      %and3A_225 = arith.andi %ne3A_224, %ne3A_220 : i1
      %add3A_226 = arith.addi %rem3A_218, %select_n3A_217 : i32
      %select_n3A_227 = arith.select %and3A_225, %add3A_226, %rem3A_218 : i32
      %mul3A_228 = arith.constant 16 : i32
      %mul3A_229 = arith.muli %select_n3A_227, %mul3A_228 : i32
      %swap3A = arith.constant 0 : i32
      %swap3A_230 = arith.index_cast %swap3A : i32 to index
      %swap3A_231 = arith.index_cast %select_n3A : i32 to index
      %swap3A_232 = arith.index_cast %mul3A_229 : i32 to index
      %swap3A_233 = tpu.vector_load %arg8[%swap3A_230, %swap3A_231, %swap3A_232] {strides = array<i32>} : memref<2x125x128xf32, #tpu.memory_space<vmem>>, vector<1x1x16xf32>,
      %swap3A_234 = vector.shape_cast %swap3A_233 : vector<1x1x16xf32> to vector<16xf32>
      %swap3A_235 = vector.shape_cast %broadcast_in_dim3A_196 : vector<16xf32> to vector<1x1x16xf32>
      tpu.vector_store %arg8[%swap3A_230, %swap3A_231, %swap3A_232], %swap3A_235 {strides = array<i32>} : memref<2x125x128xf32, #tpu.memory_space<vmem>>, vector<1x1x16xf32>,
    }
    %scan3A_86 = arith.constant 960 : i32
    %mul3A_87 = arith.constant 632 : i32
    %mul3A_88 = arith.muli %arg1, %mul3A_87 : i32
    %add3A_89 = arith.constant 0 : i32
    %add3A_90 = arith.addi %mul3A_88, %add3A_89 : i32
    %run_scoped3A = arith.constant 0 : i32
    "tpu.region"() ({
      %run_scoped3A_195 = tpu.sem_alloc : memref<!tpu.dma_semaphore, #tpu.memory_space<semaphore_mem>>
      %dma_start3A_196 = arith.constant 0 : i32
      %dma_start3A_197 = arith.constant 0 : i32
      %dma_start3A_198 = tpu.memref_slice %arg8[%run_scoped3A, %dma_start3A_196, %dma_start3A_197] : memref<2x125x128xf32, #tpu.memory_space<vmem>> -> memref<1x120x128xf32, #tpu.memory_space<vmem>>
      %dma_start3A_199 = tpu.memref_squeeze %dma_start3A_198 : memref<1x120x128xf32, #tpu.memory_space<vmem>> -> memref<120x128xf32, #tpu.memory_space<vmem>>
      %dma_start3A_200 = arith.constant 0 : i32
      %dma_start3A_201 = tpu.memref_slice %arg9[%add3A_90, %dma_start3A_200] : memref<10112x128xf32, #tpu.memory_space<vmem_shared>> -> memref<120x128xf32, #tpu.memory_space<vmem_shared>>
      %dma_start3A_202 = arith.constant 0 : i32
      %dma_start3A_203 = tpu.memref_slice %arg9[%add3A_90, %dma_start3A_202] : memref<10112x128xf32, #tpu.memory_space<vmem_shared>> -> memref<120x128xf32, #tpu.memory_space<vmem_shared>>
      %dma_start3A_204 = arith.constant 0 : i32
      %dma_start3A_205 = arith.constant 0 : i32
      %dma_start3A_206 = tpu.memref_slice %arg8[%run_scoped3A, %dma_start3A_204, %dma_start3A_205] : memref<2x125x128xf32, #tpu.memory_space<vmem>> -> memref<1x120x128xf32, #tpu.memory_space<vmem>>
      %dma_start3A_207 = tpu.memref_squeeze %dma_start3A_206 : memref<1x120x128xf32, #tpu.memory_space<vmem>> -> memref<120x128xf32, #tpu.memory_space<vmem>>
      tpu.enqueue_dma source(%dma_start3A_207 : memref<120x128xf32, #tpu.memory_space<vmem>>) target(%dma_start3A_203 : memref<120x128xf32, #tpu.memory_space<vmem_shared>>) target_semaphore(%run_scoped3A_195 : memref<!tpu.dma_semaphore, #tpu.memory_space<semaphore_mem>>)
      %dma_wait3A_208 = arith.constant 0 : i32
      %dma_wait3A_209 = arith.constant 0 : i32
      %dma_wait3A_210 = tpu.memref_slice %arg8[%run_scoped3A, %dma_wait3A_208, %dma_wait3A_209] : memref<2x125x128xf32, #tpu.memory_space<vmem>> -> memref<1x120x128xf32, #tpu.memory_space<vmem>>
      %dma_wait3A_211 = tpu.memref_squeeze %dma_wait3A_210 : memref<1x120x128xf32, #tpu.memory_space<vmem>> -> memref<120x128xf32, #tpu.memory_space<vmem>>
      %dma_wait3A_212 = arith.constant 0 : i32
      %dma_wait3A_213 = tpu.memref_slice %arg9[%add3A_90, %dma_wait3A_212] : memref<10112x128xf32, #tpu.memory_space<vmem_shared>> -> memref<120x128xf32, #tpu.memory_space<vmem_shared>>
      %dma_wait3A_214 = arith.constant 0 : i32
      %dma_wait3A_215 = tpu.memref_slice %arg9[%add3A_90, %dma_wait3A_214] : memref<10112x128xf32, #tpu.memory_space<vmem_shared>> -> memref<120x128xf32, #tpu.memory_space<vmem_shared>>
      %dma_wait3A_216 = arith.constant 0 : i32
      %dma_wait3A_217 = arith.constant 0 : i32
      %dma_wait3A_218 = tpu.memref_slice %arg8[%run_scoped3A, %dma_wait3A_216, %dma_wait3A_217] : memref<2x125x128xf32, #tpu.memory_space<vmem>> -> memref<1x120x128xf32, #tpu.memory_space<vmem>>
      %dma_wait3A_219 = tpu.memref_squeeze %dma_wait3A_218 : memref<1x120x128xf32, #tpu.memory_space<vmem>> -> memref<120x128xf32, #tpu.memory_space<vmem>>
      tpu.wait_dma2 semaphore(%run_scoped3A_195 : memref<!tpu.dma_semaphore, #tpu.memory_space<semaphore_mem>>) src(%dma_wait3A_219 : memref<120x128xf32, #tpu.memory_space<vmem>>) dst(%dma_wait3A_215 : memref<120x128xf32, #tpu.memory_space<vmem_shared>>)
      tpu.yield
    }) : () -> ()
    %mul3A_91 = arith.constant 632 : i32
    %mul3A_92 = arith.muli %arg1, %mul3A_91 : i32
    %add3A_93 = arith.constant 120 : i32
    %add3A_94 = arith.addi %mul3A_92, %add3A_93 : i32
    %run_scoped3A_95 = arith.constant 0 : i32
    "tpu.region"() ({
      %run_scoped3A_195 = tpu.sem_alloc : memref<!tpu.dma_semaphore, #tpu.memory_space<semaphore_mem>>
      %dma_start3A_196 = arith.constant 0 : i32
      %dma_start3A_197 = arith.constant 0 : i32
      %dma_start3A_198 = tpu.memref_slice %arg8[%run_scoped3A_95, %dma_start3A_196, %dma_start3A_197] : memref<2x125x128xf32, #tpu.memory_space<vmem>> -> memref<1x120x128xf32, #tpu.memory_space<vmem>>
      %dma_start3A_199 = tpu.memref_squeeze %dma_start3A_198 : memref<1x120x128xf32, #tpu.memory_space<vmem>> -> memref<120x128xf32, #tpu.memory_space<vmem>>
      %dma_start3A_200 = arith.constant 0 : i32
      %dma_start3A_201 = tpu.memref_slice %arg9[%add3A_94, %dma_start3A_200] : memref<10112x128xf32, #tpu.memory_space<vmem_shared>> -> memref<120x128xf32, #tpu.memory_space<vmem_shared>>
      %dma_start3A_202 = arith.constant 0 : i32
      %dma_start3A_203 = tpu.memref_slice %arg9[%add3A_94, %dma_start3A_202] : memref<10112x128xf32, #tpu.memory_space<vmem_shared>> -> memref<120x128xf32, #tpu.memory_space<vmem_shared>>
      %dma_start3A_204 = arith.constant 0 : i32
      %dma_start3A_205 = arith.constant 0 : i32
      %dma_start3A_206 = tpu.memref_slice %arg8[%run_scoped3A_95, %dma_start3A_204, %dma_start3A_205] : memref<2x125x128xf32, #tpu.memory_space<vmem>> -> memref<1x120x128xf32, #tpu.memory_space<vmem>>
      %dma_start3A_207 = tpu.memref_squeeze %dma_start3A_206 : memref<1x120x128xf32, #tpu.memory_space<vmem>> -> memref<120x128xf32, #tpu.memory_space<vmem>>
      tpu.enqueue_dma source(%dma_start3A_207 : memref<120x128xf32, #tpu.memory_space<vmem>>) target(%dma_start3A_203 : memref<120x128xf32, #tpu.memory_space<vmem_shared>>) target_semaphore(%run_scoped3A_195 : memref<!tpu.dma_semaphore, #tpu.memory_space<semaphore_mem>>)
      %dma_wait3A_208 = arith.constant 0 : i32
      %dma_wait3A_209 = arith.constant 0 : i32
      %dma_wait3A_210 = tpu.memref_slice %arg8[%run_scoped3A_95, %dma_wait3A_208, %dma_wait3A_209] : memref<2x125x128xf32, #tpu.memory_space<vmem>> -> memref<1x120x128xf32, #tpu.memory_space<vmem>>
      %dma_wait3A_211 = tpu.memref_squeeze %dma_wait3A_210 : memref<1x120x128xf32, #tpu.memory_space<vmem>> -> memref<120x128xf32, #tpu.memory_space<vmem>>
      %dma_wait3A_212 = arith.constant 0 : i32
      %dma_wait3A_213 = tpu.memref_slice %arg9[%add3A_94, %dma_wait3A_212] : memref<10112x128xf32, #tpu.memory_space<vmem_shared>> -> memref<120x128xf32, #tpu.memory_space<vmem_shared>>
      %dma_wait3A_214 = arith.constant 0 : i32
      %dma_wait3A_215 = tpu.memref_slice %arg9[%add3A_94, %dma_wait3A_214] : memref<10112x128xf32, #tpu.memory_space<vmem_shared>> -> memref<120x128xf32, #tpu.memory_space<vmem_shared>>
      %dma_wait3A_216 = arith.constant 0 : i32
      %dma_wait3A_217 = arith.constant 0 : i32
      %dma_wait3A_218 = tpu.memref_slice %arg8[%run_scoped3A_95, %dma_wait3A_216, %dma_wait3A_217] : memref<2x125x128xf32, #tpu.memory_space<vmem>> -> memref<1x120x128xf32, #tpu.memory_space<vmem>>
      %dma_wait3A_219 = tpu.memref_squeeze %dma_wait3A_218 : memref<1x120x128xf32, #tpu.memory_space<vmem>> -> memref<120x128xf32, #tpu.memory_space<vmem>>
      tpu.wait_dma2 semaphore(%run_scoped3A_195 : memref<!tpu.dma_semaphore, #tpu.memory_space<semaphore_mem>>) src(%dma_wait3A_219 : memref<120x128xf32, #tpu.memory_space<vmem>>) dst(%dma_wait3A_215 : memref<120x128xf32, #tpu.memory_space<vmem_shared>>)
      tpu.yield
    }) : () -> ()
    %mul3A_96 = arith.constant 632 : i32
    %mul3A_97 = arith.muli %arg1, %mul3A_96 : i32
    %add3A_98 = arith.constant 240 : i32
    %add3A_99 = arith.addi %mul3A_97, %add3A_98 : i32
    %run_scoped3A_100 = arith.constant 0 : i32
    "tpu.region"() ({
      %run_scoped3A_195 = tpu.sem_alloc : memref<!tpu.dma_semaphore, #tpu.memory_space<semaphore_mem>>
      %dma_start3A_196 = arith.constant 0 : i32
      %dma_start3A_197 = arith.constant 0 : i32
      %dma_start3A_198 = tpu.memref_slice %arg8[%run_scoped3A_100, %dma_start3A_196, %dma_start3A_197] : memref<2x125x128xf32, #tpu.memory_space<vmem>> -> memref<1x120x128xf32, #tpu.memory_space<vmem>>
      %dma_start3A_199 = tpu.memref_squeeze %dma_start3A_198 : memref<1x120x128xf32, #tpu.memory_space<vmem>> -> memref<120x128xf32, #tpu.memory_space<vmem>>
      %dma_start3A_200 = arith.constant 0 : i32
      %dma_start3A_201 = tpu.memref_slice %arg9[%add3A_99, %dma_start3A_200] : memref<10112x128xf32, #tpu.memory_space<vmem_shared>> -> memref<120x128xf32, #tpu.memory_space<vmem_shared>>
      %dma_start3A_202 = arith.constant 0 : i32
      %dma_start3A_203 = tpu.memref_slice %arg9[%add3A_99, %dma_start3A_202] : memref<10112x128xf32, #tpu.memory_space<vmem_shared>> -> memref<120x128xf32, #tpu.memory_space<vmem_shared>>
      %dma_start3A_204 = arith.constant 0 : i32
      %dma_start3A_205 = arith.constant 0 : i32
      %dma_start3A_206 = tpu.memref_slice %arg8[%run_scoped3A_100, %dma_start3A_204, %dma_start3A_205] : memref<2x125x128xf32, #tpu.memory_space<vmem>> -> memref<1x120x128xf32, #tpu.memory_space<vmem>>
      %dma_start3A_207 = tpu.memref_squeeze %dma_start3A_206 : memref<1x120x128xf32, #tpu.memory_space<vmem>> -> memref<120x128xf32, #tpu.memory_space<vmem>>
      tpu.enqueue_dma source(%dma_start3A_207 : memref<120x128xf32, #tpu.memory_space<vmem>>) target(%dma_start3A_203 : memref<120x128xf32, #tpu.memory_space<vmem_shared>>) target_semaphore(%run_scoped3A_195 : memref<!tpu.dma_semaphore, #tpu.memory_space<semaphore_mem>>)
      %dma_wait3A_208 = arith.constant 0 : i32
      %dma_wait3A_209 = arith.constant 0 : i32
      %dma_wait3A_210 = tpu.memref_slice %arg8[%run_scoped3A_100, %dma_wait3A_208, %dma_wait3A_209] : memref<2x125x128xf32, #tpu.memory_space<vmem>> -> memref<1x120x128xf32, #tpu.memory_space<vmem>>
      %dma_wait3A_211 = tpu.memref_squeeze %dma_wait3A_210 : memref<1x120x128xf32, #tpu.memory_space<vmem>> -> memref<120x128xf32, #tpu.memory_space<vmem>>
      %dma_wait3A_212 = arith.constant 0 : i32
      %dma_wait3A_213 = tpu.memref_slice %arg9[%add3A_99, %dma_wait3A_212] : memref<10112x128xf32, #tpu.memory_space<vmem_shared>> -> memref<120x128xf32, #tpu.memory_space<vmem_shared>>
      %dma_wait3A_214 = arith.constant 0 : i32
      %dma_wait3A_215 = tpu.memref_slice %arg9[%add3A_99, %dma_wait3A_214] : memref<10112x128xf32, #tpu.memory_space<vmem_shared>> -> memref<120x128xf32, #tpu.memory_space<vmem_shared>>
      %dma_wait3A_216 = arith.constant 0 : i32
      %dma_wait3A_217 = arith.constant 0 : i32
      %dma_wait3A_218 = tpu.memref_slice %arg8[%run_scoped3A_100, %dma_wait3A_216, %dma_wait3A_217] : memref<2x125x128xf32, #tpu.memory_space<vmem>> -> memref<1x120x128xf32, #tpu.memory_space<vmem>>
      %dma_wait3A_219 = tpu.memref_squeeze %dma_wait3A_218 : memref<1x120x128xf32, #tpu.memory_space<vmem>> -> memref<120x128xf32, #tpu.memory_space<vmem>>
      tpu.wait_dma2 semaphore(%run_scoped3A_195 : memref<!tpu.dma_semaphore, #tpu.memory_space<semaphore_mem>>) src(%dma_wait3A_219 : memref<120x128xf32, #tpu.memory_space<vmem>>) dst(%dma_wait3A_215 : memref<120x128xf32, #tpu.memory_space<vmem_shared>>)
      tpu.yield
    }) : () -> ()
    %mul3A_101 = arith.constant 632 : i32
    %mul3A_102 = arith.muli %arg1, %mul3A_101 : i32
    %add3A_103 = arith.constant 360 : i32
    %add3A_104 = arith.addi %mul3A_102, %add3A_103 : i32
    %run_scoped3A_105 = arith.constant 0 : i32
    "tpu.region"() ({
      %run_scoped3A_195 = tpu.sem_alloc : memref<!tpu.dma_semaphore, #tpu.memory_space<semaphore_mem>>
      %dma_start3A_196 = arith.constant 0 : i32
      %dma_start3A_197 = arith.constant 0 : i32
      %dma_start3A_198 = tpu.memref_slice %arg8[%run_scoped3A_105, %dma_start3A_196, %dma_start3A_197] : memref<2x125x128xf32, #tpu.memory_space<vmem>> -> memref<1x120x128xf32, #tpu.memory_space<vmem>>
      %dma_start3A_199 = tpu.memref_squeeze %dma_start3A_198 : memref<1x120x128xf32, #tpu.memory_space<vmem>> -> memref<120x128xf32, #tpu.memory_space<vmem>>
      %dma_start3A_200 = arith.constant 0 : i32
      %dma_start3A_201 = tpu.memref_slice %arg9[%add3A_104, %dma_start3A_200] : memref<10112x128xf32, #tpu.memory_space<vmem_shared>> -> memref<120x128xf32, #tpu.memory_space<vmem_shared>>
      %dma_start3A_202 = arith.constant 0 : i32
      %dma_start3A_203 = tpu.memref_slice %arg9[%add3A_104, %dma_start3A_202] : memref<10112x128xf32, #tpu.memory_space<vmem_shared>> -> memref<120x128xf32, #tpu.memory_space<vmem_shared>>
      %dma_start3A_204 = arith.constant 0 : i32
      %dma_start3A_205 = arith.constant 0 : i32
      %dma_start3A_206 = tpu.memref_slice %arg8[%run_scoped3A_105, %dma_start3A_204, %dma_start3A_205] : memref<2x125x128xf32, #tpu.memory_space<vmem>> -> memref<1x120x128xf32, #tpu.memory_space<vmem>>
      %dma_start3A_207 = tpu.memref_squeeze %dma_start3A_206 : memref<1x120x128xf32, #tpu.memory_space<vmem>> -> memref<120x128xf32, #tpu.memory_space<vmem>>
      tpu.enqueue_dma source(%dma_start3A_207 : memref<120x128xf32, #tpu.memory_space<vmem>>) target(%dma_start3A_203 : memref<120x128xf32, #tpu.memory_space<vmem_shared>>) target_semaphore(%run_scoped3A_195 : memref<!tpu.dma_semaphore, #tpu.memory_space<semaphore_mem>>)
      %dma_wait3A_208 = arith.constant 0 : i32
      %dma_wait3A_209 = arith.constant 0 : i32
      %dma_wait3A_210 = tpu.memref_slice %arg8[%run_scoped3A_105, %dma_wait3A_208, %dma_wait3A_209] : memref<2x125x128xf32, #tpu.memory_space<vmem>> -> memref<1x120x128xf32, #tpu.memory_space<vmem>>
      %dma_wait3A_211 = tpu.memref_squeeze %dma_wait3A_210 : memref<1x120x128xf32, #tpu.memory_space<vmem>> -> memref<120x128xf32, #tpu.memory_space<vmem>>
      %dma_wait3A_212 = arith.constant 0 : i32
      %dma_wait3A_213 = tpu.memref_slice %arg9[%add3A_104, %dma_wait3A_212] : memref<10112x128xf32, #tpu.memory_space<vmem_shared>> -> memref<120x128xf32, #tpu.memory_space<vmem_shared>>
      %dma_wait3A_214 = arith.constant 0 : i32
      %dma_wait3A_215 = tpu.memref_slice %arg9[%add3A_104, %dma_wait3A_214] : memref<10112x128xf32, #tpu.memory_space<vmem_shared>> -> memref<120x128xf32, #tpu.memory_space<vmem_shared>>
      %dma_wait3A_216 = arith.constant 0 : i32
      %dma_wait3A_217 = arith.constant 0 : i32
      %dma_wait3A_218 = tpu.memref_slice %arg8[%run_scoped3A_105, %dma_wait3A_216, %dma_wait3A_217] : memref<2x125x128xf32, #tpu.memory_space<vmem>> -> memref<1x120x128xf32, #tpu.memory_space<vmem>>
      %dma_wait3A_219 = tpu.memref_squeeze %dma_wait3A_218 : memref<1x120x128xf32, #tpu.memory_space<vmem>> -> memref<120x128xf32, #tpu.memory_space<vmem>>
      tpu.wait_dma2 semaphore(%run_scoped3A_195 : memref<!tpu.dma_semaphore, #tpu.memory_space<semaphore_mem>>) src(%dma_wait3A_219 : memref<120x128xf32, #tpu.memory_space<vmem>>) dst(%dma_wait3A_215 : memref<120x128xf32, #tpu.memory_space<vmem_shared>>)
      tpu.yield
    }) : () -> ()
    %mul3A_106 = arith.constant 632 : i32
    %mul3A_107 = arith.muli %arg1, %mul3A_106 : i32
    %add3A_108 = arith.constant 480 : i32
    %add3A_109 = arith.addi %mul3A_107, %add3A_108 : i32
    %run_scoped3A_110 = arith.constant 0 : i32
    "tpu.region"() ({
      %run_scoped3A_195 = tpu.sem_alloc : memref<!tpu.dma_semaphore, #tpu.memory_space<semaphore_mem>>
      %dma_start3A_196 = arith.constant 0 : i32
      %dma_start3A_197 = arith.constant 0 : i32
      %dma_start3A_198 = tpu.memref_slice %arg8[%run_scoped3A_110, %dma_start3A_196, %dma_start3A_197] : memref<2x125x128xf32, #tpu.memory_space<vmem>> -> memref<1x120x128xf32, #tpu.memory_space<vmem>>
      %dma_start3A_199 = tpu.memref_squeeze %dma_start3A_198 : memref<1x120x128xf32, #tpu.memory_space<vmem>> -> memref<120x128xf32, #tpu.memory_space<vmem>>
      %dma_start3A_200 = arith.constant 0 : i32
      %dma_start3A_201 = tpu.memref_slice %arg9[%add3A_109, %dma_start3A_200] : memref<10112x128xf32, #tpu.memory_space<vmem_shared>> -> memref<120x128xf32, #tpu.memory_space<vmem_shared>>
      %dma_start3A_202 = arith.constant 0 : i32
      %dma_start3A_203 = tpu.memref_slice %arg9[%add3A_109, %dma_start3A_202] : memref<10112x128xf32, #tpu.memory_space<vmem_shared>> -> memref<120x128xf32, #tpu.memory_space<vmem_shared>>
      %dma_start3A_204 = arith.constant 0 : i32
      %dma_start3A_205 = arith.constant 0 : i32
      %dma_start3A_206 = tpu.memref_slice %arg8[%run_scoped3A_110, %dma_start3A_204, %dma_start3A_205] : memref<2x125x128xf32, #tpu.memory_space<vmem>> -> memref<1x120x128xf32, #tpu.memory_space<vmem>>
      %dma_start3A_207 = tpu.memref_squeeze %dma_start3A_206 : memref<1x120x128xf32, #tpu.memory_space<vmem>> -> memref<120x128xf32, #tpu.memory_space<vmem>>
      tpu.enqueue_dma source(%dma_start3A_207 : memref<120x128xf32, #tpu.memory_space<vmem>>) target(%dma_start3A_203 : memref<120x128xf32, #tpu.memory_space<vmem_shared>>) target_semaphore(%run_scoped3A_195 : memref<!tpu.dma_semaphore, #tpu.memory_space<semaphore_mem>>)
      %dma_wait3A_208 = arith.constant 0 : i32
      %dma_wait3A_209 = arith.constant 0 : i32
      %dma_wait3A_210 = tpu.memref_slice %arg8[%run_scoped3A_110, %dma_wait3A_208, %dma_wait3A_209] : memref<2x125x128xf32, #tpu.memory_space<vmem>> -> memref<1x120x128xf32, #tpu.memory_space<vmem>>
      %dma_wait3A_211 = tpu.memref_squeeze %dma_wait3A_210 : memref<1x120x128xf32, #tpu.memory_space<vmem>> -> memref<120x128xf32, #tpu.memory_space<vmem>>
      %dma_wait3A_212 = arith.constant 0 : i32
      %dma_wait3A_213 = tpu.memref_slice %arg9[%add3A_109, %dma_wait3A_212] : memref<10112x128xf32, #tpu.memory_space<vmem_shared>> -> memref<120x128xf32, #tpu.memory_space<vmem_shared>>
      %dma_wait3A_214 = arith.constant 0 : i32
      %dma_wait3A_215 = tpu.memref_slice %arg9[%add3A_109, %dma_wait3A_214] : memref<10112x128xf32, #tpu.memory_space<vmem_shared>> -> memref<120x128xf32, #tpu.memory_space<vmem_shared>>
      %dma_wait3A_216 = arith.constant 0 : i32
      %dma_wait3A_217 = arith.constant 0 : i32
      %dma_wait3A_218 = tpu.memref_slice %arg8[%run_scoped3A_110, %dma_wait3A_216, %dma_wait3A_217] : memref<2x125x128xf32, #tpu.memory_space<vmem>> -> memref<1x120x128xf32, #tpu.memory_space<vmem>>
      %dma_wait3A_219 = tpu.memref_squeeze %dma_wait3A_218 : memref<1x120x128xf32, #tpu.memory_space<vmem>> -> memref<120x128xf32, #tpu.memory_space<vmem>>
      tpu.wait_dma2 semaphore(%run_scoped3A_195 : memref<!tpu.dma_semaphore, #tpu.memory_space<semaphore_mem>>) src(%dma_wait3A_219 : memref<120x128xf32, #tpu.memory_space<vmem>>) dst(%dma_wait3A_215 : memref<120x128xf32, #tpu.memory_space<vmem_shared>>)
      tpu.yield
    }) : () -> ()
    %mul3A_111 = arith.constant 632 : i32
    %mul3A_112 = arith.muli %arg1, %mul3A_111 : i32
    %add3A_113 = arith.constant 600 : i32
    %add3A_114 = arith.addi %mul3A_112, %add3A_113 : i32
    %run_scoped3A_115 = arith.constant 0 : i32
    "tpu.region"() ({
      %run_scoped3A_195 = tpu.sem_alloc : memref<!tpu.dma_semaphore, #tpu.memory_space<semaphore_mem>>
      %dma_start3A_196 = arith.constant 0 : i32
      %dma_start3A_197 = arith.constant 0 : i32
      %dma_start3A_198 = tpu.memref_slice %arg8[%run_scoped3A_115, %dma_start3A_196, %dma_start3A_197] : memref<2x125x128xf32, #tpu.memory_space<vmem>> -> memref<1x32x128xf32, #tpu.memory_space<vmem>>
      %dma_start3A_199 = tpu.memref_squeeze %dma_start3A_198 : memref<1x32x128xf32, #tpu.memory_space<vmem>> -> memref<32x128xf32, #tpu.memory_space<vmem>>
      %dma_start3A_200 = arith.constant 0 : i32
      %dma_start3A_201 = tpu.memref_slice %arg9[%add3A_114, %dma_start3A_200] : memref<10112x128xf32, #tpu.memory_space<vmem_shared>> -> memref<32x128xf32, #tpu.memory_space<vmem_shared>>
      %dma_start3A_202 = arith.constant 0 : i32
      %dma_start3A_203 = tpu.memref_slice %arg9[%add3A_114, %dma_start3A_202] : memref<10112x128xf32, #tpu.memory_space<vmem_shared>> -> memref<32x128xf32, #tpu.memory_space<vmem_shared>>
      %dma_start3A_204 = arith.constant 0 : i32
      %dma_start3A_205 = arith.constant 0 : i32
      %dma_start3A_206 = tpu.memref_slice %arg8[%run_scoped3A_115, %dma_start3A_204, %dma_start3A_205] : memref<2x125x128xf32, #tpu.memory_space<vmem>> -> memref<1x32x128xf32, #tpu.memory_space<vmem>>
      %dma_start3A_207 = tpu.memref_squeeze %dma_start3A_206 : memref<1x32x128xf32, #tpu.memory_space<vmem>> -> memref<32x128xf32, #tpu.memory_space<vmem>>
      tpu.enqueue_dma source(%dma_start3A_207 : memref<32x128xf32, #tpu.memory_space<vmem>>) target(%dma_start3A_203 : memref<32x128xf32, #tpu.memory_space<vmem_shared>>) target_semaphore(%run_scoped3A_195 : memref<!tpu.dma_semaphore, #tpu.memory_space<semaphore_mem>>)
      %dma_wait3A_208 = arith.constant 0 : i32
      %dma_wait3A_209 = arith.constant 0 : i32
      %dma_wait3A_210 = tpu.memref_slice %arg8[%run_scoped3A_115, %dma_wait3A_208, %dma_wait3A_209] : memref<2x125x128xf32, #tpu.memory_space<vmem>> -> memref<1x32x128xf32, #tpu.memory_space<vmem>>
      %dma_wait3A_211 = tpu.memref_squeeze %dma_wait3A_210 : memref<1x32x128xf32, #tpu.memory_space<vmem>> -> memref<32x128xf32, #tpu.memory_space<vmem>>
      %dma_wait3A_212 = arith.constant 0 : i32
      %dma_wait3A_213 = tpu.memref_slice %arg9[%add3A_114, %dma_wait3A_212] : memref<10112x128xf32, #tpu.memory_space<vmem_shared>> -> memref<32x128xf32, #tpu.memory_space<vmem_shared>>
      %dma_wait3A_214 = arith.constant 0 : i32
      %dma_wait3A_215 = tpu.memref_slice %arg9[%add3A_114, %dma_wait3A_214] : memref<10112x128xf32, #tpu.memory_space<vmem_shared>> -> memref<32x128xf32, #tpu.memory_space<vmem_shared>>
      %dma_wait3A_216 = arith.constant 0 : i32
      %dma_wait3A_217 = arith.constant 0 : i32
      %dma_wait3A_218 = tpu.memref_slice %arg8[%run_scoped3A_115, %dma_wait3A_216, %dma_wait3A_217] : memref<2x125x128xf32, #tpu.memory_space<vmem>> -> memref<1x32x128xf32, #tpu.memory_space<vmem>>
      %dma_wait3A_219 = tpu.memref_squeeze %dma_wait3A_218 : memref<1x32x128xf32, #tpu.memory_space<vmem>> -> memref<32x128xf32, #tpu.memory_space<vmem>>
      tpu.wait_dma2 semaphore(%run_scoped3A_195 : memref<!tpu.dma_semaphore, #tpu.memory_space<semaphore_mem>>) src(%dma_wait3A_219 : memref<32x128xf32, #tpu.memory_space<vmem>>) dst(%dma_wait3A_215 : memref<32x128xf32, #tpu.memory_space<vmem_shared>>)
      tpu.yield
    }) : () -> ()
    %barrier3A = arith.constant 0 : index
    tpu.barrier barrier_id(%barrier3A)
    %add3A_116 = arith.constant 0 : i32
    %add3A_117 = arith.addi %mul3A_2, %add3A_116 : i32
    %dma_wait3A = arith.constant 0 : i32
    %dma_wait3A_118 = arith.constant 0 : i32
    %dma_wait3A_119 = arith.constant 0 : i32
    %dma_wait3A_120 = arith.constant 0 : i32
    %dma_wait3A_121 = tpu.memref_slice %arg6[%dma_wait3A_118, %dma_wait3A_119, %dma_wait3A_120] : memref<2x4x125xi32, #tpu.memory_space<vmem>> -> memref<1x4x125xi32, #tpu.memory_space<vmem>>
    %dma_wait3A_122 = tpu.memref_squeeze %dma_wait3A_121 : memref<1x4x125xi32, #tpu.memory_space<vmem>> -> memref<4x125xi32, #tpu.memory_space<vmem>>
    %dma_wait3A_123 = arith.constant 0 : i32
    %dma_wait3A_124 = arith.constant 0 : i32
    %dma_wait3A_125 = tpu.memref_slice %arg3[%dma_wait3A, %add3A_117, %dma_wait3A_123, %dma_wait3A_124] : memref<2x640x4x125xi32, #tpu.memory_space<hbm>> -> memref<1x1x4x125xi32, #tpu.memory_space<hbm>>
    %dma_wait3A_126 = tpu.memref_squeeze %dma_wait3A_125 : memref<1x1x4x125xi32, #tpu.memory_space<hbm>> -> memref<4x125xi32, #tpu.memory_space<hbm>>
    %dma_wait3A_127 = arith.constant 0 : i32
    %dma_wait3A_128 = arith.constant 0 : i32
    %dma_wait3A_129 = tpu.memref_slice %arg6[%dma_wait3A_118, %dma_wait3A_127, %dma_wait3A_128] : memref<2x4x125xi32, #tpu.memory_space<vmem>> -> memref<1x4x125xi32, #tpu.memory_space<vmem>>
    %dma_wait3A_130 = tpu.memref_squeeze %dma_wait3A_129 : memref<1x4x125xi32, #tpu.memory_space<vmem>> -> memref<4x125xi32, #tpu.memory_space<vmem>>
    %dma_wait3A_131 = arith.constant 0 : i32
    %dma_wait3A_132 = arith.constant 0 : i32
    %dma_wait3A_133 = tpu.memref_slice %arg3[%dma_wait3A, %add3A_117, %dma_wait3A_131, %dma_wait3A_132] : memref<2x640x4x125xi32, #tpu.memory_space<hbm>> -> memref<1x1x4x125xi32, #tpu.memory_space<hbm>>
    %dma_wait3A_134 = tpu.memref_squeeze %dma_wait3A_133 : memref<1x1x4x125xi32, #tpu.memory_space<hbm>> -> memref<4x125xi32, #tpu.memory_space<hbm>>
    tpu.wait_dma2 semaphore(%arg12 : memref<!tpu.dma_semaphore, #tpu.memory_space<semaphore_mem>>) src(%dma_wait3A_134 : memref<4x125xi32, #tpu.memory_space<hbm>>) dst(%dma_wait3A_130 : memref<4x125xi32, #tpu.memory_space<vmem>>)
    %add3A_135 = arith.constant 0 : i32
    %add3A_136 = arith.addi %mul3A_2, %add3A_135 : i32
    %dma_wait3A_137 = arith.constant 1 : i32
    %dma_wait3A_138 = arith.constant 0 : i32
    %dma_wait3A_139 = arith.constant 0 : i32
    %dma_wait3A_140 = arith.constant 0 : i32
    %dma_wait3A_141 = tpu.memref_slice %arg7[%dma_wait3A_138, %dma_wait3A_139, %dma_wait3A_140] : memref<2x4x125xi32, #tpu.memory_space<vmem>> -> memref<1x4x125xi32, #tpu.memory_space<vmem>>
    %dma_wait3A_142 = tpu.memref_squeeze %dma_wait3A_141 : memref<1x4x125xi32, #tpu.memory_space<vmem>> -> memref<4x125xi32, #tpu.memory_space<vmem>>
    %dma_wait3A_143 = arith.constant 0 : i32
    %dma_wait3A_144 = arith.constant 0 : i32
    %dma_wait3A_145 = tpu.memref_slice %arg3[%dma_wait3A_137, %add3A_136, %dma_wait3A_143, %dma_wait3A_144] : memref<2x640x4x125xi32, #tpu.memory_space<hbm>> -> memref<1x1x4x125xi32, #tpu.memory_space<hbm>>
    %dma_wait3A_146 = tpu.memref_squeeze %dma_wait3A_145 : memref<1x1x4x125xi32, #tpu.memory_space<hbm>> -> memref<4x125xi32, #tpu.memory_space<hbm>>
    %dma_wait3A_147 = arith.constant 0 : i32
    %dma_wait3A_148 = arith.constant 0 : i32
    %dma_wait3A_149 = tpu.memref_slice %arg7[%dma_wait3A_138, %dma_wait3A_147, %dma_wait3A_148] : memref<2x4x125xi32, #tpu.memory_space<vmem>> -> memref<1x4x125xi32, #tpu.memory_space<vmem>>
    %dma_wait3A_150 = tpu.memref_squeeze %dma_wait3A_149 : memref<1x4x125xi32, #tpu.memory_space<vmem>> -> memref<4x125xi32, #tpu.memory_space<vmem>>
    %dma_wait3A_151 = arith.constant 0 : i32
    %dma_wait3A_152 = arith.constant 0 : i32
    %dma_wait3A_153 = tpu.memref_slice %arg3[%dma_wait3A_137, %add3A_136, %dma_wait3A_151, %dma_wait3A_152] : memref<2x640x4x125xi32, #tpu.memory_space<hbm>> -> memref<1x1x4x125xi32, #tpu.memory_space<hbm>>
    %dma_wait3A_154 = tpu.memref_squeeze %dma_wait3A_153 : memref<1x1x4x125xi32, #tpu.memory_space<hbm>> -> memref<4x125xi32, #tpu.memory_space<hbm>>
    tpu.wait_dma2 semaphore(%arg12 : memref<!tpu.dma_semaphore, #tpu.memory_space<semaphore_mem>>) src(%dma_wait3A_154 : memref<4x125xi32, #tpu.memory_space<hbm>>) dst(%dma_wait3A_150 : memref<4x125xi32, #tpu.memory_space<vmem>>)
    %dma_start3A_155 = arith.constant 0 : i32
    %dma_start3A_156 = arith.constant 0 : i32
    %dma_start3A_157 = arith.constant 0 : i32
    %dma_start3A_158 = arith.constant 0 : i32
    %dma_start3A_159 = arith.constant 0 : i32
    %dma_start3A_160 = tpu.memref_slice %arg8[%dma_start3A_157, %dma_start3A_158, %dma_start3A_159] : memref<2x125x128xf32, #tpu.memory_space<vmem>> -> memref<1x125x128xf32, #tpu.memory_space<vmem>>
    %dma_start3A_161 = tpu.memref_squeeze %dma_start3A_160 : memref<1x125x128xf32, #tpu.memory_space<vmem>> -> memref<125x128xf32, #tpu.memory_space<vmem>>
    %dma_start3A_162 = arith.constant 0 : i32
    %dma_start3A_163 = tpu.memref_slice %arg6[%dma_start3A_155, %dma_start3A_156, %dma_start3A_162] : memref<2x4x125xi32, #tpu.memory_space<vmem>> -> memref<1x1x125xi32, #tpu.memory_space<vmem>>
    %dma_start3A_164 = tpu.memref_squeeze %dma_start3A_163 : memref<1x1x125xi32, #tpu.memory_space<vmem>> -> memref<125xi32, #tpu.memory_space<vmem>>
    %dma_start3A_165 = arith.constant 0 : i32
    %dma_start3A_166 = arith.constant 0 : i32
    %dma_start3A_167 = tpu.memref_slice %arg2[%dma_start3A_165, %dma_start3A_166] : memref<10000x128xf32, #tpu.memory_space<hbm>> -> memref<10000x128xf32, #tpu.memory_space<hbm>>
    tpu.enqueue_indirect_dma source(%dma_start3A_167 : memref<10000x128xf32, #tpu.memory_space<hbm>>) target(%dma_start3A_161 : memref<125x128xf32, #tpu.memory_space<vmem>>) offsets(%dma_start3A_164 : memref<125xi32, #tpu.memory_space<vmem>>) semaphore(%arg10 : memref<!tpu.dma_semaphore, #tpu.memory_space<semaphore_mem>>)
    %dma_start3A_168 = arith.constant 0 : i32
    %dma_start3A_169 = arith.constant 1 : i32
    %dma_start3A_170 = arith.constant 1 : i32
    %dma_start3A_171 = arith.constant 0 : i32
    %dma_start3A_172 = arith.constant 0 : i32
    %dma_start3A_173 = tpu.memref_slice %arg8[%dma_start3A_170, %dma_start3A_171, %dma_start3A_172] : memref<2x125x128xf32, #tpu.memory_space<vmem>> -> memref<1x125x128xf32, #tpu.memory_space<vmem>>
    %dma_start3A_174 = tpu.memref_squeeze %dma_start3A_173 : memref<1x125x128xf32, #tpu.memory_space<vmem>> -> memref<125x128xf32, #tpu.memory_space<vmem>>
    %dma_start3A_175 = arith.constant 0 : i32
    %dma_start3A_176 = tpu.memref_slice %arg6[%dma_start3A_168, %dma_start3A_169, %dma_start3A_175] : memref<2x4x125xi32, #tpu.memory_space<vmem>> -> memref<1x1x125xi32, #tpu.memory_space<vmem>>
    %dma_start3A_177 = tpu.memref_squeeze %dma_start3A_176 : memref<1x1x125xi32, #tpu.memory_space<vmem>> -> memref<125xi32, #tpu.memory_space<vmem>>
    %dma_start3A_178 = arith.constant 0 : i32
    %dma_start3A_179 = arith.constant 0 : i32
    %dma_start3A_180 = tpu.memref_slice %arg2[%dma_start3A_178, %dma_start3A_179] : memref<10000x128xf32, #tpu.memory_space<hbm>> -> memref<10000x128xf32, #tpu.memory_space<hbm>>
    tpu.enqueue_indirect_dma source(%dma_start3A_180 : memref<10000x128xf32, #tpu.memory_space<hbm>>) target(%dma_start3A_174 : memref<125x128xf32, #tpu.memory_space<vmem>>) offsets(%dma_start3A_177 : memref<125xi32, #tpu.memory_space<vmem>>) semaphore(%arg11 : memref<!tpu.dma_semaphore, #tpu.memory_space<semaphore_mem>>)
    %scan3A_181 = arith.constant 0 : i32
    %scan3A_182 = arith.constant 0 : i32
    %scan3A_183 = arith.constant 10 : i32
    %scan3A_184 = arith.addi %scan3A_182, %scan3A_183 : i32
    %scan3A_185 = arith.constant 1 : i32
    scf.for %scan3A_195 = %scan3A_182 to %scan3A_184 step %scan3A_185  : i32 {
      %mul3A_196 = arith.constant 2 : i32
      %mul3A_197 = arith.muli %mul3A_196, %scan3A_195 : i32
      %add3A_198 = arith.constant 0 : i32
      %add3A_199 = arith.addi %mul3A_197, %add3A_198 : i32
      %dma_wait3A_200 = arith.constant 0 : i32
      %dma_wait3A_201 = arith.constant 0 : i32
      %dma_wait3A_202 = arith.constant 0 : i32
      %dma_wait3A_203 = arith.constant 0 : i32
      %dma_wait3A_204 = arith.constant 0 : i32
      %dma_wait3A_205 = tpu.memref_slice %arg8[%dma_wait3A_202, %dma_wait3A_203, %dma_wait3A_204] : memref<2x125x128xf32, #tpu.memory_space<vmem>> -> memref<1x125x128xf32, #tpu.memory_space<vmem>>
      %dma_wait3A_206 = tpu.memref_squeeze %dma_wait3A_205 : memref<1x125x128xf32, #tpu.memory_space<vmem>> -> memref<125x128xf32, #tpu.memory_space<vmem>>
      %dma_wait3A_207 = arith.constant 0 : i32
      %dma_wait3A_208 = tpu.memref_slice %arg6[%dma_wait3A_200, %dma_wait3A_201, %dma_wait3A_207] : memref<2x4x125xi32, #tpu.memory_space<vmem>> -> memref<1x1x125xi32, #tpu.memory_space<vmem>>
      %dma_wait3A_209 = tpu.memref_squeeze %dma_wait3A_208 : memref<1x1x125xi32, #tpu.memory_space<vmem>> -> memref<125xi32, #tpu.memory_space<vmem>>
      %dma_wait3A_210 = arith.constant 0 : i32
      %dma_wait3A_211 = arith.constant 0 : i32
      %dma_wait3A_212 = tpu.memref_slice %arg2[%dma_wait3A_210, %dma_wait3A_211] : memref<10000x128xf32, #tpu.memory_space<hbm>> -> memref<10000x128xf32, #tpu.memory_space<hbm>>
      tpu.wait_indirect_dma semaphore(%arg10 : memref<!tpu.dma_semaphore, #tpu.memory_space<semaphore_mem>>) src(%dma_wait3A_212 : memref<10000x128xf32, #tpu.memory_space<hbm>>) dst(%dma_wait3A_206 : memref<125x128xf32, #tpu.memory_space<vmem>>)
      %run_scoped3A_213 = arith.constant 0 : i32
      %run_scoped3A_214 = arith.constant 0 : i32
      %run_scoped3A_215 = arith.constant 0 : i32
      "tpu.region"() ({
        %run_scoped3A_425 = tpu.sem_alloc : memref<!tpu.dma_semaphore, #tpu.memory_space<semaphore_mem>>
        %dma_start3A_426 = arith.constant 0 : i32
        %dma_start3A_427 = arith.constant 0 : i32
        %dma_start3A_428 = tpu.memref_slice %arg8[%run_scoped3A_213, %dma_start3A_426, %dma_start3A_427] : memref<2x125x128xf32, #tpu.memory_space<vmem>> -> memref<1x125x128xf32, #tpu.memory_space<vmem>>
        %dma_start3A_429 = tpu.memref_squeeze %dma_start3A_428 : memref<1x125x128xf32, #tpu.memory_space<vmem>> -> memref<125x128xf32, #tpu.memory_space<vmem>>
        %dma_start3A_430 = arith.constant 0 : i32
        %dma_start3A_431 = tpu.memref_slice %arg7[%run_scoped3A_214, %run_scoped3A_215, %dma_start3A_430] : memref<2x4x125xi32, #tpu.memory_space<vmem>> -> memref<1x1x125xi32, #tpu.memory_space<vmem>>
        %dma_start3A_432 = tpu.memref_squeeze %dma_start3A_431 : memref<1x1x125xi32, #tpu.memory_space<vmem>> -> memref<125xi32, #tpu.memory_space<vmem>>
        %dma_start3A_433 = arith.constant 0 : i32
        %dma_start3A_434 = arith.constant 0 : i32
        %dma_start3A_435 = tpu.memref_slice %arg9[%dma_start3A_433, %dma_start3A_434] : memref<10112x128xf32, #tpu.memory_space<vmem_shared>> -> memref<10112x128xf32, #tpu.memory_space<vmem_shared>>
        tpu.enqueue_indirect_dma source(%dma_start3A_429 : memref<125x128xf32, #tpu.memory_space<vmem>>) target(%dma_start3A_435 : memref<10112x128xf32, #tpu.memory_space<vmem_shared>>) offsets(%dma_start3A_432 : memref<125xi32, #tpu.memory_space<vmem>>) semaphore(%run_scoped3A_425 : memref<!tpu.dma_semaphore, #tpu.memory_space<semaphore_mem>>) {add = true}
        %dma_wait3A_436 = arith.constant 0 : i32
        %dma_wait3A_437 = arith.constant 0 : i32
        %dma_wait3A_438 = tpu.memref_slice %arg8[%run_scoped3A_213, %dma_wait3A_436, %dma_wait3A_437] : memref<2x125x128xf32, #tpu.memory_space<vmem>> -> memref<1x125x128xf32, #tpu.memory_space<vmem>>
        %dma_wait3A_439 = tpu.memref_squeeze %dma_wait3A_438 : memref<1x125x128xf32, #tpu.memory_space<vmem>> -> memref<125x128xf32, #tpu.memory_space<vmem>>
        %dma_wait3A_440 = arith.constant 0 : i32
        %dma_wait3A_441 = tpu.memref_slice %arg7[%run_scoped3A_214, %run_scoped3A_215, %dma_wait3A_440] : memref<2x4x125xi32, #tpu.memory_space<vmem>> -> memref<1x1x125xi32, #tpu.memory_space<vmem>>
        %dma_wait3A_442 = tpu.memref_squeeze %dma_wait3A_441 : memref<1x1x125xi32, #tpu.memory_space<vmem>> -> memref<125xi32, #tpu.memory_space<vmem>>
        %dma_wait3A_443 = arith.constant 0 : i32
        %dma_wait3A_444 = arith.constant 0 : i32
        %dma_wait3A_445 = tpu.memref_slice %arg9[%dma_wait3A_443, %dma_wait3A_444] : memref<10112x128xf32, #tpu.memory_space<vmem_shared>> -> memref<10112x128xf32, #tpu.memory_space<vmem_shared>>
        tpu.wait_indirect_dma semaphore(%run_scoped3A_425 : memref<!tpu.dma_semaphore, #tpu.memory_space<semaphore_mem>>) src(%dma_wait3A_439 : memref<125x128xf32, #tpu.memory_space<vmem>>) dst(%dma_wait3A_445 : memref<10112x128xf32, #tpu.memory_space<vmem_shared>>)
        tpu.yield
      }) : () -> ()
      %dma_start3A_216 = arith.constant 0 : i32
      %dma_start3A_217 = arith.constant 2 : i32
      %dma_start3A_218 = arith.constant 0 : i32
      %dma_start3A_219 = arith.constant 0 : i32
      %dma_start3A_220 = arith.constant 0 : i32
      %dma_start3A_221 = tpu.memref_slice %arg8[%dma_start3A_218, %dma_start3A_219, %dma_start3A_220] : memref<2x125x128xf32, #tpu.memory_space<vmem>> -> memref<1x125x128xf32, #tpu.memory_space<vmem>>
      %dma_start3A_222 = tpu.memref_squeeze %dma_start3A_221 : memref<1x125x128xf32, #tpu.memory_space<vmem>> -> memref<125x128xf32, #tpu.memory_space<vmem>>
      %dma_start3A_223 = arith.constant 0 : i32
      %dma_start3A_224 = tpu.memref_slice %arg6[%dma_start3A_216, %dma_start3A_217, %dma_start3A_223] : memref<2x4x125xi32, #tpu.memory_space<vmem>> -> memref<1x1x125xi32, #tpu.memory_space<vmem>>
      %dma_start3A_225 = tpu.memref_squeeze %dma_start3A_224 : memref<1x1x125xi32, #tpu.memory_space<vmem>> -> memref<125xi32, #tpu.memory_space<vmem>>
      %dma_start3A_226 = arith.constant 0 : i32
      %dma_start3A_227 = arith.constant 0 : i32
      %dma_start3A_228 = tpu.memref_slice %arg2[%dma_start3A_226, %dma_start3A_227] : memref<10000x128xf32, #tpu.memory_space<hbm>> -> memref<10000x128xf32, #tpu.memory_space<hbm>>
      tpu.enqueue_indirect_dma source(%dma_start3A_228 : memref<10000x128xf32, #tpu.memory_space<hbm>>) target(%dma_start3A_222 : memref<125x128xf32, #tpu.memory_space<vmem>>) offsets(%dma_start3A_225 : memref<125xi32, #tpu.memory_space<vmem>>) semaphore(%arg10 : memref<!tpu.dma_semaphore, #tpu.memory_space<semaphore_mem>>)
      %dma_wait3A_229 = arith.constant 0 : i32
      %dma_wait3A_230 = arith.constant 1 : i32
      %dma_wait3A_231 = arith.constant 1 : i32
      %dma_wait3A_232 = arith.constant 0 : i32
      %dma_wait3A_233 = arith.constant 0 : i32
      %dma_wait3A_234 = tpu.memref_slice %arg8[%dma_wait3A_231, %dma_wait3A_232, %dma_wait3A_233] : memref<2x125x128xf32, #tpu.memory_space<vmem>> -> memref<1x125x128xf32, #tpu.memory_space<vmem>>
      %dma_wait3A_235 = tpu.memref_squeeze %dma_wait3A_234 : memref<1x125x128xf32, #tpu.memory_space<vmem>> -> memref<125x128xf32, #tpu.memory_space<vmem>>
      %dma_wait3A_236 = arith.constant 0 : i32
      %dma_wait3A_237 = tpu.memref_slice %arg6[%dma_wait3A_229, %dma_wait3A_230, %dma_wait3A_236] : memref<2x4x125xi32, #tpu.memory_space<vmem>> -> memref<1x1x125xi32, #tpu.memory_space<vmem>>
      %dma_wait3A_238 = tpu.memref_squeeze %dma_wait3A_237 : memref<1x1x125xi32, #tpu.memory_space<vmem>> -> memref<125xi32, #tpu.memory_space<vmem>>
      %dma_wait3A_239 = arith.constant 0 : i32
      %dma_wait3A_240 = arith.constant 0 : i32
      %dma_wait3A_241 = tpu.memref_slice %arg2[%dma_wait3A_239, %dma_wait3A_240] : memref<10000x128xf32, #tpu.memory_space<hbm>> -> memref<10000x128xf32, #tpu.memory_space<hbm>>
      tpu.wait_indirect_dma semaphore(%arg11 : memref<!tpu.dma_semaphore, #tpu.memory_space<semaphore_mem>>) src(%dma_wait3A_241 : memref<10000x128xf32, #tpu.memory_space<hbm>>) dst(%dma_wait3A_235 : memref<125x128xf32, #tpu.memory_space<vmem>>)
      %run_scoped3A_242 = arith.constant 1 : i32
      %run_scoped3A_243 = arith.constant 0 : i32
      %run_scoped3A_244 = arith.constant 1 : i32
      "tpu.region"() ({
        %run_scoped3A_425 = tpu.sem_alloc : memref<!tpu.dma_semaphore, #tpu.memory_space<semaphore_mem>>
        %dma_start3A_426 = arith.constant 0 : i32
        %dma_start3A_427 = arith.constant 0 : i32
        %dma_start3A_428 = tpu.memref_slice %arg8[%run_scoped3A_242, %dma_start3A_426, %dma_start3A_427] : memref<2x125x128xf32, #tpu.memory_space<vmem>> -> memref<1x125x128xf32, #tpu.memory_space<vmem>>
        %dma_start3A_429 = tpu.memref_squeeze %dma_start3A_428 : memref<1x125x128xf32, #tpu.memory_space<vmem>> -> memref<125x128xf32, #tpu.memory_space<vmem>>
        %dma_start3A_430 = arith.constant 0 : i32
        %dma_start3A_431 = tpu.memref_slice %arg7[%run_scoped3A_243, %run_scoped3A_244, %dma_start3A_430] : memref<2x4x125xi32, #tpu.memory_space<vmem>> -> memref<1x1x125xi32, #tpu.memory_space<vmem>>
        %dma_start3A_432 = tpu.memref_squeeze %dma_start3A_431 : memref<1x1x125xi32, #tpu.memory_space<vmem>> -> memref<125xi32, #tpu.memory_space<vmem>>
        %dma_start3A_433 = arith.constant 0 : i32
        %dma_start3A_434 = arith.constant 0 : i32
        %dma_start3A_435 = tpu.memref_slice %arg9[%dma_start3A_433, %dma_start3A_434] : memref<10112x128xf32, #tpu.memory_space<vmem_shared>> -> memref<10112x128xf32, #tpu.memory_space<vmem_shared>>
        tpu.enqueue_indirect_dma source(%dma_start3A_429 : memref<125x128xf32, #tpu.memory_space<vmem>>) target(%dma_start3A_435 : memref<10112x128xf32, #tpu.memory_space<vmem_shared>>) offsets(%dma_start3A_432 : memref<125xi32, #tpu.memory_space<vmem>>) semaphore(%run_scoped3A_425 : memref<!tpu.dma_semaphore, #tpu.memory_space<semaphore_mem>>) {add = true}
        %dma_wait3A_436 = arith.constant 0 : i32
        %dma_wait3A_437 = arith.constant 0 : i32
        %dma_wait3A_438 = tpu.memref_slice %arg8[%run_scoped3A_242, %dma_wait3A_436, %dma_wait3A_437] : memref<2x125x128xf32, #tpu.memory_space<vmem>> -> memref<1x125x128xf32, #tpu.memory_space<vmem>>
        %dma_wait3A_439 = tpu.memref_squeeze %dma_wait3A_438 : memref<1x125x128xf32, #tpu.memory_space<vmem>> -> memref<125x128xf32, #tpu.memory_space<vmem>>
        %dma_wait3A_440 = arith.constant 0 : i32
        %dma_wait3A_441 = tpu.memref_slice %arg7[%run_scoped3A_243, %run_scoped3A_244, %dma_wait3A_440] : memref<2x4x125xi32, #tpu.memory_space<vmem>> -> memref<1x1x125xi32, #tpu.memory_space<vmem>>
        %dma_wait3A_442 = tpu.memref_squeeze %dma_wait3A_441 : memref<1x1x125xi32, #tpu.memory_space<vmem>> -> memref<125xi32, #tpu.memory_space<vmem>>
        %dma_wait3A_443 = arith.constant 0 : i32
        %dma_wait3A_444 = arith.constant 0 : i32
        %dma_wait3A_445 = tpu.memref_slice %arg9[%dma_wait3A_443, %dma_wait3A_444] : memref<10112x128xf32, #tpu.memory_space<vmem_shared>> -> memref<10112x128xf32, #tpu.memory_space<vmem_shared>>
        tpu.wait_indirect_dma semaphore(%run_scoped3A_425 : memref<!tpu.dma_semaphore, #tpu.memory_space<semaphore_mem>>) src(%dma_wait3A_439 : memref<125x128xf32, #tpu.memory_space<vmem>>) dst(%dma_wait3A_445 : memref<10112x128xf32, #tpu.memory_space<vmem_shared>>)
        tpu.yield
      }) : () -> ()
      %dma_start3A_245 = arith.constant 0 : i32
      %dma_start3A_246 = arith.constant 3 : i32
      %dma_start3A_247 = arith.constant 1 : i32
      %dma_start3A_248 = arith.constant 0 : i32
      %dma_start3A_249 = arith.constant 0 : i32
      %dma_start3A_250 = tpu.memref_slice %arg8[%dma_start3A_247, %dma_start3A_248, %dma_start3A_249] : memref<2x125x128xf32, #tpu.memory_space<vmem>> -> memref<1x125x128xf32, #tpu.memory_space<vmem>>
      %dma_start3A_251 = tpu.memref_squeeze %dma_start3A_250 : memref<1x125x128xf32, #tpu.memory_space<vmem>> -> memref<125x128xf32, #tpu.memory_space<vmem>>
      %dma_start3A_252 = arith.constant 0 : i32
      %dma_start3A_253 = tpu.memref_slice %arg6[%dma_start3A_245, %dma_start3A_246, %dma_start3A_252] : memref<2x4x125xi32, #tpu.memory_space<vmem>> -> memref<1x1x125xi32, #tpu.memory_space<vmem>>
      %dma_start3A_254 = tpu.memref_squeeze %dma_start3A_253 : memref<1x1x125xi32, #tpu.memory_space<vmem>> -> memref<125xi32, #tpu.memory_space<vmem>>
      %dma_start3A_255 = arith.constant 0 : i32
      %dma_start3A_256 = arith.constant 0 : i32
      %dma_start3A_257 = tpu.memref_slice %arg2[%dma_start3A_255, %dma_start3A_256] : memref<10000x128xf32, #tpu.memory_space<hbm>> -> memref<10000x128xf32, #tpu.memory_space<hbm>>
      tpu.enqueue_indirect_dma source(%dma_start3A_257 : memref<10000x128xf32, #tpu.memory_space<hbm>>) target(%dma_start3A_251 : memref<125x128xf32, #tpu.memory_space<vmem>>) offsets(%dma_start3A_254 : memref<125xi32, #tpu.memory_space<vmem>>) semaphore(%arg11 : memref<!tpu.dma_semaphore, #tpu.memory_space<semaphore_mem>>)
      %dma_wait3A_258 = arith.constant 0 : i32
      %dma_wait3A_259 = arith.constant 2 : i32
      %dma_wait3A_260 = arith.constant 0 : i32
      %dma_wait3A_261 = arith.constant 0 : i32
      %dma_wait3A_262 = arith.constant 0 : i32
      %dma_wait3A_263 = tpu.memref_slice %arg8[%dma_wait3A_260, %dma_wait3A_261, %dma_wait3A_262] : memref<2x125x128xf32, #tpu.memory_space<vmem>> -> memref<1x125x128xf32, #tpu.memory_space<vmem>>
      %dma_wait3A_264 = tpu.memref_squeeze %dma_wait3A_263 : memref<1x125x128xf32, #tpu.memory_space<vmem>> -> memref<125x128xf32, #tpu.memory_space<vmem>>
      %dma_wait3A_265 = arith.constant 0 : i32
      %dma_wait3A_266 = tpu.memref_slice %arg6[%dma_wait3A_258, %dma_wait3A_259, %dma_wait3A_265] : memref<2x4x125xi32, #tpu.memory_space<vmem>> -> memref<1x1x125xi32, #tpu.memory_space<vmem>>
      %dma_wait3A_267 = tpu.memref_squeeze %dma_wait3A_266 : memref<1x1x125xi32, #tpu.memory_space<vmem>> -> memref<125xi32, #tpu.memory_space<vmem>>
      %dma_wait3A_268 = arith.constant 0 : i32
      %dma_wait3A_269 = arith.constant 0 : i32
      %dma_wait3A_270 = tpu.memref_slice %arg2[%dma_wait3A_268, %dma_wait3A_269] : memref<10000x128xf32, #tpu.memory_space<hbm>> -> memref<10000x128xf32, #tpu.memory_space<hbm>>
      tpu.wait_indirect_dma semaphore(%arg10 : memref<!tpu.dma_semaphore, #tpu.memory_space<semaphore_mem>>) src(%dma_wait3A_270 : memref<10000x128xf32, #tpu.memory_space<hbm>>) dst(%dma_wait3A_264 : memref<125x128xf32, #tpu.memory_space<vmem>>)
      %run_scoped3A_271 = arith.constant 0 : i32
      %run_scoped3A_272 = arith.constant 0 : i32
      %run_scoped3A_273 = arith.constant 2 : i32
      "tpu.region"() ({
        %run_scoped3A_425 = tpu.sem_alloc : memref<!tpu.dma_semaphore, #tpu.memory_space<semaphore_mem>>
        %dma_start3A_426 = arith.constant 0 : i32
        %dma_start3A_427 = arith.constant 0 : i32
        %dma_start3A_428 = tpu.memref_slice %arg8[%run_scoped3A_271, %dma_start3A_426, %dma_start3A_427] : memref<2x125x128xf32, #tpu.memory_space<vmem>> -> memref<1x125x128xf32, #tpu.memory_space<vmem>>
        %dma_start3A_429 = tpu.memref_squeeze %dma_start3A_428 : memref<1x125x128xf32, #tpu.memory_space<vmem>> -> memref<125x128xf32, #tpu.memory_space<vmem>>
        %dma_start3A_430 = arith.constant 0 : i32
        %dma_start3A_431 = tpu.memref_slice %arg7[%run_scoped3A_272, %run_scoped3A_273, %dma_start3A_430] : memref<2x4x125xi32, #tpu.memory_space<vmem>> -> memref<1x1x125xi32, #tpu.memory_space<vmem>>
        %dma_start3A_432 = tpu.memref_squeeze %dma_start3A_431 : memref<1x1x125xi32, #tpu.memory_space<vmem>> -> memref<125xi32, #tpu.memory_space<vmem>>
        %dma_start3A_433 = arith.constant 0 : i32
        %dma_start3A_434 = arith.constant 0 : i32
        %dma_start3A_435 = tpu.memref_slice %arg9[%dma_start3A_433, %dma_start3A_434] : memref<10112x128xf32, #tpu.memory_space<vmem_shared>> -> memref<10112x128xf32, #tpu.memory_space<vmem_shared>>
        tpu.enqueue_indirect_dma source(%dma_start3A_429 : memref<125x128xf32, #tpu.memory_space<vmem>>) target(%dma_start3A_435 : memref<10112x128xf32, #tpu.memory_space<vmem_shared>>) offsets(%dma_start3A_432 : memref<125xi32, #tpu.memory_space<vmem>>) semaphore(%run_scoped3A_425 : memref<!tpu.dma_semaphore, #tpu.memory_space<semaphore_mem>>) {add = true}
        %dma_wait3A_436 = arith.constant 0 : i32
        %dma_wait3A_437 = arith.constant 0 : i32
        %dma_wait3A_438 = tpu.memref_slice %arg8[%run_scoped3A_271, %dma_wait3A_436, %dma_wait3A_437] : memref<2x125x128xf32, #tpu.memory_space<vmem>> -> memref<1x125x128xf32, #tpu.memory_space<vmem>>
        %dma_wait3A_439 = tpu.memref_squeeze %dma_wait3A_438 : memref<1x125x128xf32, #tpu.memory_space<vmem>> -> memref<125x128xf32, #tpu.memory_space<vmem>>
        %dma_wait3A_440 = arith.constant 0 : i32
        %dma_wait3A_441 = tpu.memref_slice %arg7[%run_scoped3A_272, %run_scoped3A_273, %dma_wait3A_440] : memref<2x4x125xi32, #tpu.memory_space<vmem>> -> memref<1x1x125xi32, #tpu.memory_space<vmem>>
        %dma_wait3A_442 = tpu.memref_squeeze %dma_wait3A_441 : memref<1x1x125xi32, #tpu.memory_space<vmem>> -> memref<125xi32, #tpu.memory_space<vmem>>
        %dma_wait3A_443 = arith.constant 0 : i32
        %dma_wait3A_444 = arith.constant 0 : i32
        %dma_wait3A_445 = tpu.memref_slice %arg9[%dma_wait3A_443, %dma_wait3A_444] : memref<10112x128xf32, #tpu.memory_space<vmem_shared>> -> memref<10112x128xf32, #tpu.memory_space<vmem_shared>>
        tpu.wait_indirect_dma semaphore(%run_scoped3A_425 : memref<!tpu.dma_semaphore, #tpu.memory_space<semaphore_mem>>) src(%dma_wait3A_439 : memref<125x128xf32, #tpu.memory_space<vmem>>) dst(%dma_wait3A_445 : memref<10112x128xf32, #tpu.memory_space<vmem_shared>>)
        tpu.yield
      }) : () -> ()
      %add3A_274 = arith.constant 1 : i32
      %add3A_275 = arith.addi %add3A_199, %add3A_274 : i32
      %lt3A = arith.constant 20 : i32
      %lt3A_276 = arith.cmpi slt, %add3A_275, %lt3A : i32
      %convert_element_type3A_277 = arith.extui %lt3A_276 : i1 to i32
      %cond3A_278 = arith.constant 0 : i32
      %cond3A_279 = arith.cmpi ne, %convert_element_type3A_277, %cond3A_278 : i32
      scf.if %cond3A_279 {
        %add3A_425 = arith.constant 1 : i32
        %add3A_426 = arith.addi %add3A_199, %add3A_425 : i32
        %add3A_427 = arith.addi %mul3A_2, %add3A_426 : i32
        %dma_wait3A_428 = arith.constant 0 : i32
        %dma_wait3A_429 = arith.constant 1 : i32
        %dma_wait3A_430 = arith.constant 0 : i32
        %dma_wait3A_431 = arith.constant 0 : i32
        %dma_wait3A_432 = tpu.memref_slice %arg6[%dma_wait3A_429, %dma_wait3A_430, %dma_wait3A_431] : memref<2x4x125xi32, #tpu.memory_space<vmem>> -> memref<1x4x125xi32, #tpu.memory_space<vmem>>
        %dma_wait3A_433 = tpu.memref_squeeze %dma_wait3A_432 : memref<1x4x125xi32, #tpu.memory_space<vmem>> -> memref<4x125xi32, #tpu.memory_space<vmem>>
        %dma_wait3A_434 = arith.constant 0 : i32
        %dma_wait3A_435 = arith.constant 0 : i32
        %dma_wait3A_436 = tpu.memref_slice %arg3[%dma_wait3A_428, %add3A_427, %dma_wait3A_434, %dma_wait3A_435] : memref<2x640x4x125xi32, #tpu.memory_space<hbm>> -> memref<1x1x4x125xi32, #tpu.memory_space<hbm>>
        %dma_wait3A_437 = tpu.memref_squeeze %dma_wait3A_436 : memref<1x1x4x125xi32, #tpu.memory_space<hbm>> -> memref<4x125xi32, #tpu.memory_space<hbm>>
        %dma_wait3A_438 = arith.constant 0 : i32
        %dma_wait3A_439 = arith.constant 0 : i32
        %dma_wait3A_440 = tpu.memref_slice %arg6[%dma_wait3A_429, %dma_wait3A_438, %dma_wait3A_439] : memref<2x4x125xi32, #tpu.memory_space<vmem>> -> memref<1x4x125xi32, #tpu.memory_space<vmem>>
        %dma_wait3A_441 = tpu.memref_squeeze %dma_wait3A_440 : memref<1x4x125xi32, #tpu.memory_space<vmem>> -> memref<4x125xi32, #tpu.memory_space<vmem>>
        %dma_wait3A_442 = arith.constant 0 : i32
        %dma_wait3A_443 = arith.constant 0 : i32
        %dma_wait3A_444 = tpu.memref_slice %arg3[%dma_wait3A_428, %add3A_427, %dma_wait3A_442, %dma_wait3A_443] : memref<2x640x4x125xi32, #tpu.memory_space<hbm>> -> memref<1x1x4x125xi32, #tpu.memory_space<hbm>>
        %dma_wait3A_445 = tpu.memref_squeeze %dma_wait3A_444 : memref<1x1x4x125xi32, #tpu.memory_space<hbm>> -> memref<4x125xi32, #tpu.memory_space<hbm>>
        tpu.wait_dma2 semaphore(%arg13 : memref<!tpu.dma_semaphore, #tpu.memory_space<semaphore_mem>>) src(%dma_wait3A_445 : memref<4x125xi32, #tpu.memory_space<hbm>>) dst(%dma_wait3A_441 : memref<4x125xi32, #tpu.memory_space<vmem>>)
        %add3A_446 = arith.addi %mul3A_2, %add3A_426 : i32
        %dma_wait3A_447 = arith.constant 1 : i32
        %dma_wait3A_448 = arith.constant 1 : i32
        %dma_wait3A_449 = arith.constant 0 : i32
        %dma_wait3A_450 = arith.constant 0 : i32
        %dma_wait3A_451 = tpu.memref_slice %arg7[%dma_wait3A_448, %dma_wait3A_449, %dma_wait3A_450] : memref<2x4x125xi32, #tpu.memory_space<vmem>> -> memref<1x4x125xi32, #tpu.memory_space<vmem>>
        %dma_wait3A_452 = tpu.memref_squeeze %dma_wait3A_451 : memref<1x4x125xi32, #tpu.memory_space<vmem>> -> memref<4x125xi32, #tpu.memory_space<vmem>>
        %dma_wait3A_453 = arith.constant 0 : i32
        %dma_wait3A_454 = arith.constant 0 : i32
        %dma_wait3A_455 = tpu.memref_slice %arg3[%dma_wait3A_447, %add3A_446, %dma_wait3A_453, %dma_wait3A_454] : memref<2x640x4x125xi32, #tpu.memory_space<hbm>> -> memref<1x1x4x125xi32, #tpu.memory_space<hbm>>
        %dma_wait3A_456 = tpu.memref_squeeze %dma_wait3A_455 : memref<1x1x4x125xi32, #tpu.memory_space<hbm>> -> memref<4x125xi32, #tpu.memory_space<hbm>>
        %dma_wait3A_457 = arith.constant 0 : i32
        %dma_wait3A_458 = arith.constant 0 : i32
        %dma_wait3A_459 = tpu.memref_slice %arg7[%dma_wait3A_448, %dma_wait3A_457, %dma_wait3A_458] : memref<2x4x125xi32, #tpu.memory_space<vmem>> -> memref<1x4x125xi32, #tpu.memory_space<vmem>>
        %dma_wait3A_460 = tpu.memref_squeeze %dma_wait3A_459 : memref<1x4x125xi32, #tpu.memory_space<vmem>> -> memref<4x125xi32, #tpu.memory_space<vmem>>
        %dma_wait3A_461 = arith.constant 0 : i32
        %dma_wait3A_462 = arith.constant 0 : i32
        %dma_wait3A_463 = tpu.memref_slice %arg3[%dma_wait3A_447, %add3A_446, %dma_wait3A_461, %dma_wait3A_462] : memref<2x640x4x125xi32, #tpu.memory_space<hbm>> -> memref<1x1x4x125xi32, #tpu.memory_space<hbm>>
        %dma_wait3A_464 = tpu.memref_squeeze %dma_wait3A_463 : memref<1x1x4x125xi32, #tpu.memory_space<hbm>> -> memref<4x125xi32, #tpu.memory_space<hbm>>
        tpu.wait_dma2 semaphore(%arg13 : memref<!tpu.dma_semaphore, #tpu.memory_space<semaphore_mem>>) src(%dma_wait3A_464 : memref<4x125xi32, #tpu.memory_space<hbm>>) dst(%dma_wait3A_460 : memref<4x125xi32, #tpu.memory_space<vmem>>)
        %dma_start3A_465 = arith.constant 1 : i32
        %dma_start3A_466 = arith.constant 0 : i32
        %dma_start3A_467 = arith.constant 0 : i32
        %dma_start3A_468 = arith.constant 0 : i32
        %dma_start3A_469 = arith.constant 0 : i32
        %dma_start3A_470 = tpu.memref_slice %arg8[%dma_start3A_467, %dma_start3A_468, %dma_start3A_469] : memref<2x125x128xf32, #tpu.memory_space<vmem>> -> memref<1x125x128xf32, #tpu.memory_space<vmem>>
        %dma_start3A_471 = tpu.memref_squeeze %dma_start3A_470 : memref<1x125x128xf32, #tpu.memory_space<vmem>> -> memref<125x128xf32, #tpu.memory_space<vmem>>
        %dma_start3A_472 = arith.constant 0 : i32
        %dma_start3A_473 = tpu.memref_slice %arg6[%dma_start3A_465, %dma_start3A_466, %dma_start3A_472] : memref<2x4x125xi32, #tpu.memory_space<vmem>> -> memref<1x1x125xi32, #tpu.memory_space<vmem>>
        %dma_start3A_474 = tpu.memref_squeeze %dma_start3A_473 : memref<1x1x125xi32, #tpu.memory_space<vmem>> -> memref<125xi32, #tpu.memory_space<vmem>>
        %dma_start3A_475 = arith.constant 0 : i32
        %dma_start3A_476 = arith.constant 0 : i32
        %dma_start3A_477 = tpu.memref_slice %arg2[%dma_start3A_475, %dma_start3A_476] : memref<10000x128xf32, #tpu.memory_space<hbm>> -> memref<10000x128xf32, #tpu.memory_space<hbm>>
        tpu.enqueue_indirect_dma source(%dma_start3A_477 : memref<10000x128xf32, #tpu.memory_space<hbm>>) target(%dma_start3A_471 : memref<125x128xf32, #tpu.memory_space<vmem>>) offsets(%dma_start3A_474 : memref<125xi32, #tpu.memory_space<vmem>>) semaphore(%arg10 : memref<!tpu.dma_semaphore, #tpu.memory_space<semaphore_mem>>)
      } else {
      }
      %dma_wait3A_280 = arith.constant 0 : i32
      %dma_wait3A_281 = arith.constant 3 : i32
      %dma_wait3A_282 = arith.constant 1 : i32
      %dma_wait3A_283 = arith.constant 0 : i32
      %dma_wait3A_284 = arith.constant 0 : i32
      %dma_wait3A_285 = tpu.memref_slice %arg8[%dma_wait3A_282, %dma_wait3A_283, %dma_wait3A_284] : memref<2x125x128xf32, #tpu.memory_space<vmem>> -> memref<1x125x128xf32, #tpu.memory_space<vmem>>
      %dma_wait3A_286 = tpu.memref_squeeze %dma_wait3A_285 : memref<1x125x128xf32, #tpu.memory_space<vmem>> -> memref<125x128xf32, #tpu.memory_space<vmem>>
      %dma_wait3A_287 = arith.constant 0 : i32
      %dma_wait3A_288 = tpu.memref_slice %arg6[%dma_wait3A_280, %dma_wait3A_281, %dma_wait3A_287] : memref<2x4x125xi32, #tpu.memory_space<vmem>> -> memref<1x1x125xi32, #tpu.memory_space<vmem>>
      %dma_wait3A_289 = tpu.memref_squeeze %dma_wait3A_288 : memref<1x1x125xi32, #tpu.memory_space<vmem>> -> memref<125xi32, #tpu.memory_space<vmem>>
      %dma_wait3A_290 = arith.constant 0 : i32
      %dma_wait3A_291 = arith.constant 0 : i32
      %dma_wait3A_292 = tpu.memref_slice %arg2[%dma_wait3A_290, %dma_wait3A_291] : memref<10000x128xf32, #tpu.memory_space<hbm>> -> memref<10000x128xf32, #tpu.memory_space<hbm>>
      tpu.wait_indirect_dma semaphore(%arg11 : memref<!tpu.dma_semaphore, #tpu.memory_space<semaphore_mem>>) src(%dma_wait3A_292 : memref<10000x128xf32, #tpu.memory_space<hbm>>) dst(%dma_wait3A_286 : memref<125x128xf32, #tpu.memory_space<vmem>>)
      %run_scoped3A_293 = arith.constant 1 : i32
      %run_scoped3A_294 = arith.constant 0 : i32
      %run_scoped3A_295 = arith.constant 3 : i32
      "tpu.region"() ({
        %run_scoped3A_425 = tpu.sem_alloc : memref<!tpu.dma_semaphore, #tpu.memory_space<semaphore_mem>>
        %dma_start3A_426 = arith.constant 0 : i32
        %dma_start3A_427 = arith.constant 0 : i32
        %dma_start3A_428 = tpu.memref_slice %arg8[%run_scoped3A_293, %dma_start3A_426, %dma_start3A_427] : memref<2x125x128xf32, #tpu.memory_space<vmem>> -> memref<1x125x128xf32, #tpu.memory_space<vmem>>
        %dma_start3A_429 = tpu.memref_squeeze %dma_start3A_428 : memref<1x125x128xf32, #tpu.memory_space<vmem>> -> memref<125x128xf32, #tpu.memory_space<vmem>>
        %dma_start3A_430 = arith.constant 0 : i32
        %dma_start3A_431 = tpu.memref_slice %arg7[%run_scoped3A_294, %run_scoped3A_295, %dma_start3A_430] : memref<2x4x125xi32, #tpu.memory_space<vmem>> -> memref<1x1x125xi32, #tpu.memory_space<vmem>>
        %dma_start3A_432 = tpu.memref_squeeze %dma_start3A_431 : memref<1x1x125xi32, #tpu.memory_space<vmem>> -> memref<125xi32, #tpu.memory_space<vmem>>
        %dma_start3A_433 = arith.constant 0 : i32
        %dma_start3A_434 = arith.constant 0 : i32
        %dma_start3A_435 = tpu.memref_slice %arg9[%dma_start3A_433, %dma_start3A_434] : memref<10112x128xf32, #tpu.memory_space<vmem_shared>> -> memref<10112x128xf32, #tpu.memory_space<vmem_shared>>
        tpu.enqueue_indirect_dma source(%dma_start3A_429 : memref<125x128xf32, #tpu.memory_space<vmem>>) target(%dma_start3A_435 : memref<10112x128xf32, #tpu.memory_space<vmem_shared>>) offsets(%dma_start3A_432 : memref<125xi32, #tpu.memory_space<vmem>>) semaphore(%run_scoped3A_425 : memref<!tpu.dma_semaphore, #tpu.memory_space<semaphore_mem>>) {add = true}
        %dma_wait3A_436 = arith.constant 0 : i32
        %dma_wait3A_437 = arith.constant 0 : i32
        %dma_wait3A_438 = tpu.memref_slice %arg8[%run_scoped3A_293, %dma_wait3A_436, %dma_wait3A_437] : memref<2x125x128xf32, #tpu.memory_space<vmem>> -> memref<1x125x128xf32, #tpu.memory_space<vmem>>
        %dma_wait3A_439 = tpu.memref_squeeze %dma_wait3A_438 : memref<1x125x128xf32, #tpu.memory_space<vmem>> -> memref<125x128xf32, #tpu.memory_space<vmem>>
        %dma_wait3A_440 = arith.constant 0 : i32
        %dma_wait3A_441 = tpu.memref_slice %arg7[%run_scoped3A_294, %run_scoped3A_295, %dma_wait3A_440] : memref<2x4x125xi32, #tpu.memory_space<vmem>> -> memref<1x1x125xi32, #tpu.memory_space<vmem>>
        %dma_wait3A_442 = tpu.memref_squeeze %dma_wait3A_441 : memref<1x1x125xi32, #tpu.memory_space<vmem>> -> memref<125xi32, #tpu.memory_space<vmem>>
        %dma_wait3A_443 = arith.constant 0 : i32
        %dma_wait3A_444 = arith.constant 0 : i32
        %dma_wait3A_445 = tpu.memref_slice %arg9[%dma_wait3A_443, %dma_wait3A_444] : memref<10112x128xf32, #tpu.memory_space<vmem_shared>> -> memref<10112x128xf32, #tpu.memory_space<vmem_shared>>
        tpu.wait_indirect_dma semaphore(%run_scoped3A_425 : memref<!tpu.dma_semaphore, #tpu.memory_space<semaphore_mem>>) src(%dma_wait3A_439 : memref<125x128xf32, #tpu.memory_space<vmem>>) dst(%dma_wait3A_445 : memref<10112x128xf32, #tpu.memory_space<vmem_shared>>)
        tpu.yield
      }) : () -> ()
      %add3A_296 = arith.constant 1 : i32
      %add3A_297 = arith.addi %add3A_199, %add3A_296 : i32
      %lt3A_298 = arith.constant 20 : i32
      %lt3A_299 = arith.cmpi slt, %add3A_297, %lt3A_298 : i32
      %convert_element_type3A_300 = arith.extui %lt3A_299 : i1 to i32
      %cond3A_301 = arith.constant 0 : i32
      %cond3A_302 = arith.cmpi ne, %convert_element_type3A_300, %cond3A_301 : i32
      scf.if %cond3A_302 {
        %dma_start3A_425 = arith.constant 1 : i32
        %dma_start3A_426 = arith.constant 1 : i32
        %dma_start3A_427 = arith.constant 1 : i32
        %dma_start3A_428 = arith.constant 0 : i32
        %dma_start3A_429 = arith.constant 0 : i32
        %dma_start3A_430 = tpu.memref_slice %arg8[%dma_start3A_427, %dma_start3A_428, %dma_start3A_429] : memref<2x125x128xf32, #tpu.memory_space<vmem>> -> memref<1x125x128xf32, #tpu.memory_space<vmem>>
        %dma_start3A_431 = tpu.memref_squeeze %dma_start3A_430 : memref<1x125x128xf32, #tpu.memory_space<vmem>> -> memref<125x128xf32, #tpu.memory_space<vmem>>
        %dma_start3A_432 = arith.constant 0 : i32
        %dma_start3A_433 = tpu.memref_slice %arg6[%dma_start3A_425, %dma_start3A_426, %dma_start3A_432] : memref<2x4x125xi32, #tpu.memory_space<vmem>> -> memref<1x1x125xi32, #tpu.memory_space<vmem>>
        %dma_start3A_434 = tpu.memref_squeeze %dma_start3A_433 : memref<1x1x125xi32, #tpu.memory_space<vmem>> -> memref<125xi32, #tpu.memory_space<vmem>>
        %dma_start3A_435 = arith.constant 0 : i32
        %dma_start3A_436 = arith.constant 0 : i32
        %dma_start3A_437 = tpu.memref_slice %arg2[%dma_start3A_435, %dma_start3A_436] : memref<10000x128xf32, #tpu.memory_space<hbm>> -> memref<10000x128xf32, #tpu.memory_space<hbm>>
        tpu.enqueue_indirect_dma source(%dma_start3A_437 : memref<10000x128xf32, #tpu.memory_space<hbm>>) target(%dma_start3A_431 : memref<125x128xf32, #tpu.memory_space<vmem>>) offsets(%dma_start3A_434 : memref<125xi32, #tpu.memory_space<vmem>>) semaphore(%arg11 : memref<!tpu.dma_semaphore, #tpu.memory_space<semaphore_mem>>)
      } else {
      }
      %add3A_303 = arith.constant 2 : i32
      %add3A_304 = arith.addi %add3A_199, %add3A_303 : i32
      %lt3A_305 = arith.constant 20 : i32
      %lt3A_306 = arith.cmpi slt, %add3A_304, %lt3A_305 : i32
      %convert_element_type3A_307 = arith.extui %lt3A_306 : i1 to i32
      %cond3A_308 = arith.constant 0 : i32
      %cond3A_309 = arith.cmpi ne, %convert_element_type3A_307, %cond3A_308 : i32
      scf.if %cond3A_309 {
        %add3A_425 = arith.constant 2 : i32
        %add3A_426 = arith.addi %add3A_199, %add3A_425 : i32
        %add3A_427 = arith.addi %mul3A_2, %add3A_426 : i32
        %dma_start3A_428 = arith.constant 0 : i32
        %dma_start3A_429 = arith.constant 0 : i32
        %dma_start3A_430 = arith.constant 0 : i32
        %dma_start3A_431 = arith.constant 0 : i32
        %dma_start3A_432 = tpu.memref_slice %arg6[%dma_start3A_429, %dma_start3A_430, %dma_start3A_431] : memref<2x4x125xi32, #tpu.memory_space<vmem>> -> memref<1x4x125xi32, #tpu.memory_space<vmem>>
        %dma_start3A_433 = tpu.memref_squeeze %dma_start3A_432 : memref<1x4x125xi32, #tpu.memory_space<vmem>> -> memref<4x125xi32, #tpu.memory_space<vmem>>
        %dma_start3A_434 = arith.constant 0 : i32
        %dma_start3A_435 = arith.constant 0 : i32
        %dma_start3A_436 = tpu.memref_slice %arg3[%dma_start3A_428, %add3A_427, %dma_start3A_434, %dma_start3A_435] : memref<2x640x4x125xi32, #tpu.memory_space<hbm>> -> memref<1x1x4x125xi32, #tpu.memory_space<hbm>>
        %dma_start3A_437 = tpu.memref_squeeze %dma_start3A_436 : memref<1x1x4x125xi32, #tpu.memory_space<hbm>> -> memref<4x125xi32, #tpu.memory_space<hbm>>
        %dma_start3A_438 = arith.constant 0 : i32
        %dma_start3A_439 = arith.constant 0 : i32
        %dma_start3A_440 = tpu.memref_slice %arg6[%dma_start3A_429, %dma_start3A_438, %dma_start3A_439] : memref<2x4x125xi32, #tpu.memory_space<vmem>> -> memref<1x4x125xi32, #tpu.memory_space<vmem>>
        %dma_start3A_441 = tpu.memref_squeeze %dma_start3A_440 : memref<1x4x125xi32, #tpu.memory_space<vmem>> -> memref<4x125xi32, #tpu.memory_space<vmem>>
        %dma_start3A_442 = arith.constant 0 : i32
        %dma_start3A_443 = arith.constant 0 : i32
        %dma_start3A_444 = tpu.memref_slice %arg3[%dma_start3A_428, %add3A_427, %dma_start3A_442, %dma_start3A_443] : memref<2x640x4x125xi32, #tpu.memory_space<hbm>> -> memref<1x1x4x125xi32, #tpu.memory_space<hbm>>
        %dma_start3A_445 = tpu.memref_squeeze %dma_start3A_444 : memref<1x1x4x125xi32, #tpu.memory_space<hbm>> -> memref<4x125xi32, #tpu.memory_space<hbm>>
        tpu.enqueue_dma source(%dma_start3A_445 : memref<4x125xi32, #tpu.memory_space<hbm>>) target(%dma_start3A_441 : memref<4x125xi32, #tpu.memory_space<vmem>>) target_semaphore(%arg12 : memref<!tpu.dma_semaphore, #tpu.memory_space<semaphore_mem>>)
        %add3A_446 = arith.addi %mul3A_2, %add3A_426 : i32
        %dma_start3A_447 = arith.constant 1 : i32
        %dma_start3A_448 = arith.constant 0 : i32
        %dma_start3A_449 = arith.constant 0 : i32
        %dma_start3A_450 = arith.constant 0 : i32
        %dma_start3A_451 = tpu.memref_slice %arg7[%dma_start3A_448, %dma_start3A_449, %dma_start3A_450] : memref<2x4x125xi32, #tpu.memory_space<vmem>> -> memref<1x4x125xi32, #tpu.memory_space<vmem>>
        %dma_start3A_452 = tpu.memref_squeeze %dma_start3A_451 : memref<1x4x125xi32, #tpu.memory_space<vmem>> -> memref<4x125xi32, #tpu.memory_space<vmem>>
        %dma_start3A_453 = arith.constant 0 : i32
        %dma_start3A_454 = arith.constant 0 : i32
        %dma_start3A_455 = tpu.memref_slice %arg3[%dma_start3A_447, %add3A_446, %dma_start3A_453, %dma_start3A_454] : memref<2x640x4x125xi32, #tpu.memory_space<hbm>> -> memref<1x1x4x125xi32, #tpu.memory_space<hbm>>
        %dma_start3A_456 = tpu.memref_squeeze %dma_start3A_455 : memref<1x1x4x125xi32, #tpu.memory_space<hbm>> -> memref<4x125xi32, #tpu.memory_space<hbm>>
        %dma_start3A_457 = arith.constant 0 : i32
        %dma_start3A_458 = arith.constant 0 : i32
        %dma_start3A_459 = tpu.memref_slice %arg7[%dma_start3A_448, %dma_start3A_457, %dma_start3A_458] : memref<2x4x125xi32, #tpu.memory_space<vmem>> -> memref<1x4x125xi32, #tpu.memory_space<vmem>>
        %dma_start3A_460 = tpu.memref_squeeze %dma_start3A_459 : memref<1x4x125xi32, #tpu.memory_space<vmem>> -> memref<4x125xi32, #tpu.memory_space<vmem>>
        %dma_start3A_461 = arith.constant 0 : i32
        %dma_start3A_462 = arith.constant 0 : i32
        %dma_start3A_463 = tpu.memref_slice %arg3[%dma_start3A_447, %add3A_446, %dma_start3A_461, %dma_start3A_462] : memref<2x640x4x125xi32, #tpu.memory_space<hbm>> -> memref<1x1x4x125xi32, #tpu.memory_space<hbm>>
        %dma_start3A_464 = tpu.memref_squeeze %dma_start3A_463 : memref<1x1x4x125xi32, #tpu.memory_space<hbm>> -> memref<4x125xi32, #tpu.memory_space<hbm>>
        tpu.enqueue_dma source(%dma_start3A_464 : memref<4x125xi32, #tpu.memory_space<hbm>>) target(%dma_start3A_460 : memref<4x125xi32, #tpu.memory_space<vmem>>) target_semaphore(%arg12 : memref<!tpu.dma_semaphore, #tpu.memory_space<semaphore_mem>>)
      } else {
      }
      %mul3A_310 = arith.constant 2 : i32
      %mul3A_311 = arith.muli %mul3A_310, %scan3A_195 : i32
      %add3A_312 = arith.constant 1 : i32
      %add3A_313 = arith.addi %mul3A_311, %add3A_312 : i32
      %dma_wait3A_314 = arith.constant 1 : i32
      %dma_wait3A_315 = arith.constant 0 : i32
      %dma_wait3A_316 = arith.constant 0 : i32
      %dma_wait3A_317 = arith.constant 0 : i32
      %dma_wait3A_318 = arith.constant 0 : i32
      %dma_wait3A_319 = tpu.memref_slice %arg8[%dma_wait3A_316, %dma_wait3A_317, %dma_wait3A_318] : memref<2x125x128xf32, #tpu.memory_space<vmem>> -> memref<1x125x128xf32, #tpu.memory_space<vmem>>
      %dma_wait3A_320 = tpu.memref_squeeze %dma_wait3A_319 : memref<1x125x128xf32, #tpu.memory_space<vmem>> -> memref<125x128xf32, #tpu.memory_space<vmem>>
      %dma_wait3A_321 = arith.constant 0 : i32
      %dma_wait3A_322 = tpu.memref_slice %arg6[%dma_wait3A_314, %dma_wait3A_315, %dma_wait3A_321] : memref<2x4x125xi32, #tpu.memory_space<vmem>> -> memref<1x1x125xi32, #tpu.memory_space<vmem>>
      %dma_wait3A_323 = tpu.memref_squeeze %dma_wait3A_322 : memref<1x1x125xi32, #tpu.memory_space<vmem>> -> memref<125xi32, #tpu.memory_space<vmem>>
      %dma_wait3A_324 = arith.constant 0 : i32
      %dma_wait3A_325 = arith.constant 0 : i32
      %dma_wait3A_326 = tpu.memref_slice %arg2[%dma_wait3A_324, %dma_wait3A_325] : memref<10000x128xf32, #tpu.memory_space<hbm>> -> memref<10000x128xf32, #tpu.memory_space<hbm>>
      tpu.wait_indirect_dma semaphore(%arg10 : memref<!tpu.dma_semaphore, #tpu.memory_space<semaphore_mem>>) src(%dma_wait3A_326 : memref<10000x128xf32, #tpu.memory_space<hbm>>) dst(%dma_wait3A_320 : memref<125x128xf32, #tpu.memory_space<vmem>>)
      %run_scoped3A_327 = arith.constant 0 : i32
      %run_scoped3A_328 = arith.constant 1 : i32
      %run_scoped3A_329 = arith.constant 0 : i32
      "tpu.region"() ({
        %run_scoped3A_425 = tpu.sem_alloc : memref<!tpu.dma_semaphore, #tpu.memory_space<semaphore_mem>>
        %dma_start3A_426 = arith.constant 0 : i32
        %dma_start3A_427 = arith.constant 0 : i32
        %dma_start3A_428 = tpu.memref_slice %arg8[%run_scoped3A_327, %dma_start3A_426, %dma_start3A_427] : memref<2x125x128xf32, #tpu.memory_space<vmem>> -> memref<1x125x128xf32, #tpu.memory_space<vmem>>
        %dma_start3A_429 = tpu.memref_squeeze %dma_start3A_428 : memref<1x125x128xf32, #tpu.memory_space<vmem>> -> memref<125x128xf32, #tpu.memory_space<vmem>>
        %dma_start3A_430 = arith.constant 0 : i32
        %dma_start3A_431 = tpu.memref_slice %arg7[%run_scoped3A_328, %run_scoped3A_329, %dma_start3A_430] : memref<2x4x125xi32, #tpu.memory_space<vmem>> -> memref<1x1x125xi32, #tpu.memory_space<vmem>>
        %dma_start3A_432 = tpu.memref_squeeze %dma_start3A_431 : memref<1x1x125xi32, #tpu.memory_space<vmem>> -> memref<125xi32, #tpu.memory_space<vmem>>
        %dma_start3A_433 = arith.constant 0 : i32
        %dma_start3A_434 = arith.constant 0 : i32
        %dma_start3A_435 = tpu.memref_slice %arg9[%dma_start3A_433, %dma_start3A_434] : memref<10112x128xf32, #tpu.memory_space<vmem_shared>> -> memref<10112x128xf32, #tpu.memory_space<vmem_shared>>
        tpu.enqueue_indirect_dma source(%dma_start3A_429 : memref<125x128xf32, #tpu.memory_space<vmem>>) target(%dma_start3A_435 : memref<10112x128xf32, #tpu.memory_space<vmem_shared>>) offsets(%dma_start3A_432 : memref<125xi32, #tpu.memory_space<vmem>>) semaphore(%run_scoped3A_425 : memref<!tpu.dma_semaphore, #tpu.memory_space<semaphore_mem>>) {add = true}
        %dma_wait3A_436 = arith.constant 0 : i32
        %dma_wait3A_437 = arith.constant 0 : i32
        %dma_wait3A_438 = tpu.memref_slice %arg8[%run_scoped3A_327, %dma_wait3A_436, %dma_wait3A_437] : memref<2x125x128xf32, #tpu.memory_space<vmem>> -> memref<1x125x128xf32, #tpu.memory_space<vmem>>
        %dma_wait3A_439 = tpu.memref_squeeze %dma_wait3A_438 : memref<1x125x128xf32, #tpu.memory_space<vmem>> -> memref<125x128xf32, #tpu.memory_space<vmem>>
        %dma_wait3A_440 = arith.constant 0 : i32
        %dma_wait3A_441 = tpu.memref_slice %arg7[%run_scoped3A_328, %run_scoped3A_329, %dma_wait3A_440] : memref<2x4x125xi32, #tpu.memory_space<vmem>> -> memref<1x1x125xi32, #tpu.memory_space<vmem>>
        %dma_wait3A_442 = tpu.memref_squeeze %dma_wait3A_441 : memref<1x1x125xi32, #tpu.memory_space<vmem>> -> memref<125xi32, #tpu.memory_space<vmem>>
        %dma_wait3A_443 = arith.constant 0 : i32
        %dma_wait3A_444 = arith.constant 0 : i32
        %dma_wait3A_445 = tpu.memref_slice %arg9[%dma_wait3A_443, %dma_wait3A_444] : memref<10112x128xf32, #tpu.memory_space<vmem_shared>> -> memref<10112x128xf32, #tpu.memory_space<vmem_shared>>
        tpu.wait_indirect_dma semaphore(%run_scoped3A_425 : memref<!tpu.dma_semaphore, #tpu.memory_space<semaphore_mem>>) src(%dma_wait3A_439 : memref<125x128xf32, #tpu.memory_space<vmem>>) dst(%dma_wait3A_445 : memref<10112x128xf32, #tpu.memory_space<vmem_shared>>)
        tpu.yield
      }) : () -> ()
      %dma_start3A_330 = arith.constant 1 : i32
      %dma_start3A_331 = arith.constant 2 : i32
      %dma_start3A_332 = arith.constant 0 : i32
      %dma_start3A_333 = arith.constant 0 : i32
      %dma_start3A_334 = arith.constant 0 : i32
      %dma_start3A_335 = tpu.memref_slice %arg8[%dma_start3A_332, %dma_start3A_333, %dma_start3A_334] : memref<2x125x128xf32, #tpu.memory_space<vmem>> -> memref<1x125x128xf32, #tpu.memory_space<vmem>>
      %dma_start3A_336 = tpu.memref_squeeze %dma_start3A_335 : memref<1x125x128xf32, #tpu.memory_space<vmem>> -> memref<125x128xf32, #tpu.memory_space<vmem>>
      %dma_start3A_337 = arith.constant 0 : i32
      %dma_start3A_338 = tpu.memref_slice %arg6[%dma_start3A_330, %dma_start3A_331, %dma_start3A_337] : memref<2x4x125xi32, #tpu.memory_space<vmem>> -> memref<1x1x125xi32, #tpu.memory_space<vmem>>
      %dma_start3A_339 = tpu.memref_squeeze %dma_start3A_338 : memref<1x1x125xi32, #tpu.memory_space<vmem>> -> memref<125xi32, #tpu.memory_space<vmem>>
      %dma_start3A_340 = arith.constant 0 : i32
      %dma_start3A_341 = arith.constant 0 : i32
      %dma_start3A_342 = tpu.memref_slice %arg2[%dma_start3A_340, %dma_start3A_341] : memref<10000x128xf32, #tpu.memory_space<hbm>> -> memref<10000x128xf32, #tpu.memory_space<hbm>>
      tpu.enqueue_indirect_dma source(%dma_start3A_342 : memref<10000x128xf32, #tpu.memory_space<hbm>>) target(%dma_start3A_336 : memref<125x128xf32, #tpu.memory_space<vmem>>) offsets(%dma_start3A_339 : memref<125xi32, #tpu.memory_space<vmem>>) semaphore(%arg10 : memref<!tpu.dma_semaphore, #tpu.memory_space<semaphore_mem>>)
      %dma_wait3A_343 = arith.constant 1 : i32
      %dma_wait3A_344 = arith.constant 1 : i32
      %dma_wait3A_345 = arith.constant 1 : i32
      %dma_wait3A_346 = arith.constant 0 : i32
      %dma_wait3A_347 = arith.constant 0 : i32
      %dma_wait3A_348 = tpu.memref_slice %arg8[%dma_wait3A_345, %dma_wait3A_346, %dma_wait3A_347] : memref<2x125x128xf32, #tpu.memory_space<vmem>> -> memref<1x125x128xf32, #tpu.memory_space<vmem>>
      %dma_wait3A_349 = tpu.memref_squeeze %dma_wait3A_348 : memref<1x125x128xf32, #tpu.memory_space<vmem>> -> memref<125x128xf32, #tpu.memory_space<vmem>>
      %dma_wait3A_350 = arith.constant 0 : i32
      %dma_wait3A_351 = tpu.memref_slice %arg6[%dma_wait3A_343, %dma_wait3A_344, %dma_wait3A_350] : memref<2x4x125xi32, #tpu.memory_space<vmem>> -> memref<1x1x125xi32, #tpu.memory_space<vmem>>
      %dma_wait3A_352 = tpu.memref_squeeze %dma_wait3A_351 : memref<1x1x125xi32, #tpu.memory_space<vmem>> -> memref<125xi32, #tpu.memory_space<vmem>>
      %dma_wait3A_353 = arith.constant 0 : i32
      %dma_wait3A_354 = arith.constant 0 : i32
      %dma_wait3A_355 = tpu.memref_slice %arg2[%dma_wait3A_353, %dma_wait3A_354] : memref<10000x128xf32, #tpu.memory_space<hbm>> -> memref<10000x128xf32, #tpu.memory_space<hbm>>
      tpu.wait_indirect_dma semaphore(%arg11 : memref<!tpu.dma_semaphore, #tpu.memory_space<semaphore_mem>>) src(%dma_wait3A_355 : memref<10000x128xf32, #tpu.memory_space<hbm>>) dst(%dma_wait3A_349 : memref<125x128xf32, #tpu.memory_space<vmem>>)
      %run_scoped3A_356 = arith.constant 1 : i32
      %run_scoped3A_357 = arith.constant 1 : i32
      %run_scoped3A_358 = arith.constant 1 : i32
      "tpu.region"() ({
        %run_scoped3A_425 = tpu.sem_alloc : memref<!tpu.dma_semaphore, #tpu.memory_space<semaphore_mem>>
        %dma_start3A_426 = arith.constant 0 : i32
        %dma_start3A_427 = arith.constant 0 : i32
        %dma_start3A_428 = tpu.memref_slice %arg8[%run_scoped3A_356, %dma_start3A_426, %dma_start3A_427] : memref<2x125x128xf32, #tpu.memory_space<vmem>> -> memref<1x125x128xf32, #tpu.memory_space<vmem>>
        %dma_start3A_429 = tpu.memref_squeeze %dma_start3A_428 : memref<1x125x128xf32, #tpu.memory_space<vmem>> -> memref<125x128xf32, #tpu.memory_space<vmem>>
        %dma_start3A_430 = arith.constant 0 : i32
        %dma_start3A_431 = tpu.memref_slice %arg7[%run_scoped3A_357, %run_scoped3A_358, %dma_start3A_430] : memref<2x4x125xi32, #tpu.memory_space<vmem>> -> memref<1x1x125xi32, #tpu.memory_space<vmem>>
        %dma_start3A_432 = tpu.memref_squeeze %dma_start3A_431 : memref<1x1x125xi32, #tpu.memory_space<vmem>> -> memref<125xi32, #tpu.memory_space<vmem>>
        %dma_start3A_433 = arith.constant 0 : i32
        %dma_start3A_434 = arith.constant 0 : i32
        %dma_start3A_435 = tpu.memref_slice %arg9[%dma_start3A_433, %dma_start3A_434] : memref<10112x128xf32, #tpu.memory_space<vmem_shared>> -> memref<10112x128xf32, #tpu.memory_space<vmem_shared>>
        tpu.enqueue_indirect_dma source(%dma_start3A_429 : memref<125x128xf32, #tpu.memory_space<vmem>>) target(%dma_start3A_435 : memref<10112x128xf32, #tpu.memory_space<vmem_shared>>) offsets(%dma_start3A_432 : memref<125xi32, #tpu.memory_space<vmem>>) semaphore(%run_scoped3A_425 : memref<!tpu.dma_semaphore, #tpu.memory_space<semaphore_mem>>) {add = true}
        %dma_wait3A_436 = arith.constant 0 : i32
        %dma_wait3A_437 = arith.constant 0 : i32
        %dma_wait3A_438 = tpu.memref_slice %arg8[%run_scoped3A_356, %dma_wait3A_436, %dma_wait3A_437] : memref<2x125x128xf32, #tpu.memory_space<vmem>> -> memref<1x125x128xf32, #tpu.memory_space<vmem>>
        %dma_wait3A_439 = tpu.memref_squeeze %dma_wait3A_438 : memref<1x125x128xf32, #tpu.memory_space<vmem>> -> memref<125x128xf32, #tpu.memory_space<vmem>>
        %dma_wait3A_440 = arith.constant 0 : i32
        %dma_wait3A_441 = tpu.memref_slice %arg7[%run_scoped3A_357, %run_scoped3A_358, %dma_wait3A_440] : memref<2x4x125xi32, #tpu.memory_space<vmem>> -> memref<1x1x125xi32, #tpu.memory_space<vmem>>
        %dma_wait3A_442 = tpu.memref_squeeze %dma_wait3A_441 : memref<1x1x125xi32, #tpu.memory_space<vmem>> -> memref<125xi32, #tpu.memory_space<vmem>>
        %dma_wait3A_443 = arith.constant 0 : i32
        %dma_wait3A_444 = arith.constant 0 : i32
        %dma_wait3A_445 = tpu.memref_slice %arg9[%dma_wait3A_443, %dma_wait3A_444] : memref<10112x128xf32, #tpu.memory_space<vmem_shared>> -> memref<10112x128xf32, #tpu.memory_space<vmem_shared>>
        tpu.wait_indirect_dma semaphore(%run_scoped3A_425 : memref<!tpu.dma_semaphore, #tpu.memory_space<semaphore_mem>>) src(%dma_wait3A_439 : memref<125x128xf32, #tpu.memory_space<vmem>>) dst(%dma_wait3A_445 : memref<10112x128xf32, #tpu.memory_space<vmem_shared>>)
        tpu.yield
      }) : () -> ()
      %dma_start3A_359 = arith.constant 1 : i32
      %dma_start3A_360 = arith.constant 3 : i32
      %dma_start3A_361 = arith.constant 1 : i32
      %dma_start3A_362 = arith.constant 0 : i32
      %dma_start3A_363 = arith.constant 0 : i32
      %dma_start3A_364 = tpu.memref_slice %arg8[%dma_start3A_361, %dma_start3A_362, %dma_start3A_363] : memref<2x125x128xf32, #tpu.memory_space<vmem>> -> memref<1x125x128xf32, #tpu.memory_space<vmem>>
      %dma_start3A_365 = tpu.memref_squeeze %dma_start3A_364 : memref<1x125x128xf32, #tpu.memory_space<vmem>> -> memref<125x128xf32, #tpu.memory_space<vmem>>
      %dma_start3A_366 = arith.constant 0 : i32
      %dma_start3A_367 = tpu.memref_slice %arg6[%dma_start3A_359, %dma_start3A_360, %dma_start3A_366] : memref<2x4x125xi32, #tpu.memory_space<vmem>> -> memref<1x1x125xi32, #tpu.memory_space<vmem>>
      %dma_start3A_368 = tpu.memref_squeeze %dma_start3A_367 : memref<1x1x125xi32, #tpu.memory_space<vmem>> -> memref<125xi32, #tpu.memory_space<vmem>>
      %dma_start3A_369 = arith.constant 0 : i32
      %dma_start3A_370 = arith.constant 0 : i32
      %dma_start3A_371 = tpu.memref_slice %arg2[%dma_start3A_369, %dma_start3A_370] : memref<10000x128xf32, #tpu.memory_space<hbm>> -> memref<10000x128xf32, #tpu.memory_space<hbm>>
      tpu.enqueue_indirect_dma source(%dma_start3A_371 : memref<10000x128xf32, #tpu.memory_space<hbm>>) target(%dma_start3A_365 : memref<125x128xf32, #tpu.memory_space<vmem>>) offsets(%dma_start3A_368 : memref<125xi32, #tpu.memory_space<vmem>>) semaphore(%arg11 : memref<!tpu.dma_semaphore, #tpu.memory_space<semaphore_mem>>)
      %dma_wait3A_372 = arith.constant 1 : i32
      %dma_wait3A_373 = arith.constant 2 : i32
      %dma_wait3A_374 = arith.constant 0 : i32
      %dma_wait3A_375 = arith.constant 0 : i32
      %dma_wait3A_376 = arith.constant 0 : i32
      %dma_wait3A_377 = tpu.memref_slice %arg8[%dma_wait3A_374, %dma_wait3A_375, %dma_wait3A_376] : memref<2x125x128xf32, #tpu.memory_space<vmem>> -> memref<1x125x128xf32, #tpu.memory_space<vmem>>
      %dma_wait3A_378 = tpu.memref_squeeze %dma_wait3A_377 : memref<1x125x128xf32, #tpu.memory_space<vmem>> -> memref<125x128xf32, #tpu.memory_space<vmem>>
      %dma_wait3A_379 = arith.constant 0 : i32
      %dma_wait3A_380 = tpu.memref_slice %arg6[%dma_wait3A_372, %dma_wait3A_373, %dma_wait3A_379] : memref<2x4x125xi32, #tpu.memory_space<vmem>> -> memref<1x1x125xi32, #tpu.memory_space<vmem>>
      %dma_wait3A_381 = tpu.memref_squeeze %dma_wait3A_380 : memref<1x1x125xi32, #tpu.memory_space<vmem>> -> memref<125xi32, #tpu.memory_space<vmem>>
      %dma_wait3A_382 = arith.constant 0 : i32
      %dma_wait3A_383 = arith.constant 0 : i32
      %dma_wait3A_384 = tpu.memref_slice %arg2[%dma_wait3A_382, %dma_wait3A_383] : memref<10000x128xf32, #tpu.memory_space<hbm>> -> memref<10000x128xf32, #tpu.memory_space<hbm>>
      tpu.wait_indirect_dma semaphore(%arg10 : memref<!tpu.dma_semaphore, #tpu.memory_space<semaphore_mem>>) src(%dma_wait3A_384 : memref<10000x128xf32, #tpu.memory_space<hbm>>) dst(%dma_wait3A_378 : memref<125x128xf32, #tpu.memory_space<vmem>>)
      %run_scoped3A_385 = arith.constant 0 : i32
      %run_scoped3A_386 = arith.constant 1 : i32
      %run_scoped3A_387 = arith.constant 2 : i32
      "tpu.region"() ({
        %run_scoped3A_425 = tpu.sem_alloc : memref<!tpu.dma_semaphore, #tpu.memory_space<semaphore_mem>>
        %dma_start3A_426 = arith.constant 0 : i32
        %dma_start3A_427 = arith.constant 0 : i32
        %dma_start3A_428 = tpu.memref_slice %arg8[%run_scoped3A_385, %dma_start3A_426, %dma_start3A_427] : memref<2x125x128xf32, #tpu.memory_space<vmem>> -> memref<1x125x128xf32, #tpu.memory_space<vmem>>
        %dma_start3A_429 = tpu.memref_squeeze %dma_start3A_428 : memref<1x125x128xf32, #tpu.memory_space<vmem>> -> memref<125x128xf32, #tpu.memory_space<vmem>>
        %dma_start3A_430 = arith.constant 0 : i32
        %dma_start3A_431 = tpu.memref_slice %arg7[%run_scoped3A_386, %run_scoped3A_387, %dma_start3A_430] : memref<2x4x125xi32, #tpu.memory_space<vmem>> -> memref<1x1x125xi32, #tpu.memory_space<vmem>>
        %dma_start3A_432 = tpu.memref_squeeze %dma_start3A_431 : memref<1x1x125xi32, #tpu.memory_space<vmem>> -> memref<125xi32, #tpu.memory_space<vmem>>
        %dma_start3A_433 = arith.constant 0 : i32
        %dma_start3A_434 = arith.constant 0 : i32
        %dma_start3A_435 = tpu.memref_slice %arg9[%dma_start3A_433, %dma_start3A_434] : memref<10112x128xf32, #tpu.memory_space<vmem_shared>> -> memref<10112x128xf32, #tpu.memory_space<vmem_shared>>
        tpu.enqueue_indirect_dma source(%dma_start3A_429 : memref<125x128xf32, #tpu.memory_space<vmem>>) target(%dma_start3A_435 : memref<10112x128xf32, #tpu.memory_space<vmem_shared>>) offsets(%dma_start3A_432 : memref<125xi32, #tpu.memory_space<vmem>>) semaphore(%run_scoped3A_425 : memref<!tpu.dma_semaphore, #tpu.memory_space<semaphore_mem>>) {add = true}
        %dma_wait3A_436 = arith.constant 0 : i32
        %dma_wait3A_437 = arith.constant 0 : i32
        %dma_wait3A_438 = tpu.memref_slice %arg8[%run_scoped3A_385, %dma_wait3A_436, %dma_wait3A_437] : memref<2x125x128xf32, #tpu.memory_space<vmem>> -> memref<1x125x128xf32, #tpu.memory_space<vmem>>
        %dma_wait3A_439 = tpu.memref_squeeze %dma_wait3A_438 : memref<1x125x128xf32, #tpu.memory_space<vmem>> -> memref<125x128xf32, #tpu.memory_space<vmem>>
        %dma_wait3A_440 = arith.constant 0 : i32
        %dma_wait3A_441 = tpu.memref_slice %arg7[%run_scoped3A_386, %run_scoped3A_387, %dma_wait3A_440] : memref<2x4x125xi32, #tpu.memory_space<vmem>> -> memref<1x1x125xi32, #tpu.memory_space<vmem>>
        %dma_wait3A_442 = tpu.memref_squeeze %dma_wait3A_441 : memref<1x1x125xi32, #tpu.memory_space<vmem>> -> memref<125xi32, #tpu.memory_space<vmem>>
        %dma_wait3A_443 = arith.constant 0 : i32
        %dma_wait3A_444 = arith.constant 0 : i32
        %dma_wait3A_445 = tpu.memref_slice %arg9[%dma_wait3A_443, %dma_wait3A_444] : memref<10112x128xf32, #tpu.memory_space<vmem_shared>> -> memref<10112x128xf32, #tpu.memory_space<vmem_shared>>
        tpu.wait_indirect_dma semaphore(%run_scoped3A_425 : memref<!tpu.dma_semaphore, #tpu.memory_space<semaphore_mem>>) src(%dma_wait3A_439 : memref<125x128xf32, #tpu.memory_space<vmem>>) dst(%dma_wait3A_445 : memref<10112x128xf32, #tpu.memory_space<vmem_shared>>)
        tpu.yield
      }) : () -> ()
      %add3A_388 = arith.constant 1 : i32
      %add3A_389 = arith.addi %add3A_313, %add3A_388 : i32
      %lt3A_390 = arith.constant 20 : i32
      %lt3A_391 = arith.cmpi slt, %add3A_389, %lt3A_390 : i32
      %convert_element_type3A_392 = arith.extui %lt3A_391 : i1 to i32
      %cond3A_393 = arith.constant 0 : i32
      %cond3A_394 = arith.cmpi ne, %convert_element_type3A_392, %cond3A_393 : i32
      scf.if %cond3A_394 {
        %add3A_425 = arith.constant 1 : i32
        %add3A_426 = arith.addi %add3A_313, %add3A_425 : i32
        %add3A_427 = arith.addi %mul3A_2, %add3A_426 : i32
        %dma_wait3A_428 = arith.constant 0 : i32
        %dma_wait3A_429 = arith.constant 0 : i32
        %dma_wait3A_430 = arith.constant 0 : i32
        %dma_wait3A_431 = arith.constant 0 : i32
        %dma_wait3A_432 = tpu.memref_slice %arg6[%dma_wait3A_429, %dma_wait3A_430, %dma_wait3A_431] : memref<2x4x125xi32, #tpu.memory_space<vmem>> -> memref<1x4x125xi32, #tpu.memory_space<vmem>>
        %dma_wait3A_433 = tpu.memref_squeeze %dma_wait3A_432 : memref<1x4x125xi32, #tpu.memory_space<vmem>> -> memref<4x125xi32, #tpu.memory_space<vmem>>
        %dma_wait3A_434 = arith.constant 0 : i32
        %dma_wait3A_435 = arith.constant 0 : i32
        %dma_wait3A_436 = tpu.memref_slice %arg3[%dma_wait3A_428, %add3A_427, %dma_wait3A_434, %dma_wait3A_435] : memref<2x640x4x125xi32, #tpu.memory_space<hbm>> -> memref<1x1x4x125xi32, #tpu.memory_space<hbm>>
        %dma_wait3A_437 = tpu.memref_squeeze %dma_wait3A_436 : memref<1x1x4x125xi32, #tpu.memory_space<hbm>> -> memref<4x125xi32, #tpu.memory_space<hbm>>
        %dma_wait3A_438 = arith.constant 0 : i32
        %dma_wait3A_439 = arith.constant 0 : i32
        %dma_wait3A_440 = tpu.memref_slice %arg6[%dma_wait3A_429, %dma_wait3A_438, %dma_wait3A_439] : memref<2x4x125xi32, #tpu.memory_space<vmem>> -> memref<1x4x125xi32, #tpu.memory_space<vmem>>
        %dma_wait3A_441 = tpu.memref_squeeze %dma_wait3A_440 : memref<1x4x125xi32, #tpu.memory_space<vmem>> -> memref<4x125xi32, #tpu.memory_space<vmem>>
        %dma_wait3A_442 = arith.constant 0 : i32
        %dma_wait3A_443 = arith.constant 0 : i32
        %dma_wait3A_444 = tpu.memref_slice %arg3[%dma_wait3A_428, %add3A_427, %dma_wait3A_442, %dma_wait3A_443] : memref<2x640x4x125xi32, #tpu.memory_space<hbm>> -> memref<1x1x4x125xi32, #tpu.memory_space<hbm>>
        %dma_wait3A_445 = tpu.memref_squeeze %dma_wait3A_444 : memref<1x1x4x125xi32, #tpu.memory_space<hbm>> -> memref<4x125xi32, #tpu.memory_space<hbm>>
        tpu.wait_dma2 semaphore(%arg12 : memref<!tpu.dma_semaphore, #tpu.memory_space<semaphore_mem>>) src(%dma_wait3A_445 : memref<4x125xi32, #tpu.memory_space<hbm>>) dst(%dma_wait3A_441 : memref<4x125xi32, #tpu.memory_space<vmem>>)
        %add3A_446 = arith.addi %mul3A_2, %add3A_426 : i32
        %dma_wait3A_447 = arith.constant 1 : i32
        %dma_wait3A_448 = arith.constant 0 : i32
        %dma_wait3A_449 = arith.constant 0 : i32
        %dma_wait3A_450 = arith.constant 0 : i32
        %dma_wait3A_451 = tpu.memref_slice %arg7[%dma_wait3A_448, %dma_wait3A_449, %dma_wait3A_450] : memref<2x4x125xi32, #tpu.memory_space<vmem>> -> memref<1x4x125xi32, #tpu.memory_space<vmem>>
        %dma_wait3A_452 = tpu.memref_squeeze %dma_wait3A_451 : memref<1x4x125xi32, #tpu.memory_space<vmem>> -> memref<4x125xi32, #tpu.memory_space<vmem>>
        %dma_wait3A_453 = arith.constant 0 : i32
        %dma_wait3A_454 = arith.constant 0 : i32
        %dma_wait3A_455 = tpu.memref_slice %arg3[%dma_wait3A_447, %add3A_446, %dma_wait3A_453, %dma_wait3A_454] : memref<2x640x4x125xi32, #tpu.memory_space<hbm>> -> memref<1x1x4x125xi32, #tpu.memory_space<hbm>>
        %dma_wait3A_456 = tpu.memref_squeeze %dma_wait3A_455 : memref<1x1x4x125xi32, #tpu.memory_space<hbm>> -> memref<4x125xi32, #tpu.memory_space<hbm>>
        %dma_wait3A_457 = arith.constant 0 : i32
        %dma_wait3A_458 = arith.constant 0 : i32
        %dma_wait3A_459 = tpu.memref_slice %arg7[%dma_wait3A_448, %dma_wait3A_457, %dma_wait3A_458] : memref<2x4x125xi32, #tpu.memory_space<vmem>> -> memref<1x4x125xi32, #tpu.memory_space<vmem>>
        %dma_wait3A_460 = tpu.memref_squeeze %dma_wait3A_459 : memref<1x4x125xi32, #tpu.memory_space<vmem>> -> memref<4x125xi32, #tpu.memory_space<vmem>>
        %dma_wait3A_461 = arith.constant 0 : i32
        %dma_wait3A_462 = arith.constant 0 : i32
        %dma_wait3A_463 = tpu.memref_slice %arg3[%dma_wait3A_447, %add3A_446, %dma_wait3A_461, %dma_wait3A_462] : memref<2x640x4x125xi32, #tpu.memory_space<hbm>> -> memref<1x1x4x125xi32, #tpu.memory_space<hbm>>
        %dma_wait3A_464 = tpu.memref_squeeze %dma_wait3A_463 : memref<1x1x4x125xi32, #tpu.memory_space<hbm>> -> memref<4x125xi32, #tpu.memory_space<hbm>>
        tpu.wait_dma2 semaphore(%arg12 : memref<!tpu.dma_semaphore, #tpu.memory_space<semaphore_mem>>) src(%dma_wait3A_464 : memref<4x125xi32, #tpu.memory_space<hbm>>) dst(%dma_wait3A_460 : memref<4x125xi32, #tpu.memory_space<vmem>>)
        %dma_start3A_465 = arith.constant 0 : i32
        %dma_start3A_466 = arith.constant 0 : i32
        %dma_start3A_467 = arith.constant 0 : i32
        %dma_start3A_468 = arith.constant 0 : i32
        %dma_start3A_469 = arith.constant 0 : i32
        %dma_start3A_470 = tpu.memref_slice %arg8[%dma_start3A_467, %dma_start3A_468, %dma_start3A_469] : memref<2x125x128xf32, #tpu.memory_space<vmem>> -> memref<1x125x128xf32, #tpu.memory_space<vmem>>
        %dma_start3A_471 = tpu.memref_squeeze %dma_start3A_470 : memref<1x125x128xf32, #tpu.memory_space<vmem>> -> memref<125x128xf32, #tpu.memory_space<vmem>>
        %dma_start3A_472 = arith.constant 0 : i32
        %dma_start3A_473 = tpu.memref_slice %arg6[%dma_start3A_465, %dma_start3A_466, %dma_start3A_472] : memref<2x4x125xi32, #tpu.memory_space<vmem>> -> memref<1x1x125xi32, #tpu.memory_space<vmem>>
        %dma_start3A_474 = tpu.memref_squeeze %dma_start3A_473 : memref<1x1x125xi32, #tpu.memory_space<vmem>> -> memref<125xi32, #tpu.memory_space<vmem>>
        %dma_start3A_475 = arith.constant 0 : i32
        %dma_start3A_476 = arith.constant 0 : i32
        %dma_start3A_477 = tpu.memref_slice %arg2[%dma_start3A_475, %dma_start3A_476] : memref<10000x128xf32, #tpu.memory_space<hbm>> -> memref<10000x128xf32, #tpu.memory_space<hbm>>
        tpu.enqueue_indirect_dma source(%dma_start3A_477 : memref<10000x128xf32, #tpu.memory_space<hbm>>) target(%dma_start3A_471 : memref<125x128xf32, #tpu.memory_space<vmem>>) offsets(%dma_start3A_474 : memref<125xi32, #tpu.memory_space<vmem>>) semaphore(%arg10 : memref<!tpu.dma_semaphore, #tpu.memory_space<semaphore_mem>>)
      } else {
      }
      %dma_wait3A_395 = arith.constant 1 : i32
      %dma_wait3A_396 = arith.constant 3 : i32
      %dma_wait3A_397 = arith.constant 1 : i32
      %dma_wait3A_398 = arith.constant 0 : i32
      %dma_wait3A_399 = arith.constant 0 : i32
      %dma_wait3A_400 = tpu.memref_slice %arg8[%dma_wait3A_397, %dma_wait3A_398, %dma_wait3A_399] : memref<2x125x128xf32, #tpu.memory_space<vmem>> -> memref<1x125x128xf32, #tpu.memory_space<vmem>>
      %dma_wait3A_401 = tpu.memref_squeeze %dma_wait3A_400 : memref<1x125x128xf32, #tpu.memory_space<vmem>> -> memref<125x128xf32, #tpu.memory_space<vmem>>
      %dma_wait3A_402 = arith.constant 0 : i32
      %dma_wait3A_403 = tpu.memref_slice %arg6[%dma_wait3A_395, %dma_wait3A_396, %dma_wait3A_402] : memref<2x4x125xi32, #tpu.memory_space<vmem>> -> memref<1x1x125xi32, #tpu.memory_space<vmem>>
      %dma_wait3A_404 = tpu.memref_squeeze %dma_wait3A_403 : memref<1x1x125xi32, #tpu.memory_space<vmem>> -> memref<125xi32, #tpu.memory_space<vmem>>
      %dma_wait3A_405 = arith.constant 0 : i32
      %dma_wait3A_406 = arith.constant 0 : i32
      %dma_wait3A_407 = tpu.memref_slice %arg2[%dma_wait3A_405, %dma_wait3A_406] : memref<10000x128xf32, #tpu.memory_space<hbm>> -> memref<10000x128xf32, #tpu.memory_space<hbm>>
      tpu.wait_indirect_dma semaphore(%arg11 : memref<!tpu.dma_semaphore, #tpu.memory_space<semaphore_mem>>) src(%dma_wait3A_407 : memref<10000x128xf32, #tpu.memory_space<hbm>>) dst(%dma_wait3A_401 : memref<125x128xf32, #tpu.memory_space<vmem>>)
      %run_scoped3A_408 = arith.constant 1 : i32
      %run_scoped3A_409 = arith.constant 1 : i32
      %run_scoped3A_410 = arith.constant 3 : i32
      "tpu.region"() ({
        %run_scoped3A_425 = tpu.sem_alloc : memref<!tpu.dma_semaphore, #tpu.memory_space<semaphore_mem>>
        %dma_start3A_426 = arith.constant 0 : i32
        %dma_start3A_427 = arith.constant 0 : i32
        %dma_start3A_428 = tpu.memref_slice %arg8[%run_scoped3A_408, %dma_start3A_426, %dma_start3A_427] : memref<2x125x128xf32, #tpu.memory_space<vmem>> -> memref<1x125x128xf32, #tpu.memory_space<vmem>>
        %dma_start3A_429 = tpu.memref_squeeze %dma_start3A_428 : memref<1x125x128xf32, #tpu.memory_space<vmem>> -> memref<125x128xf32, #tpu.memory_space<vmem>>
        %dma_start3A_430 = arith.constant 0 : i32
        %dma_start3A_431 = tpu.memref_slice %arg7[%run_scoped3A_409, %run_scoped3A_410, %dma_start3A_430] : memref<2x4x125xi32, #tpu.memory_space<vmem>> -> memref<1x1x125xi32, #tpu.memory_space<vmem>>
        %dma_start3A_432 = tpu.memref_squeeze %dma_start3A_431 : memref<1x1x125xi32, #tpu.memory_space<vmem>> -> memref<125xi32, #tpu.memory_space<vmem>>
        %dma_start3A_433 = arith.constant 0 : i32
        %dma_start3A_434 = arith.constant 0 : i32
        %dma_start3A_435 = tpu.memref_slice %arg9[%dma_start3A_433, %dma_start3A_434] : memref<10112x128xf32, #tpu.memory_space<vmem_shared>> -> memref<10112x128xf32, #tpu.memory_space<vmem_shared>>
        tpu.enqueue_indirect_dma source(%dma_start3A_429 : memref<125x128xf32, #tpu.memory_space<vmem>>) target(%dma_start3A_435 : memref<10112x128xf32, #tpu.memory_space<vmem_shared>>) offsets(%dma_start3A_432 : memref<125xi32, #tpu.memory_space<vmem>>) semaphore(%run_scoped3A_425 : memref<!tpu.dma_semaphore, #tpu.memory_space<semaphore_mem>>) {add = true}
        %dma_wait3A_436 = arith.constant 0 : i32
        %dma_wait3A_437 = arith.constant 0 : i32
        %dma_wait3A_438 = tpu.memref_slice %arg8[%run_scoped3A_408, %dma_wait3A_436, %dma_wait3A_437] : memref<2x125x128xf32, #tpu.memory_space<vmem>> -> memref<1x125x128xf32, #tpu.memory_space<vmem>>
        %dma_wait3A_439 = tpu.memref_squeeze %dma_wait3A_438 : memref<1x125x128xf32, #tpu.memory_space<vmem>> -> memref<125x128xf32, #tpu.memory_space<vmem>>
        %dma_wait3A_440 = arith.constant 0 : i32
        %dma_wait3A_441 = tpu.memref_slice %arg7[%run_scoped3A_409, %run_scoped3A_410, %dma_wait3A_440] : memref<2x4x125xi32, #tpu.memory_space<vmem>> -> memref<1x1x125xi32, #tpu.memory_space<vmem>>
        %dma_wait3A_442 = tpu.memref_squeeze %dma_wait3A_441 : memref<1x1x125xi32, #tpu.memory_space<vmem>> -> memref<125xi32, #tpu.memory_space<vmem>>
        %dma_wait3A_443 = arith.constant 0 : i32
        %dma_wait3A_444 = arith.constant 0 : i32
        %dma_wait3A_445 = tpu.memref_slice %arg9[%dma_wait3A_443, %dma_wait3A_444] : memref<10112x128xf32, #tpu.memory_space<vmem_shared>> -> memref<10112x128xf32, #tpu.memory_space<vmem_shared>>
        tpu.wait_indirect_dma semaphore(%run_scoped3A_425 : memref<!tpu.dma_semaphore, #tpu.memory_space<semaphore_mem>>) src(%dma_wait3A_439 : memref<125x128xf32, #tpu.memory_space<vmem>>) dst(%dma_wait3A_445 : memref<10112x128xf32, #tpu.memory_space<vmem_shared>>)
        tpu.yield
      }) : () -> ()
      %add3A_411 = arith.constant 1 : i32
      %add3A_412 = arith.addi %add3A_313, %add3A_411 : i32
      %lt3A_413 = arith.constant 20 : i32
      %lt3A_414 = arith.cmpi slt, %add3A_412, %lt3A_413 : i32
      %convert_element_type3A_415 = arith.extui %lt3A_414 : i1 to i32
      %cond3A_416 = arith.constant 0 : i32
      %cond3A_417 = arith.cmpi ne, %convert_element_type3A_415, %cond3A_416 : i32
      scf.if %cond3A_417 {
        %dma_start3A_425 = arith.constant 0 : i32
        %dma_start3A_426 = arith.constant 1 : i32
        %dma_start3A_427 = arith.constant 1 : i32
        %dma_start3A_428 = arith.constant 0 : i32
        %dma_start3A_429 = arith.constant 0 : i32
        %dma_start3A_430 = tpu.memref_slice %arg8[%dma_start3A_427, %dma_start3A_428, %dma_start3A_429] : memref<2x125x128xf32, #tpu.memory_space<vmem>> -> memref<1x125x128xf32, #tpu.memory_space<vmem>>
        %dma_start3A_431 = tpu.memref_squeeze %dma_start3A_430 : memref<1x125x128xf32, #tpu.memory_space<vmem>> -> memref<125x128xf32, #tpu.memory_space<vmem>>
        %dma_start3A_432 = arith.constant 0 : i32
        %dma_start3A_433 = tpu.memref_slice %arg6[%dma_start3A_425, %dma_start3A_426, %dma_start3A_432] : memref<2x4x125xi32, #tpu.memory_space<vmem>> -> memref<1x1x125xi32, #tpu.memory_space<vmem>>
        %dma_start3A_434 = tpu.memref_squeeze %dma_start3A_433 : memref<1x1x125xi32, #tpu.memory_space<vmem>> -> memref<125xi32, #tpu.memory_space<vmem>>
        %dma_start3A_435 = arith.constant 0 : i32
        %dma_start3A_436 = arith.constant 0 : i32
        %dma_start3A_437 = tpu.memref_slice %arg2[%dma_start3A_435, %dma_start3A_436] : memref<10000x128xf32, #tpu.memory_space<hbm>> -> memref<10000x128xf32, #tpu.memory_space<hbm>>
        tpu.enqueue_indirect_dma source(%dma_start3A_437 : memref<10000x128xf32, #tpu.memory_space<hbm>>) target(%dma_start3A_431 : memref<125x128xf32, #tpu.memory_space<vmem>>) offsets(%dma_start3A_434 : memref<125xi32, #tpu.memory_space<vmem>>) semaphore(%arg11 : memref<!tpu.dma_semaphore, #tpu.memory_space<semaphore_mem>>)
      } else {
      }
      %add3A_418 = arith.constant 2 : i32
      %add3A_419 = arith.addi %add3A_313, %add3A_418 : i32
      %lt3A_420 = arith.constant 20 : i32
      %lt3A_421 = arith.cmpi slt, %add3A_419, %lt3A_420 : i32
      %convert_element_type3A_422 = arith.extui %lt3A_421 : i1 to i32
      %cond3A_423 = arith.constant 0 : i32
      %cond3A_424 = arith.cmpi ne, %convert_element_type3A_422, %cond3A_423 : i32
      scf.if %cond3A_424 {
        %add3A_425 = arith.constant 2 : i32
        %add3A_426 = arith.addi %add3A_313, %add3A_425 : i32
        %add3A_427 = arith.addi %mul3A_2, %add3A_426 : i32
        %dma_start3A_428 = arith.constant 0 : i32
        %dma_start3A_429 = arith.constant 1 : i32
        %dma_start3A_430 = arith.constant 0 : i32
        %dma_start3A_431 = arith.constant 0 : i32
        %dma_start3A_432 = tpu.memref_slice %arg6[%dma_start3A_429, %dma_start3A_430, %dma_start3A_431] : memref<2x4x125xi32, #tpu.memory_space<vmem>> -> memref<1x4x125xi32, #tpu.memory_space<vmem>>
        %dma_start3A_433 = tpu.memref_squeeze %dma_start3A_432 : memref<1x4x125xi32, #tpu.memory_space<vmem>> -> memref<4x125xi32, #tpu.memory_space<vmem>>
        %dma_start3A_434 = arith.constant 0 : i32
        %dma_start3A_435 = arith.constant 0 : i32
        %dma_start3A_436 = tpu.memref_slice %arg3[%dma_start3A_428, %add3A_427, %dma_start3A_434, %dma_start3A_435] : memref<2x640x4x125xi32, #tpu.memory_space<hbm>> -> memref<1x1x4x125xi32, #tpu.memory_space<hbm>>
        %dma_start3A_437 = tpu.memref_squeeze %dma_start3A_436 : memref<1x1x4x125xi32, #tpu.memory_space<hbm>> -> memref<4x125xi32, #tpu.memory_space<hbm>>
        %dma_start3A_438 = arith.constant 0 : i32
        %dma_start3A_439 = arith.constant 0 : i32
        %dma_start3A_440 = tpu.memref_slice %arg6[%dma_start3A_429, %dma_start3A_438, %dma_start3A_439] : memref<2x4x125xi32, #tpu.memory_space<vmem>> -> memref<1x4x125xi32, #tpu.memory_space<vmem>>
        %dma_start3A_441 = tpu.memref_squeeze %dma_start3A_440 : memref<1x4x125xi32, #tpu.memory_space<vmem>> -> memref<4x125xi32, #tpu.memory_space<vmem>>
        %dma_start3A_442 = arith.constant 0 : i32
        %dma_start3A_443 = arith.constant 0 : i32
        %dma_start3A_444 = tpu.memref_slice %arg3[%dma_start3A_428, %add3A_427, %dma_start3A_442, %dma_start3A_443] : memref<2x640x4x125xi32, #tpu.memory_space<hbm>> -> memref<1x1x4x125xi32, #tpu.memory_space<hbm>>
        %dma_start3A_445 = tpu.memref_squeeze %dma_start3A_444 : memref<1x1x4x125xi32, #tpu.memory_space<hbm>> -> memref<4x125xi32, #tpu.memory_space<hbm>>
        tpu.enqueue_dma source(%dma_start3A_445 : memref<4x125xi32, #tpu.memory_space<hbm>>) target(%dma_start3A_441 : memref<4x125xi32, #tpu.memory_space<vmem>>) target_semaphore(%arg13 : memref<!tpu.dma_semaphore, #tpu.memory_space<semaphore_mem>>)
        %add3A_446 = arith.addi %mul3A_2, %add3A_426 : i32
        %dma_start3A_447 = arith.constant 1 : i32
        %dma_start3A_448 = arith.constant 1 : i32
        %dma_start3A_449 = arith.constant 0 : i32
        %dma_start3A_450 = arith.constant 0 : i32
        %dma_start3A_451 = tpu.memref_slice %arg7[%dma_start3A_448, %dma_start3A_449, %dma_start3A_450] : memref<2x4x125xi32, #tpu.memory_space<vmem>> -> memref<1x4x125xi32, #tpu.memory_space<vmem>>
        %dma_start3A_452 = tpu.memref_squeeze %dma_start3A_451 : memref<1x4x125xi32, #tpu.memory_space<vmem>> -> memref<4x125xi32, #tpu.memory_space<vmem>>
        %dma_start3A_453 = arith.constant 0 : i32
        %dma_start3A_454 = arith.constant 0 : i32
        %dma_start3A_455 = tpu.memref_slice %arg3[%dma_start3A_447, %add3A_446, %dma_start3A_453, %dma_start3A_454] : memref<2x640x4x125xi32, #tpu.memory_space<hbm>> -> memref<1x1x4x125xi32, #tpu.memory_space<hbm>>
        %dma_start3A_456 = tpu.memref_squeeze %dma_start3A_455 : memref<1x1x4x125xi32, #tpu.memory_space<hbm>> -> memref<4x125xi32, #tpu.memory_space<hbm>>
        %dma_start3A_457 = arith.constant 0 : i32
        %dma_start3A_458 = arith.constant 0 : i32
        %dma_start3A_459 = tpu.memref_slice %arg7[%dma_start3A_448, %dma_start3A_457, %dma_start3A_458] : memref<2x4x125xi32, #tpu.memory_space<vmem>> -> memref<1x4x125xi32, #tpu.memory_space<vmem>>
        %dma_start3A_460 = tpu.memref_squeeze %dma_start3A_459 : memref<1x4x125xi32, #tpu.memory_space<vmem>> -> memref<4x125xi32, #tpu.memory_space<vmem>>
        %dma_start3A_461 = arith.constant 0 : i32
        %dma_start3A_462 = arith.constant 0 : i32
        %dma_start3A_463 = tpu.memref_slice %arg3[%dma_start3A_447, %add3A_446, %dma_start3A_461, %dma_start3A_462] : memref<2x640x4x125xi32, #tpu.memory_space<hbm>> -> memref<1x1x4x125xi32, #tpu.memory_space<hbm>>
        %dma_start3A_464 = tpu.memref_squeeze %dma_start3A_463 : memref<1x1x4x125xi32, #tpu.memory_space<hbm>> -> memref<4x125xi32, #tpu.memory_space<hbm>>
        tpu.enqueue_dma source(%dma_start3A_464 : memref<4x125xi32, #tpu.memory_space<hbm>>) target(%dma_start3A_460 : memref<4x125xi32, #tpu.memory_space<vmem>>) target_semaphore(%arg13 : memref<!tpu.dma_semaphore, #tpu.memory_space<semaphore_mem>>)
      } else {
      }
    }
    %scan3A_186 = arith.constant 10 : i32
    %barrier3A_187 = arith.constant 0 : index
    tpu.barrier barrier_id(%barrier3A_187)
    %eq3A = arith.constant 0 : i32
    %eq3A_188 = arith.cmpi eq, %arg0, %eq3A : i32
    %convert_element_type3A = arith.extui %eq3A_188 : i1 to i32
    %cond3A = arith.constant 0 : i32
    %cond3A_189 = arith.cmpi ne, %convert_element_type3A, %cond3A : i32
    scf.if %cond3A_189 {
      %mul3A_195 = arith.constant 632 : i32
      %mul3A_196 = arith.muli %arg1, %mul3A_195 : i32
      %mul3A_197 = arith.constant 632 : i32
      %mul3A_198 = arith.muli %arg1, %mul3A_197 : i32
      "tpu.region"() ({
        %run_scoped3A_199 = tpu.sem_alloc : memref<!tpu.dma_semaphore, #tpu.memory_space<semaphore_mem>>
        %dma_start3A_200 = arith.constant 0 : i32
        %dma_start3A_201 = tpu.memref_slice %arg4[%mul3A_198, %dma_start3A_200] : memref<10112x128xf32, #tpu.memory_space<hbm>> -> memref<632x128xf32, #tpu.memory_space<hbm>>
        %dma_start3A_202 = arith.constant 0 : i32
        %dma_start3A_203 = tpu.memref_slice %arg9[%mul3A_196, %dma_start3A_202] : memref<10112x128xf32, #tpu.memory_space<vmem_shared>> -> memref<632x128xf32, #tpu.memory_space<vmem_shared>>
        tpu.enqueue_dma source(%dma_start3A_203 : memref<632x128xf32, #tpu.memory_space<vmem_shared>>) target(%dma_start3A_201 : memref<632x128xf32, #tpu.memory_space<hbm>>) target_semaphore(%run_scoped3A_199 : memref<!tpu.dma_semaphore, #tpu.memory_space<semaphore_mem>>)
        %dma_wait3A_204 = arith.constant 0 : i32
        %dma_wait3A_205 = tpu.memref_slice %arg4[%mul3A_198, %dma_wait3A_204] : memref<10112x128xf32, #tpu.memory_space<hbm>> -> memref<632x128xf32, #tpu.memory_space<hbm>>
        %dma_wait3A_206 = arith.constant 0 : i32
        %dma_wait3A_207 = tpu.memref_slice %arg9[%mul3A_196, %dma_wait3A_206] : memref<10112x128xf32, #tpu.memory_space<vmem_shared>> -> memref<632x128xf32, #tpu.memory_space<vmem_shared>>
        tpu.wait_dma2 semaphore(%run_scoped3A_199 : memref<!tpu.dma_semaphore, #tpu.memory_space<semaphore_mem>>) src(%dma_wait3A_207 : memref<632x128xf32, #tpu.memory_space<vmem_shared>>) dst(%dma_wait3A_205 : memref<632x128xf32, #tpu.memory_space<hbm>>)
        tpu.yield
      }) : () -> ()
    } else {
    }
    %eq3A_190 = arith.constant 1 : i32
    %eq3A_191 = arith.cmpi eq, %arg0, %eq3A_190 : i32
    %convert_element_type3A_192 = arith.extui %eq3A_191 : i1 to i32
    %cond3A_193 = arith.constant 0 : i32
    %cond3A_194 = arith.cmpi ne, %convert_element_type3A_192, %cond3A_193 : i32
    scf.if %cond3A_194 {
      %mul3A_195 = arith.constant 632 : i32
      %mul3A_196 = arith.muli %arg1, %mul3A_195 : i32
      %mul3A_197 = arith.constant 632 : i32
      %mul3A_198 = arith.muli %arg1, %mul3A_197 : i32
      "tpu.region"() ({
        %run_scoped3A_199 = tpu.sem_alloc : memref<!tpu.dma_semaphore, #tpu.memory_space<semaphore_mem>>
        %dma_start3A_200 = arith.constant 0 : i32
        %dma_start3A_201 = tpu.memref_slice %arg5[%mul3A_198, %dma_start3A_200] : memref<10112x128xf32, #tpu.memory_space<hbm>> -> memref<632x128xf32, #tpu.memory_space<hbm>>
        %dma_start3A_202 = arith.constant 0 : i32
        %dma_start3A_203 = tpu.memref_slice %arg9[%mul3A_196, %dma_start3A_202] : memref<10112x128xf32, #tpu.memory_space<vmem_shared>> -> memref<632x128xf32, #tpu.memory_space<vmem_shared>>
        tpu.enqueue_dma source(%dma_start3A_203 : memref<632x128xf32, #tpu.memory_space<vmem_shared>>) target(%dma_start3A_201 : memref<632x128xf32, #tpu.memory_space<hbm>>) target_semaphore(%run_scoped3A_199 : memref<!tpu.dma_semaphore, #tpu.memory_space<semaphore_mem>>)
        %dma_wait3A_204 = arith.constant 0 : i32
        %dma_wait3A_205 = tpu.memref_slice %arg5[%mul3A_198, %dma_wait3A_204] : memref<10112x128xf32, #tpu.memory_space<hbm>> -> memref<632x128xf32, #tpu.memory_space<hbm>>
        %dma_wait3A_206 = arith.constant 0 : i32
        %dma_wait3A_207 = tpu.memref_slice %arg9[%mul3A_196, %dma_wait3A_206] : memref<10112x128xf32, #tpu.memory_space<vmem_shared>> -> memref<632x128xf32, #tpu.memory_space<vmem_shared>>
        tpu.wait_dma2 semaphore(%run_scoped3A_199 : memref<!tpu.dma_semaphore, #tpu.memory_space<semaphore_mem>>) src(%dma_wait3A_207 : memref<632x128xf32, #tpu.memory_space<vmem_shared>>) dst(%dma_wait3A_205 : memref<632x128xf32, #tpu.memory_space<hbm>>)
        tpu.yield
      }) : () -> ()
    } else {
    }
    return
  }
}

#map = affine_map<(d0, d1) -> (0, 0)>
#map1 = affine_map<(d0, d1) -> (0, 0, 0, 0)>
module attributes {stable_mosaic.version = 14 : i64} {
  func.func @_sc_agg(%arg0: i32, %arg1: i32, %arg2: memref<10000x128xf32, #tpu.memory_space<hbm>>, %arg3: memref<2x640x4x125xi32, #tpu.memory_space<hbm>>, %arg4: memref<10112x128xf32, #tpu.memory_space<hbm>>, %arg5: memref<10112x128xf32, #tpu.memory_space<hbm>>, %arg6: memref<2x4x125xi32, #tpu.memory_space<vmem>>, %arg7: memref<2x4x125xi32, #tpu.memory_space<vmem>>, %arg8: memref<2x125x128xf32, #tpu.memory_space<vmem>>, %arg9: memref<10112x128xf32, #tpu.memory_space<vmem_shared>>, %arg10: memref<!tpu.dma_semaphore, #tpu.memory_space<semaphore_mem>>, %arg11: memref<!tpu.dma_semaphore, #tpu.memory_space<semaphore_mem>>, %arg12: memref<!tpu.dma_semaphore, #tpu.memory_space<semaphore_mem>>, %arg13: memref<!tpu.dma_semaphore, #tpu.memory_space<semaphore_mem>>) attributes {dimension_semantics = [#tpu.dimension_semantics<core_parallel>, #tpu.dimension_semantics<subcore_parallel>], iteration_bounds = array<i64: 2, 16>, scalar_prefetch = 0 : i64, scratch_operands = 8 : i64, tpu.core_type = #tpu.core_type<sc_vector_subcore>, window_params = [{transform_indices = #map}, {transform_indices = #map1}, {transform_indices = #map}, {transform_indices = #map}]} {
    %mul3A = arith.constant 16 : i32
    %mul3A_0 = arith.muli %arg0, %mul3A : i32
    %add3A = arith.addi %mul3A_0, %arg1 : i32
    %mul3A_1 = arith.constant 20 : i32
    %mul3A_2 = arith.muli %add3A, %mul3A_1 : i32
    %add3A_3 = arith.constant 0 : i32
    %add3A_4 = arith.addi %mul3A_2, %add3A_3 : i32
    %dma_start3A = arith.constant 0 : i32
    %dma_start3A_5 = arith.constant 0 : i32
    %dma_start3A_6 = arith.constant 0 : i32
    %dma_start3A_7 = arith.constant 0 : i32
    %dma_start3A_8 = tpu.memref_slice %arg6[%dma_start3A_5, %dma_start3A_6, %dma_start3A_7] : memref<2x4x125xi32, #tpu.memory_space<vmem>> -> memref<1x4x125xi32, #tpu.memory_space<vmem>>
    %dma_start3A_9 = tpu.memref_squeeze %dma_start3A_8 : memref<1x4x125xi32, #tpu.memory_space<vmem>> -> memref<4x125xi32, #tpu.memory_space<vmem>>
    %dma_start3A_10 = arith.constant 0 : i32
    %dma_start3A_11 = arith.constant 0 : i32
    %dma_start3A_12 = tpu.memref_slice %arg3[%dma_start3A, %add3A_4, %dma_start3A_10, %dma_start3A_11] : memref<2x640x4x125xi32, #tpu.memory_space<hbm>> -> memref<1x1x4x125xi32, #tpu.memory_space<hbm>>
    %dma_start3A_13 = tpu.memref_squeeze %dma_start3A_12 : memref<1x1x4x125xi32, #tpu.memory_space<hbm>> -> memref<4x125xi32, #tpu.memory_space<hbm>>
    %dma_start3A_14 = arith.constant 0 : i32
    %dma_start3A_15 = arith.constant 0 : i32
    %dma_start3A_16 = tpu.memref_slice %arg6[%dma_start3A_5, %dma_start3A_14, %dma_start3A_15] : memref<2x4x125xi32, #tpu.memory_space<vmem>> -> memref<1x4x125xi32, #tpu.memory_space<vmem>>
    %dma_start3A_17 = tpu.memref_squeeze %dma_start3A_16 : memref<1x4x125xi32, #tpu.memory_space<vmem>> -> memref<4x125xi32, #tpu.memory_space<vmem>>
    %dma_start3A_18 = arith.constant 0 : i32
    %dma_start3A_19 = arith.constant 0 : i32
    %dma_start3A_20 = tpu.memref_slice %arg3[%dma_start3A, %add3A_4, %dma_start3A_18, %dma_start3A_19] : memref<2x640x4x125xi32, #tpu.memory_space<hbm>> -> memref<1x1x4x125xi32, #tpu.memory_space<hbm>>
    %dma_start3A_21 = tpu.memref_squeeze %dma_start3A_20 : memref<1x1x4x125xi32, #tpu.memory_space<hbm>> -> memref<4x125xi32, #tpu.memory_space<hbm>>
    tpu.enqueue_dma source(%dma_start3A_21 : memref<4x125xi32, #tpu.memory_space<hbm>>) target(%dma_start3A_17 : memref<4x125xi32, #tpu.memory_space<vmem>>) target_semaphore(%arg12 : memref<!tpu.dma_semaphore, #tpu.memory_space<semaphore_mem>>)
    %add3A_22 = arith.constant 0 : i32
    %add3A_23 = arith.addi %mul3A_2, %add3A_22 : i32
    %dma_start3A_24 = arith.constant 1 : i32
    %dma_start3A_25 = arith.constant 0 : i32
    %dma_start3A_26 = arith.constant 0 : i32
    %dma_start3A_27 = arith.constant 0 : i32
    %dma_start3A_28 = tpu.memref_slice %arg7[%dma_start3A_25, %dma_start3A_26, %dma_start3A_27] : memref<2x4x125xi32, #tpu.memory_space<vmem>> -> memref<1x4x125xi32, #tpu.memory_space<vmem>>
    %dma_start3A_29 = tpu.memref_squeeze %dma_start3A_28 : memref<1x4x125xi32, #tpu.memory_space<vmem>> -> memref<4x125xi32, #tpu.memory_space<vmem>>
    %dma_start3A_30 = arith.constant 0 : i32
    %dma_start3A_31 = arith.constant 0 : i32
    %dma_start3A_32 = tpu.memref_slice %arg3[%dma_start3A_24, %add3A_23, %dma_start3A_30, %dma_start3A_31] : memref<2x640x4x125xi32, #tpu.memory_space<hbm>> -> memref<1x1x4x125xi32, #tpu.memory_space<hbm>>
    %dma_start3A_33 = tpu.memref_squeeze %dma_start3A_32 : memref<1x1x4x125xi32, #tpu.memory_space<hbm>> -> memref<4x125xi32, #tpu.memory_space<hbm>>
    %dma_start3A_34 = arith.constant 0 : i32
    %dma_start3A_35 = arith.constant 0 : i32
    %dma_start3A_36 = tpu.memref_slice %arg7[%dma_start3A_25, %dma_start3A_34, %dma_start3A_35] : memref<2x4x125xi32, #tpu.memory_space<vmem>> -> memref<1x4x125xi32, #tpu.memory_space<vmem>>
    %dma_start3A_37 = tpu.memref_squeeze %dma_start3A_36 : memref<1x4x125xi32, #tpu.memory_space<vmem>> -> memref<4x125xi32, #tpu.memory_space<vmem>>
    %dma_start3A_38 = arith.constant 0 : i32
    %dma_start3A_39 = arith.constant 0 : i32
    %dma_start3A_40 = tpu.memref_slice %arg3[%dma_start3A_24, %add3A_23, %dma_start3A_38, %dma_start3A_39] : memref<2x640x4x125xi32, #tpu.memory_space<hbm>> -> memref<1x1x4x125xi32, #tpu.memory_space<hbm>>
    %dma_start3A_41 = tpu.memref_squeeze %dma_start3A_40 : memref<1x1x4x125xi32, #tpu.memory_space<hbm>> -> memref<4x125xi32, #tpu.memory_space<hbm>>
    tpu.enqueue_dma source(%dma_start3A_41 : memref<4x125xi32, #tpu.memory_space<hbm>>) target(%dma_start3A_37 : memref<4x125xi32, #tpu.memory_space<vmem>>) target_semaphore(%arg12 : memref<!tpu.dma_semaphore, #tpu.memory_space<semaphore_mem>>)
    %add3A_42 = arith.constant 1 : i32
    %add3A_43 = arith.addi %mul3A_2, %add3A_42 : i32
    %dma_start3A_44 = arith.constant 0 : i32
    %dma_start3A_45 = arith.constant 1 : i32
    %dma_start3A_46 = arith.constant 0 : i32
    %dma_start3A_47 = arith.constant 0 : i32
    %dma_start3A_48 = tpu.memref_slice %arg6[%dma_start3A_45, %dma_start3A_46, %dma_start3A_47] : memref<2x4x125xi32, #tpu.memory_space<vmem>> -> memref<1x4x125xi32, #tpu.memory_space<vmem>>
    %dma_start3A_49 = tpu.memref_squeeze %dma_start3A_48 : memref<1x4x125xi32, #tpu.memory_space<vmem>> -> memref<4x125xi32, #tpu.memory_space<vmem>>
    %dma_start3A_50 = arith.constant 0 : i32
    %dma_start3A_51 = arith.constant 0 : i32
    %dma_start3A_52 = tpu.memref_slice %arg3[%dma_start3A_44, %add3A_43, %dma_start3A_50, %dma_start3A_51] : memref<2x640x4x125xi32, #tpu.memory_space<hbm>> -> memref<1x1x4x125xi32, #tpu.memory_space<hbm>>
    %dma_start3A_53 = tpu.memref_squeeze %dma_start3A_52 : memref<1x1x4x125xi32, #tpu.memory_space<hbm>> -> memref<4x125xi32, #tpu.memory_space<hbm>>
    %dma_start3A_54 = arith.constant 0 : i32
    %dma_start3A_55 = arith.constant 0 : i32
    %dma_start3A_56 = tpu.memref_slice %arg6[%dma_start3A_45, %dma_start3A_54, %dma_start3A_55] : memref<2x4x125xi32, #tpu.memory_space<vmem>> -> memref<1x4x125xi32, #tpu.memory_space<vmem>>
    %dma_start3A_57 = tpu.memref_squeeze %dma_start3A_56 : memref<1x4x125xi32, #tpu.memory_space<vmem>> -> memref<4x125xi32, #tpu.memory_space<vmem>>
    %dma_start3A_58 = arith.constant 0 : i32
    %dma_start3A_59 = arith.constant 0 : i32
    %dma_start3A_60 = tpu.memref_slice %arg3[%dma_start3A_44, %add3A_43, %dma_start3A_58, %dma_start3A_59] : memref<2x640x4x125xi32, #tpu.memory_space<hbm>> -> memref<1x1x4x125xi32, #tpu.memory_space<hbm>>
    %dma_start3A_61 = tpu.memref_squeeze %dma_start3A_60 : memref<1x1x4x125xi32, #tpu.memory_space<hbm>> -> memref<4x125xi32, #tpu.memory_space<hbm>>
    tpu.enqueue_dma source(%dma_start3A_61 : memref<4x125xi32, #tpu.memory_space<hbm>>) target(%dma_start3A_57 : memref<4x125xi32, #tpu.memory_space<vmem>>) target_semaphore(%arg13 : memref<!tpu.dma_semaphore, #tpu.memory_space<semaphore_mem>>)
    %add3A_62 = arith.constant 1 : i32
    %add3A_63 = arith.addi %mul3A_2, %add3A_62 : i32
    %dma_start3A_64 = arith.constant 1 : i32
    %dma_start3A_65 = arith.constant 1 : i32
    %dma_start3A_66 = arith.constant 0 : i32
    %dma_start3A_67 = arith.constant 0 : i32
    %dma_start3A_68 = tpu.memref_slice %arg7[%dma_start3A_65, %dma_start3A_66, %dma_start3A_67] : memref<2x4x125xi32, #tpu.memory_space<vmem>> -> memref<1x4x125xi32, #tpu.memory_space<vmem>>
    %dma_start3A_69 = tpu.memref_squeeze %dma_start3A_68 : memref<1x4x125xi32, #tpu.memory_space<vmem>> -> memref<4x125xi32, #tpu.memory_space<vmem>>
    %dma_start3A_70 = arith.constant 0 : i32
    %dma_start3A_71 = arith.constant 0 : i32
    %dma_start3A_72 = tpu.memref_slice %arg3[%dma_start3A_64, %add3A_63, %dma_start3A_70, %dma_start3A_71] : memref<2x640x4x125xi32, #tpu.memory_space<hbm>> -> memref<1x1x4x125xi32, #tpu.memory_space<hbm>>
    %dma_start3A_73 = tpu.memref_squeeze %dma_start3A_72 : memref<1x1x4x125xi32, #tpu.memory_space<hbm>> -> memref<4x125xi32, #tpu.memory_space<hbm>>
    %dma_start3A_74 = arith.constant 0 : i32
    %dma_start3A_75 = arith.constant 0 : i32
    %dma_start3A_76 = tpu.memref_slice %arg7[%dma_start3A_65, %dma_start3A_74, %dma_start3A_75] : memref<2x4x125xi32, #tpu.memory_space<vmem>> -> memref<1x4x125xi32, #tpu.memory_space<vmem>>
    %dma_start3A_77 = tpu.memref_squeeze %dma_start3A_76 : memref<1x4x125xi32, #tpu.memory_space<vmem>> -> memref<4x125xi32, #tpu.memory_space<vmem>>
    %dma_start3A_78 = arith.constant 0 : i32
    %dma_start3A_79 = arith.constant 0 : i32
    %dma_start3A_80 = tpu.memref_slice %arg3[%dma_start3A_64, %add3A_63, %dma_start3A_78, %dma_start3A_79] : memref<2x640x4x125xi32, #tpu.memory_space<hbm>> -> memref<1x1x4x125xi32, #tpu.memory_space<hbm>>
    %dma_start3A_81 = tpu.memref_squeeze %dma_start3A_80 : memref<1x1x4x125xi32, #tpu.memory_space<hbm>> -> memref<4x125xi32, #tpu.memory_space<hbm>>
    tpu.enqueue_dma source(%dma_start3A_81 : memref<4x125xi32, #tpu.memory_space<hbm>>) target(%dma_start3A_77 : memref<4x125xi32, #tpu.memory_space<vmem>>) target_semaphore(%arg13 : memref<!tpu.dma_semaphore, #tpu.memory_space<semaphore_mem>>)
    %scan3A = arith.constant 0 : i32
    %scan3A_82 = arith.constant 0 : i32
    %scan3A_83 = arith.constant 960 : i32
    %scan3A_84 = arith.addi %scan3A_82, %scan3A_83 : i32
    %scan3A_85 = arith.constant 1 : i32
    scf.for %scan3A_195 = %scan3A_82 to %scan3A_84 step %scan3A_85  : i32 {
      %broadcast_in_dim3A = arith.constant 0.000000e+00 : f32
      %broadcast_in_dim3A_196 = vector.broadcast %broadcast_in_dim3A : f32 to vector<16xf32>
      %jit3A = arith.constant 8 : i32
      %div3A = arith.divsi %scan3A_195, %jit3A : i32
      %sign3A = arith.constant 0 : i32
      %sign3A_197 = arith.cmpi sgt, %scan3A_195, %sign3A : i32
      %sign3A_198 = arith.extui %sign3A_197 : i1 to i32
      %sign3A_199 = arith.constant 0 : i32
      %sign3A_200 = arith.cmpi slt, %scan3A_195, %sign3A_199 : i32
      %sign3A_201 = arith.extui %sign3A_200 : i1 to i32
      %sign3A_202 = arith.subi %sign3A_198, %sign3A_201 : i32
      %sign3A_203 = arith.constant 0 : i32
      %sign3A_204 = arith.cmpi sgt, %jit3A, %sign3A_203 : i32
      %sign3A_205 = arith.extui %sign3A_204 : i1 to i32
      %sign3A_206 = arith.constant 0 : i32
      %sign3A_207 = arith.cmpi slt, %jit3A, %sign3A_206 : i32
      %sign3A_208 = arith.extui %sign3A_207 : i1 to i32
      %sign3A_209 = arith.subi %sign3A_205, %sign3A_208 : i32
      %ne3A = arith.cmpi ne, %sign3A_202, %sign3A_209 : i32
      %rem3A = arith.remsi %scan3A_195, %jit3A : i32
      %ne3A_210 = arith.constant 0 : i32
      %ne3A_211 = arith.cmpi ne, %rem3A, %ne3A_210 : i32
      %and3A = arith.andi %ne3A, %ne3A_211 : i1
      %sub3A = arith.constant 1 : i32
      %sub3A_212 = arith.subi %div3A, %sub3A : i32
      %select_n3A = arith.select %and3A, %sub3A_212, %div3A : i32
      %jit3A_213 = arith.constant 8 : i32
      %eq3A_214 = arith.constant 0 : i32
      %eq3A_215 = arith.cmpi eq, %jit3A_213, %eq3A_214 : i32
      %jit3A_216 = arith.constant 1 : i32
      %select_n3A_217 = arith.select %eq3A_215, %jit3A_216, %jit3A_213 : i32
      %rem3A_218 = arith.remsi %scan3A_195, %select_n3A_217 : i32
      %ne3A_219 = arith.constant 0 : i32
      %ne3A_220 = arith.cmpi ne, %rem3A_218, %ne3A_219 : i32
      %lt3A = arith.constant 0 : i32
      %lt3A_221 = arith.cmpi slt, %rem3A_218, %lt3A : i32
      %lt3A_222 = arith.constant 0 : i32
      %lt3A_223 = arith.cmpi slt, %select_n3A_217, %lt3A_222 : i32
      %ne3A_224 = arith.xori %lt3A_221, %lt3A_223 : i1
      %and3A_225 = arith.andi %ne3A_224, %ne3A_220 : i1
      %add3A_226 = arith.addi %rem3A_218, %select_n3A_217 : i32
      %select_n3A_227 = arith.select %and3A_225, %add3A_226, %rem3A_218 : i32
      %mul3A_228 = arith.constant 16 : i32
      %mul3A_229 = arith.muli %select_n3A_227, %mul3A_228 : i32
      %swap3A = arith.constant 0 : i32
      %swap3A_230 = arith.index_cast %swap3A : i32 to index
      %swap3A_231 = arith.index_cast %select_n3A : i32 to index
      %swap3A_232 = arith.index_cast %mul3A_229 : i32 to index
      %swap3A_233 = tpu.vector_load %arg8[%swap3A_230, %swap3A_231, %swap3A_232] {strides = array<i32>} : memref<2x125x128xf32, #tpu.memory_space<vmem>>, vector<1x1x16xf32>,
      %swap3A_234 = vector.shape_cast %swap3A_233 : vector<1x1x16xf32> to vector<16xf32>
      %swap3A_235 = vector.shape_cast %broadcast_in_dim3A_196 : vector<16xf32> to vector<1x1x16xf32>
      tpu.vector_store %arg8[%swap3A_230, %swap3A_231, %swap3A_232], %swap3A_235 {strides = array<i32>} : memref<2x125x128xf32, #tpu.memory_space<vmem>>, vector<1x1x16xf32>,
    }
    %scan3A_86 = arith.constant 960 : i32
    %mul3A_87 = arith.constant 632 : i32
    %mul3A_88 = arith.muli %arg1, %mul3A_87 : i32
    %add3A_89 = arith.constant 0 : i32
    %add3A_90 = arith.addi %mul3A_88, %add3A_89 : i32
    %run_scoped3A = arith.constant 0 : i32
    "tpu.region"() ({
      %run_scoped3A_195 = tpu.sem_alloc : memref<!tpu.dma_semaphore, #tpu.memory_space<semaphore_mem>>
      %dma_start3A_196 = arith.constant 0 : i32
      %dma_start3A_197 = arith.constant 0 : i32
      %dma_start3A_198 = tpu.memref_slice %arg8[%run_scoped3A, %dma_start3A_196, %dma_start3A_197] : memref<2x125x128xf32, #tpu.memory_space<vmem>> -> memref<1x120x128xf32, #tpu.memory_space<vmem>>
      %dma_start3A_199 = tpu.memref_squeeze %dma_start3A_198 : memref<1x120x128xf32, #tpu.memory_space<vmem>> -> memref<120x128xf32, #tpu.memory_space<vmem>>
      %dma_start3A_200 = arith.constant 0 : i32
      %dma_start3A_201 = tpu.memref_slice %arg9[%add3A_90, %dma_start3A_200] : memref<10112x128xf32, #tpu.memory_space<vmem_shared>> -> memref<120x128xf32, #tpu.memory_space<vmem_shared>>
      %dma_start3A_202 = arith.constant 0 : i32
      %dma_start3A_203 = tpu.memref_slice %arg9[%add3A_90, %dma_start3A_202] : memref<10112x128xf32, #tpu.memory_space<vmem_shared>> -> memref<120x128xf32, #tpu.memory_space<vmem_shared>>
      %dma_start3A_204 = arith.constant 0 : i32
      %dma_start3A_205 = arith.constant 0 : i32
      %dma_start3A_206 = tpu.memref_slice %arg8[%run_scoped3A, %dma_start3A_204, %dma_start3A_205] : memref<2x125x128xf32, #tpu.memory_space<vmem>> -> memref<1x120x128xf32, #tpu.memory_space<vmem>>
      %dma_start3A_207 = tpu.memref_squeeze %dma_start3A_206 : memref<1x120x128xf32, #tpu.memory_space<vmem>> -> memref<120x128xf32, #tpu.memory_space<vmem>>
      tpu.enqueue_dma source(%dma_start3A_207 : memref<120x128xf32, #tpu.memory_space<vmem>>) target(%dma_start3A_203 : memref<120x128xf32, #tpu.memory_space<vmem_shared>>) target_semaphore(%run_scoped3A_195 : memref<!tpu.dma_semaphore, #tpu.memory_space<semaphore_mem>>)
      %dma_wait3A_208 = arith.constant 0 : i32
      %dma_wait3A_209 = arith.constant 0 : i32
      %dma_wait3A_210 = tpu.memref_slice %arg8[%run_scoped3A, %dma_wait3A_208, %dma_wait3A_209] : memref<2x125x128xf32, #tpu.memory_space<vmem>> -> memref<1x120x128xf32, #tpu.memory_space<vmem>>
      %dma_wait3A_211 = tpu.memref_squeeze %dma_wait3A_210 : memref<1x120x128xf32, #tpu.memory_space<vmem>> -> memref<120x128xf32, #tpu.memory_space<vmem>>
      %dma_wait3A_212 = arith.constant 0 : i32
      %dma_wait3A_213 = tpu.memref_slice %arg9[%add3A_90, %dma_wait3A_212] : memref<10112x128xf32, #tpu.memory_space<vmem_shared>> -> memref<120x128xf32, #tpu.memory_space<vmem_shared>>
      %dma_wait3A_214 = arith.constant 0 : i32
      %dma_wait3A_215 = tpu.memref_slice %arg9[%add3A_90, %dma_wait3A_214] : memref<10112x128xf32, #tpu.memory_space<vmem_shared>> -> memref<120x128xf32, #tpu.memory_space<vmem_shared>>
      %dma_wait3A_216 = arith.constant 0 : i32
      %dma_wait3A_217 = arith.constant 0 : i32
      %dma_wait3A_218 = tpu.memref_slice %arg8[%run_scoped3A, %dma_wait3A_216, %dma_wait3A_217] : memref<2x125x128xf32, #tpu.memory_space<vmem>> -> memref<1x120x128xf32, #tpu.memory_space<vmem>>
      %dma_wait3A_219 = tpu.memref_squeeze %dma_wait3A_218 : memref<1x120x128xf32, #tpu.memory_space<vmem>> -> memref<120x128xf32, #tpu.memory_space<vmem>>
      tpu.wait_dma2 semaphore(%run_scoped3A_195 : memref<!tpu.dma_semaphore, #tpu.memory_space<semaphore_mem>>) src(%dma_wait3A_219 : memref<120x128xf32, #tpu.memory_space<vmem>>) dst(%dma_wait3A_215 : memref<120x128xf32, #tpu.memory_space<vmem_shared>>)
      tpu.yield
    }) : () -> ()
    %mul3A_91 = arith.constant 632 : i32
    %mul3A_92 = arith.muli %arg1, %mul3A_91 : i32
    %add3A_93 = arith.constant 120 : i32
    %add3A_94 = arith.addi %mul3A_92, %add3A_93 : i32
    %run_scoped3A_95 = arith.constant 0 : i32
    "tpu.region"() ({
      %run_scoped3A_195 = tpu.sem_alloc : memref<!tpu.dma_semaphore, #tpu.memory_space<semaphore_mem>>
      %dma_start3A_196 = arith.constant 0 : i32
      %dma_start3A_197 = arith.constant 0 : i32
      %dma_start3A_198 = tpu.memref_slice %arg8[%run_scoped3A_95, %dma_start3A_196, %dma_start3A_197] : memref<2x125x128xf32, #tpu.memory_space<vmem>> -> memref<1x120x128xf32, #tpu.memory_space<vmem>>
      %dma_start3A_199 = tpu.memref_squeeze %dma_start3A_198 : memref<1x120x128xf32, #tpu.memory_space<vmem>> -> memref<120x128xf32, #tpu.memory_space<vmem>>
      %dma_start3A_200 = arith.constant 0 : i32
      %dma_start3A_201 = tpu.memref_slice %arg9[%add3A_94, %dma_start3A_200] : memref<10112x128xf32, #tpu.memory_space<vmem_shared>> -> memref<120x128xf32, #tpu.memory_space<vmem_shared>>
      %dma_start3A_202 = arith.constant 0 : i32
      %dma_start3A_203 = tpu.memref_slice %arg9[%add3A_94, %dma_start3A_202] : memref<10112x128xf32, #tpu.memory_space<vmem_shared>> -> memref<120x128xf32, #tpu.memory_space<vmem_shared>>
      %dma_start3A_204 = arith.constant 0 : i32
      %dma_start3A_205 = arith.constant 0 : i32
      %dma_start3A_206 = tpu.memref_slice %arg8[%run_scoped3A_95, %dma_start3A_204, %dma_start3A_205] : memref<2x125x128xf32, #tpu.memory_space<vmem>> -> memref<1x120x128xf32, #tpu.memory_space<vmem>>
      %dma_start3A_207 = tpu.memref_squeeze %dma_start3A_206 : memref<1x120x128xf32, #tpu.memory_space<vmem>> -> memref<120x128xf32, #tpu.memory_space<vmem>>
      tpu.enqueue_dma source(%dma_start3A_207 : memref<120x128xf32, #tpu.memory_space<vmem>>) target(%dma_start3A_203 : memref<120x128xf32, #tpu.memory_space<vmem_shared>>) target_semaphore(%run_scoped3A_195 : memref<!tpu.dma_semaphore, #tpu.memory_space<semaphore_mem>>)
      %dma_wait3A_208 = arith.constant 0 : i32
      %dma_wait3A_209 = arith.constant 0 : i32
      %dma_wait3A_210 = tpu.memref_slice %arg8[%run_scoped3A_95, %dma_wait3A_208, %dma_wait3A_209] : memref<2x125x128xf32, #tpu.memory_space<vmem>> -> memref<1x120x128xf32, #tpu.memory_space<vmem>>
      %dma_wait3A_211 = tpu.memref_squeeze %dma_wait3A_210 : memref<1x120x128xf32, #tpu.memory_space<vmem>> -> memref<120x128xf32, #tpu.memory_space<vmem>>
      %dma_wait3A_212 = arith.constant 0 : i32
      %dma_wait3A_213 = tpu.memref_slice %arg9[%add3A_94, %dma_wait3A_212] : memref<10112x128xf32, #tpu.memory_space<vmem_shared>> -> memref<120x128xf32, #tpu.memory_space<vmem_shared>>
      %dma_wait3A_214 = arith.constant 0 : i32
      %dma_wait3A_215 = tpu.memref_slice %arg9[%add3A_94, %dma_wait3A_214] : memref<10112x128xf32, #tpu.memory_space<vmem_shared>> -> memref<120x128xf32, #tpu.memory_space<vmem_shared>>
      %dma_wait3A_216 = arith.constant 0 : i32
      %dma_wait3A_217 = arith.constant 0 : i32
      %dma_wait3A_218 = tpu.memref_slice %arg8[%run_scoped3A_95, %dma_wait3A_216, %dma_wait3A_217] : memref<2x125x128xf32, #tpu.memory_space<vmem>> -> memref<1x120x128xf32, #tpu.memory_space<vmem>>
      %dma_wait3A_219 = tpu.memref_squeeze %dma_wait3A_218 : memref<1x120x128xf32, #tpu.memory_space<vmem>> -> memref<120x128xf32, #tpu.memory_space<vmem>>
      tpu.wait_dma2 semaphore(%run_scoped3A_195 : memref<!tpu.dma_semaphore, #tpu.memory_space<semaphore_mem>>) src(%dma_wait3A_219 : memref<120x128xf32, #tpu.memory_space<vmem>>) dst(%dma_wait3A_215 : memref<120x128xf32, #tpu.memory_space<vmem_shared>>)
      tpu.yield
    }) : () -> ()
    %mul3A_96 = arith.constant 632 : i32
    %mul3A_97 = arith.muli %arg1, %mul3A_96 : i32
    %add3A_98 = arith.constant 240 : i32
    %add3A_99 = arith.addi %mul3A_97, %add3A_98 : i32
    %run_scoped3A_100 = arith.constant 0 : i32
    "tpu.region"() ({
      %run_scoped3A_195 = tpu.sem_alloc : memref<!tpu.dma_semaphore, #tpu.memory_space<semaphore_mem>>
      %dma_start3A_196 = arith.constant 0 : i32
      %dma_start3A_197 = arith.constant 0 : i32
      %dma_start3A_198 = tpu.memref_slice %arg8[%run_scoped3A_100, %dma_start3A_196, %dma_start3A_197] : memref<2x125x128xf32, #tpu.memory_space<vmem>> -> memref<1x120x128xf32, #tpu.memory_space<vmem>>
      %dma_start3A_199 = tpu.memref_squeeze %dma_start3A_198 : memref<1x120x128xf32, #tpu.memory_space<vmem>> -> memref<120x128xf32, #tpu.memory_space<vmem>>
      %dma_start3A_200 = arith.constant 0 : i32
      %dma_start3A_201 = tpu.memref_slice %arg9[%add3A_99, %dma_start3A_200] : memref<10112x128xf32, #tpu.memory_space<vmem_shared>> -> memref<120x128xf32, #tpu.memory_space<vmem_shared>>
      %dma_start3A_202 = arith.constant 0 : i32
      %dma_start3A_203 = tpu.memref_slice %arg9[%add3A_99, %dma_start3A_202] : memref<10112x128xf32, #tpu.memory_space<vmem_shared>> -> memref<120x128xf32, #tpu.memory_space<vmem_shared>>
      %dma_start3A_204 = arith.constant 0 : i32
      %dma_start3A_205 = arith.constant 0 : i32
      %dma_start3A_206 = tpu.memref_slice %arg8[%run_scoped3A_100, %dma_start3A_204, %dma_start3A_205] : memref<2x125x128xf32, #tpu.memory_space<vmem>> -> memref<1x120x128xf32, #tpu.memory_space<vmem>>
      %dma_start3A_207 = tpu.memref_squeeze %dma_start3A_206 : memref<1x120x128xf32, #tpu.memory_space<vmem>> -> memref<120x128xf32, #tpu.memory_space<vmem>>
      tpu.enqueue_dma source(%dma_start3A_207 : memref<120x128xf32, #tpu.memory_space<vmem>>) target(%dma_start3A_203 : memref<120x128xf32, #tpu.memory_space<vmem_shared>>) target_semaphore(%run_scoped3A_195 : memref<!tpu.dma_semaphore, #tpu.memory_space<semaphore_mem>>)
      %dma_wait3A_208 = arith.constant 0 : i32
      %dma_wait3A_209 = arith.constant 0 : i32
      %dma_wait3A_210 = tpu.memref_slice %arg8[%run_scoped3A_100, %dma_wait3A_208, %dma_wait3A_209] : memref<2x125x128xf32, #tpu.memory_space<vmem>> -> memref<1x120x128xf32, #tpu.memory_space<vmem>>
      %dma_wait3A_211 = tpu.memref_squeeze %dma_wait3A_210 : memref<1x120x128xf32, #tpu.memory_space<vmem>> -> memref<120x128xf32, #tpu.memory_space<vmem>>
      %dma_wait3A_212 = arith.constant 0 : i32
      %dma_wait3A_213 = tpu.memref_slice %arg9[%add3A_99, %dma_wait3A_212] : memref<10112x128xf32, #tpu.memory_space<vmem_shared>> -> memref<120x128xf32, #tpu.memory_space<vmem_shared>>
      %dma_wait3A_214 = arith.constant 0 : i32
      %dma_wait3A_215 = tpu.memref_slice %arg9[%add3A_99, %dma_wait3A_214] : memref<10112x128xf32, #tpu.memory_space<vmem_shared>> -> memref<120x128xf32, #tpu.memory_space<vmem_shared>>
      %dma_wait3A_216 = arith.constant 0 : i32
      %dma_wait3A_217 = arith.constant 0 : i32
      %dma_wait3A_218 = tpu.memref_slice %arg8[%run_scoped3A_100, %dma_wait3A_216, %dma_wait3A_217] : memref<2x125x128xf32, #tpu.memory_space<vmem>> -> memref<1x120x128xf32, #tpu.memory_space<vmem>>
      %dma_wait3A_219 = tpu.memref_squeeze %dma_wait3A_218 : memref<1x120x128xf32, #tpu.memory_space<vmem>> -> memref<120x128xf32, #tpu.memory_space<vmem>>
      tpu.wait_dma2 semaphore(%run_scoped3A_195 : memref<!tpu.dma_semaphore, #tpu.memory_space<semaphore_mem>>) src(%dma_wait3A_219 : memref<120x128xf32, #tpu.memory_space<vmem>>) dst(%dma_wait3A_215 : memref<120x128xf32, #tpu.memory_space<vmem_shared>>)
      tpu.yield
    }) : () -> ()
    %mul3A_101 = arith.constant 632 : i32
    %mul3A_102 = arith.muli %arg1, %mul3A_101 : i32
    %add3A_103 = arith.constant 360 : i32
    %add3A_104 = arith.addi %mul3A_102, %add3A_103 : i32
    %run_scoped3A_105 = arith.constant 0 : i32
    "tpu.region"() ({
      %run_scoped3A_195 = tpu.sem_alloc : memref<!tpu.dma_semaphore, #tpu.memory_space<semaphore_mem>>
      %dma_start3A_196 = arith.constant 0 : i32
      %dma_start3A_197 = arith.constant 0 : i32
      %dma_start3A_198 = tpu.memref_slice %arg8[%run_scoped3A_105, %dma_start3A_196, %dma_start3A_197] : memref<2x125x128xf32, #tpu.memory_space<vmem>> -> memref<1x120x128xf32, #tpu.memory_space<vmem>>
      %dma_start3A_199 = tpu.memref_squeeze %dma_start3A_198 : memref<1x120x128xf32, #tpu.memory_space<vmem>> -> memref<120x128xf32, #tpu.memory_space<vmem>>
      %dma_start3A_200 = arith.constant 0 : i32
      %dma_start3A_201 = tpu.memref_slice %arg9[%add3A_104, %dma_start3A_200] : memref<10112x128xf32, #tpu.memory_space<vmem_shared>> -> memref<120x128xf32, #tpu.memory_space<vmem_shared>>
      %dma_start3A_202 = arith.constant 0 : i32
      %dma_start3A_203 = tpu.memref_slice %arg9[%add3A_104, %dma_start3A_202] : memref<10112x128xf32, #tpu.memory_space<vmem_shared>> -> memref<120x128xf32, #tpu.memory_space<vmem_shared>>
      %dma_start3A_204 = arith.constant 0 : i32
      %dma_start3A_205 = arith.constant 0 : i32
      %dma_start3A_206 = tpu.memref_slice %arg8[%run_scoped3A_105, %dma_start3A_204, %dma_start3A_205] : memref<2x125x128xf32, #tpu.memory_space<vmem>> -> memref<1x120x128xf32, #tpu.memory_space<vmem>>
      %dma_start3A_207 = tpu.memref_squeeze %dma_start3A_206 : memref<1x120x128xf32, #tpu.memory_space<vmem>> -> memref<120x128xf32, #tpu.memory_space<vmem>>
      tpu.enqueue_dma source(%dma_start3A_207 : memref<120x128xf32, #tpu.memory_space<vmem>>) target(%dma_start3A_203 : memref<120x128xf32, #tpu.memory_space<vmem_shared>>) target_semaphore(%run_scoped3A_195 : memref<!tpu.dma_semaphore, #tpu.memory_space<semaphore_mem>>)
      %dma_wait3A_208 = arith.constant 0 : i32
      %dma_wait3A_209 = arith.constant 0 : i32
      %dma_wait3A_210 = tpu.memref_slice %arg8[%run_scoped3A_105, %dma_wait3A_208, %dma_wait3A_209] : memref<2x125x128xf32, #tpu.memory_space<vmem>> -> memref<1x120x128xf32, #tpu.memory_space<vmem>>
      %dma_wait3A_211 = tpu.memref_squeeze %dma_wait3A_210 : memref<1x120x128xf32, #tpu.memory_space<vmem>> -> memref<120x128xf32, #tpu.memory_space<vmem>>
      %dma_wait3A_212 = arith.constant 0 : i32
      %dma_wait3A_213 = tpu.memref_slice %arg9[%add3A_104, %dma_wait3A_212] : memref<10112x128xf32, #tpu.memory_space<vmem_shared>> -> memref<120x128xf32, #tpu.memory_space<vmem_shared>>
      %dma_wait3A_214 = arith.constant 0 : i32
      %dma_wait3A_215 = tpu.memref_slice %arg9[%add3A_104, %dma_wait3A_214] : memref<10112x128xf32, #tpu.memory_space<vmem_shared>> -> memref<120x128xf32, #tpu.memory_space<vmem_shared>>
      %dma_wait3A_216 = arith.constant 0 : i32
      %dma_wait3A_217 = arith.constant 0 : i32
      %dma_wait3A_218 = tpu.memref_slice %arg8[%run_scoped3A_105, %dma_wait3A_216, %dma_wait3A_217] : memref<2x125x128xf32, #tpu.memory_space<vmem>> -> memref<1x120x128xf32, #tpu.memory_space<vmem>>
      %dma_wait3A_219 = tpu.memref_squeeze %dma_wait3A_218 : memref<1x120x128xf32, #tpu.memory_space<vmem>> -> memref<120x128xf32, #tpu.memory_space<vmem>>
      tpu.wait_dma2 semaphore(%run_scoped3A_195 : memref<!tpu.dma_semaphore, #tpu.memory_space<semaphore_mem>>) src(%dma_wait3A_219 : memref<120x128xf32, #tpu.memory_space<vmem>>) dst(%dma_wait3A_215 : memref<120x128xf32, #tpu.memory_space<vmem_shared>>)
      tpu.yield
    }) : () -> ()
    %mul3A_106 = arith.constant 632 : i32
    %mul3A_107 = arith.muli %arg1, %mul3A_106 : i32
    %add3A_108 = arith.constant 480 : i32
    %add3A_109 = arith.addi %mul3A_107, %add3A_108 : i32
    %run_scoped3A_110 = arith.constant 0 : i32
    "tpu.region"() ({
      %run_scoped3A_195 = tpu.sem_alloc : memref<!tpu.dma_semaphore, #tpu.memory_space<semaphore_mem>>
      %dma_start3A_196 = arith.constant 0 : i32
      %dma_start3A_197 = arith.constant 0 : i32
      %dma_start3A_198 = tpu.memref_slice %arg8[%run_scoped3A_110, %dma_start3A_196, %dma_start3A_197] : memref<2x125x128xf32, #tpu.memory_space<vmem>> -> memref<1x120x128xf32, #tpu.memory_space<vmem>>
      %dma_start3A_199 = tpu.memref_squeeze %dma_start3A_198 : memref<1x120x128xf32, #tpu.memory_space<vmem>> -> memref<120x128xf32, #tpu.memory_space<vmem>>
      %dma_start3A_200 = arith.constant 0 : i32
      %dma_start3A_201 = tpu.memref_slice %arg9[%add3A_109, %dma_start3A_200] : memref<10112x128xf32, #tpu.memory_space<vmem_shared>> -> memref<120x128xf32, #tpu.memory_space<vmem_shared>>
      %dma_start3A_202 = arith.constant 0 : i32
      %dma_start3A_203 = tpu.memref_slice %arg9[%add3A_109, %dma_start3A_202] : memref<10112x128xf32, #tpu.memory_space<vmem_shared>> -> memref<120x128xf32, #tpu.memory_space<vmem_shared>>
      %dma_start3A_204 = arith.constant 0 : i32
      %dma_start3A_205 = arith.constant 0 : i32
      %dma_start3A_206 = tpu.memref_slice %arg8[%run_scoped3A_110, %dma_start3A_204, %dma_start3A_205] : memref<2x125x128xf32, #tpu.memory_space<vmem>> -> memref<1x120x128xf32, #tpu.memory_space<vmem>>
      %dma_start3A_207 = tpu.memref_squeeze %dma_start3A_206 : memref<1x120x128xf32, #tpu.memory_space<vmem>> -> memref<120x128xf32, #tpu.memory_space<vmem>>
      tpu.enqueue_dma source(%dma_start3A_207 : memref<120x128xf32, #tpu.memory_space<vmem>>) target(%dma_start3A_203 : memref<120x128xf32, #tpu.memory_space<vmem_shared>>) target_semaphore(%run_scoped3A_195 : memref<!tpu.dma_semaphore, #tpu.memory_space<semaphore_mem>>)
      %dma_wait3A_208 = arith.constant 0 : i32
      %dma_wait3A_209 = arith.constant 0 : i32
      %dma_wait3A_210 = tpu.memref_slice %arg8[%run_scoped3A_110, %dma_wait3A_208, %dma_wait3A_209] : memref<2x125x128xf32, #tpu.memory_space<vmem>> -> memref<1x120x128xf32, #tpu.memory_space<vmem>>
      %dma_wait3A_211 = tpu.memref_squeeze %dma_wait3A_210 : memref<1x120x128xf32, #tpu.memory_space<vmem>> -> memref<120x128xf32, #tpu.memory_space<vmem>>
      %dma_wait3A_212 = arith.constant 0 : i32
      %dma_wait3A_213 = tpu.memref_slice %arg9[%add3A_109, %dma_wait3A_212] : memref<10112x128xf32, #tpu.memory_space<vmem_shared>> -> memref<120x128xf32, #tpu.memory_space<vmem_shared>>
      %dma_wait3A_214 = arith.constant 0 : i32
      %dma_wait3A_215 = tpu.memref_slice %arg9[%add3A_109, %dma_wait3A_214] : memref<10112x128xf32, #tpu.memory_space<vmem_shared>> -> memref<120x128xf32, #tpu.memory_space<vmem_shared>>
      %dma_wait3A_216 = arith.constant 0 : i32
      %dma_wait3A_217 = arith.constant 0 : i32
      %dma_wait3A_218 = tpu.memref_slice %arg8[%run_scoped3A_110, %dma_wait3A_216, %dma_wait3A_217] : memref<2x125x128xf32, #tpu.memory_space<vmem>> -> memref<1x120x128xf32, #tpu.memory_space<vmem>>
      %dma_wait3A_219 = tpu.memref_squeeze %dma_wait3A_218 : memref<1x120x128xf32, #tpu.memory_space<vmem>> -> memref<120x128xf32, #tpu.memory_space<vmem>>
      tpu.wait_dma2 semaphore(%run_scoped3A_195 : memref<!tpu.dma_semaphore, #tpu.memory_space<semaphore_mem>>) src(%dma_wait3A_219 : memref<120x128xf32, #tpu.memory_space<vmem>>) dst(%dma_wait3A_215 : memref<120x128xf32, #tpu.memory_space<vmem_shared>>)
      tpu.yield
    }) : () -> ()
    %mul3A_111 = arith.constant 632 : i32
    %mul3A_112 = arith.muli %arg1, %mul3A_111 : i32
    %add3A_113 = arith.constant 600 : i32
    %add3A_114 = arith.addi %mul3A_112, %add3A_113 : i32
    %run_scoped3A_115 = arith.constant 0 : i32
    "tpu.region"() ({
      %run_scoped3A_195 = tpu.sem_alloc : memref<!tpu.dma_semaphore, #tpu.memory_space<semaphore_mem>>
      %dma_start3A_196 = arith.constant 0 : i32
      %dma_start3A_197 = arith.constant 0 : i32
      %dma_start3A_198 = tpu.memref_slice %arg8[%run_scoped3A_115, %dma_start3A_196, %dma_start3A_197] : memref<2x125x128xf32, #tpu.memory_space<vmem>> -> memref<1x32x128xf32, #tpu.memory_space<vmem>>
      %dma_start3A_199 = tpu.memref_squeeze %dma_start3A_198 : memref<1x32x128xf32, #tpu.memory_space<vmem>> -> memref<32x128xf32, #tpu.memory_space<vmem>>
      %dma_start3A_200 = arith.constant 0 : i32
      %dma_start3A_201 = tpu.memref_slice %arg9[%add3A_114, %dma_start3A_200] : memref<10112x128xf32, #tpu.memory_space<vmem_shared>> -> memref<32x128xf32, #tpu.memory_space<vmem_shared>>
      %dma_start3A_202 = arith.constant 0 : i32
      %dma_start3A_203 = tpu.memref_slice %arg9[%add3A_114, %dma_start3A_202] : memref<10112x128xf32, #tpu.memory_space<vmem_shared>> -> memref<32x128xf32, #tpu.memory_space<vmem_shared>>
      %dma_start3A_204 = arith.constant 0 : i32
      %dma_start3A_205 = arith.constant 0 : i32
      %dma_start3A_206 = tpu.memref_slice %arg8[%run_scoped3A_115, %dma_start3A_204, %dma_start3A_205] : memref<2x125x128xf32, #tpu.memory_space<vmem>> -> memref<1x32x128xf32, #tpu.memory_space<vmem>>
      %dma_start3A_207 = tpu.memref_squeeze %dma_start3A_206 : memref<1x32x128xf32, #tpu.memory_space<vmem>> -> memref<32x128xf32, #tpu.memory_space<vmem>>
      tpu.enqueue_dma source(%dma_start3A_207 : memref<32x128xf32, #tpu.memory_space<vmem>>) target(%dma_start3A_203 : memref<32x128xf32, #tpu.memory_space<vmem_shared>>) target_semaphore(%run_scoped3A_195 : memref<!tpu.dma_semaphore, #tpu.memory_space<semaphore_mem>>)
      %dma_wait3A_208 = arith.constant 0 : i32
      %dma_wait3A_209 = arith.constant 0 : i32
      %dma_wait3A_210 = tpu.memref_slice %arg8[%run_scoped3A_115, %dma_wait3A_208, %dma_wait3A_209] : memref<2x125x128xf32, #tpu.memory_space<vmem>> -> memref<1x32x128xf32, #tpu.memory_space<vmem>>
      %dma_wait3A_211 = tpu.memref_squeeze %dma_wait3A_210 : memref<1x32x128xf32, #tpu.memory_space<vmem>> -> memref<32x128xf32, #tpu.memory_space<vmem>>
      %dma_wait3A_212 = arith.constant 0 : i32
      %dma_wait3A_213 = tpu.memref_slice %arg9[%add3A_114, %dma_wait3A_212] : memref<10112x128xf32, #tpu.memory_space<vmem_shared>> -> memref<32x128xf32, #tpu.memory_space<vmem_shared>>
      %dma_wait3A_214 = arith.constant 0 : i32
      %dma_wait3A_215 = tpu.memref_slice %arg9[%add3A_114, %dma_wait3A_214] : memref<10112x128xf32, #tpu.memory_space<vmem_shared>> -> memref<32x128xf32, #tpu.memory_space<vmem_shared>>
      %dma_wait3A_216 = arith.constant 0 : i32
      %dma_wait3A_217 = arith.constant 0 : i32
      %dma_wait3A_218 = tpu.memref_slice %arg8[%run_scoped3A_115, %dma_wait3A_216, %dma_wait3A_217] : memref<2x125x128xf32, #tpu.memory_space<vmem>> -> memref<1x32x128xf32, #tpu.memory_space<vmem>>
      %dma_wait3A_219 = tpu.memref_squeeze %dma_wait3A_218 : memref<1x32x128xf32, #tpu.memory_space<vmem>> -> memref<32x128xf32, #tpu.memory_space<vmem>>
      tpu.wait_dma2 semaphore(%run_scoped3A_195 : memref<!tpu.dma_semaphore, #tpu.memory_space<semaphore_mem>>) src(%dma_wait3A_219 : memref<32x128xf32, #tpu.memory_space<vmem>>) dst(%dma_wait3A_215 : memref<32x128xf32, #tpu.memory_space<vmem_shared>>)
      tpu.yield
    }) : () -> ()
    %barrier3A = arith.constant 0 : index
    tpu.barrier barrier_id(%barrier3A)
    %add3A_116 = arith.constant 0 : i32
    %add3A_117 = arith.addi %mul3A_2, %add3A_116 : i32
    %dma_wait3A = arith.constant 0 : i32
    %dma_wait3A_118 = arith.constant 0 : i32
    %dma_wait3A_119 = arith.constant 0 : i32
    %dma_wait3A_120 = arith.constant 0 : i32
    %dma_wait3A_121 = tpu.memref_slice %arg6[%dma_wait3A_118, %dma_wait3A_119, %dma_wait3A_120] : memref<2x4x125xi32, #tpu.memory_space<vmem>> -> memref<1x4x125xi32, #tpu.memory_space<vmem>>
    %dma_wait3A_122 = tpu.memref_squeeze %dma_wait3A_121 : memref<1x4x125xi32, #tpu.memory_space<vmem>> -> memref<4x125xi32, #tpu.memory_space<vmem>>
    %dma_wait3A_123 = arith.constant 0 : i32
    %dma_wait3A_124 = arith.constant 0 : i32
    %dma_wait3A_125 = tpu.memref_slice %arg3[%dma_wait3A, %add3A_117, %dma_wait3A_123, %dma_wait3A_124] : memref<2x640x4x125xi32, #tpu.memory_space<hbm>> -> memref<1x1x4x125xi32, #tpu.memory_space<hbm>>
    %dma_wait3A_126 = tpu.memref_squeeze %dma_wait3A_125 : memref<1x1x4x125xi32, #tpu.memory_space<hbm>> -> memref<4x125xi32, #tpu.memory_space<hbm>>
    %dma_wait3A_127 = arith.constant 0 : i32
    %dma_wait3A_128 = arith.constant 0 : i32
    %dma_wait3A_129 = tpu.memref_slice %arg6[%dma_wait3A_118, %dma_wait3A_127, %dma_wait3A_128] : memref<2x4x125xi32, #tpu.memory_space<vmem>> -> memref<1x4x125xi32, #tpu.memory_space<vmem>>
    %dma_wait3A_130 = tpu.memref_squeeze %dma_wait3A_129 : memref<1x4x125xi32, #tpu.memory_space<vmem>> -> memref<4x125xi32, #tpu.memory_space<vmem>>
    %dma_wait3A_131 = arith.constant 0 : i32
    %dma_wait3A_132 = arith.constant 0 : i32
    %dma_wait3A_133 = tpu.memref_slice %arg3[%dma_wait3A, %add3A_117, %dma_wait3A_131, %dma_wait3A_132] : memref<2x640x4x125xi32, #tpu.memory_space<hbm>> -> memref<1x1x4x125xi32, #tpu.memory_space<hbm>>
    %dma_wait3A_134 = tpu.memref_squeeze %dma_wait3A_133 : memref<1x1x4x125xi32, #tpu.memory_space<hbm>> -> memref<4x125xi32, #tpu.memory_space<hbm>>
    tpu.wait_dma2 semaphore(%arg12 : memref<!tpu.dma_semaphore, #tpu.memory_space<semaphore_mem>>) src(%dma_wait3A_134 : memref<4x125xi32, #tpu.memory_space<hbm>>) dst(%dma_wait3A_130 : memref<4x125xi32, #tpu.memory_space<vmem>>)
    %add3A_135 = arith.constant 0 : i32
    %add3A_136 = arith.addi %mul3A_2, %add3A_135 : i32
    %dma_wait3A_137 = arith.constant 1 : i32
    %dma_wait3A_138 = arith.constant 0 : i32
    %dma_wait3A_139 = arith.constant 0 : i32
    %dma_wait3A_140 = arith.constant 0 : i32
    %dma_wait3A_141 = tpu.memref_slice %arg7[%dma_wait3A_138, %dma_wait3A_139, %dma_wait3A_140] : memref<2x4x125xi32, #tpu.memory_space<vmem>> -> memref<1x4x125xi32, #tpu.memory_space<vmem>>
    %dma_wait3A_142 = tpu.memref_squeeze %dma_wait3A_141 : memref<1x4x125xi32, #tpu.memory_space<vmem>> -> memref<4x125xi32, #tpu.memory_space<vmem>>
    %dma_wait3A_143 = arith.constant 0 : i32
    %dma_wait3A_144 = arith.constant 0 : i32
    %dma_wait3A_145 = tpu.memref_slice %arg3[%dma_wait3A_137, %add3A_136, %dma_wait3A_143, %dma_wait3A_144] : memref<2x640x4x125xi32, #tpu.memory_space<hbm>> -> memref<1x1x4x125xi32, #tpu.memory_space<hbm>>
    %dma_wait3A_146 = tpu.memref_squeeze %dma_wait3A_145 : memref<1x1x4x125xi32, #tpu.memory_space<hbm>> -> memref<4x125xi32, #tpu.memory_space<hbm>>
    %dma_wait3A_147 = arith.constant 0 : i32
    %dma_wait3A_148 = arith.constant 0 : i32
    %dma_wait3A_149 = tpu.memref_slice %arg7[%dma_wait3A_138, %dma_wait3A_147, %dma_wait3A_148] : memref<2x4x125xi32, #tpu.memory_space<vmem>> -> memref<1x4x125xi32, #tpu.memory_space<vmem>>
    %dma_wait3A_150 = tpu.memref_squeeze %dma_wait3A_149 : memref<1x4x125xi32, #tpu.memory_space<vmem>> -> memref<4x125xi32, #tpu.memory_space<vmem>>
    %dma_wait3A_151 = arith.constant 0 : i32
    %dma_wait3A_152 = arith.constant 0 : i32
    %dma_wait3A_153 = tpu.memref_slice %arg3[%dma_wait3A_137, %add3A_136, %dma_wait3A_151, %dma_wait3A_152] : memref<2x640x4x125xi32, #tpu.memory_space<hbm>> -> memref<1x1x4x125xi32, #tpu.memory_space<hbm>>
    %dma_wait3A_154 = tpu.memref_squeeze %dma_wait3A_153 : memref<1x1x4x125xi32, #tpu.memory_space<hbm>> -> memref<4x125xi32, #tpu.memory_space<hbm>>
    tpu.wait_dma2 semaphore(%arg12 : memref<!tpu.dma_semaphore, #tpu.memory_space<semaphore_mem>>) src(%dma_wait3A_154 : memref<4x125xi32, #tpu.memory_space<hbm>>) dst(%dma_wait3A_150 : memref<4x125xi32, #tpu.memory_space<vmem>>)
    %dma_start3A_155 = arith.constant 0 : i32
    %dma_start3A_156 = arith.constant 0 : i32
    %dma_start3A_157 = arith.constant 0 : i32
    %dma_start3A_158 = arith.constant 0 : i32
    %dma_start3A_159 = arith.constant 0 : i32
    %dma_start3A_160 = tpu.memref_slice %arg8[%dma_start3A_157, %dma_start3A_158, %dma_start3A_159] : memref<2x125x128xf32, #tpu.memory_space<vmem>> -> memref<1x125x128xf32, #tpu.memory_space<vmem>>
    %dma_start3A_161 = tpu.memref_squeeze %dma_start3A_160 : memref<1x125x128xf32, #tpu.memory_space<vmem>> -> memref<125x128xf32, #tpu.memory_space<vmem>>
    %dma_start3A_162 = arith.constant 0 : i32
    %dma_start3A_163 = tpu.memref_slice %arg6[%dma_start3A_155, %dma_start3A_156, %dma_start3A_162] : memref<2x4x125xi32, #tpu.memory_space<vmem>> -> memref<1x1x125xi32, #tpu.memory_space<vmem>>
    %dma_start3A_164 = tpu.memref_squeeze %dma_start3A_163 : memref<1x1x125xi32, #tpu.memory_space<vmem>> -> memref<125xi32, #tpu.memory_space<vmem>>
    %dma_start3A_165 = arith.constant 0 : i32
    %dma_start3A_166 = arith.constant 0 : i32
    %dma_start3A_167 = tpu.memref_slice %arg2[%dma_start3A_165, %dma_start3A_166] : memref<10000x128xf32, #tpu.memory_space<hbm>> -> memref<10000x128xf32, #tpu.memory_space<hbm>>
    tpu.enqueue_indirect_dma source(%dma_start3A_167 : memref<10000x128xf32, #tpu.memory_space<hbm>>) target(%dma_start3A_161 : memref<125x128xf32, #tpu.memory_space<vmem>>) offsets(%dma_start3A_164 : memref<125xi32, #tpu.memory_space<vmem>>) semaphore(%arg10 : memref<!tpu.dma_semaphore, #tpu.memory_space<semaphore_mem>>)
    %dma_start3A_168 = arith.constant 0 : i32
    %dma_start3A_169 = arith.constant 1 : i32
    %dma_start3A_170 = arith.constant 1 : i32
    %dma_start3A_171 = arith.constant 0 : i32
    %dma_start3A_172 = arith.constant 0 : i32
    %dma_start3A_173 = tpu.memref_slice %arg8[%dma_start3A_170, %dma_start3A_171, %dma_start3A_172] : memref<2x125x128xf32, #tpu.memory_space<vmem>> -> memref<1x125x128xf32, #tpu.memory_space<vmem>>
    %dma_start3A_174 = tpu.memref_squeeze %dma_start3A_173 : memref<1x125x128xf32, #tpu.memory_space<vmem>> -> memref<125x128xf32, #tpu.memory_space<vmem>>
    %dma_start3A_175 = arith.constant 0 : i32
    %dma_start3A_176 = tpu.memref_slice %arg6[%dma_start3A_168, %dma_start3A_169, %dma_start3A_175] : memref<2x4x125xi32, #tpu.memory_space<vmem>> -> memref<1x1x125xi32, #tpu.memory_space<vmem>>
    %dma_start3A_177 = tpu.memref_squeeze %dma_start3A_176 : memref<1x1x125xi32, #tpu.memory_space<vmem>> -> memref<125xi32, #tpu.memory_space<vmem>>
    %dma_start3A_178 = arith.constant 0 : i32
    %dma_start3A_179 = arith.constant 0 : i32
    %dma_start3A_180 = tpu.memref_slice %arg2[%dma_start3A_178, %dma_start3A_179] : memref<10000x128xf32, #tpu.memory_space<hbm>> -> memref<10000x128xf32, #tpu.memory_space<hbm>>
    tpu.enqueue_indirect_dma source(%dma_start3A_180 : memref<10000x128xf32, #tpu.memory_space<hbm>>) target(%dma_start3A_174 : memref<125x128xf32, #tpu.memory_space<vmem>>) offsets(%dma_start3A_177 : memref<125xi32, #tpu.memory_space<vmem>>) semaphore(%arg11 : memref<!tpu.dma_semaphore, #tpu.memory_space<semaphore_mem>>)
    %scan3A_181 = arith.constant 0 : i32
    %scan3A_182 = arith.constant 0 : i32
    %scan3A_183 = arith.constant 10 : i32
    %scan3A_184 = arith.addi %scan3A_182, %scan3A_183 : i32
    %scan3A_185 = arith.constant 1 : i32
    scf.for %scan3A_195 = %scan3A_182 to %scan3A_184 step %scan3A_185  : i32 {
      %mul3A_196 = arith.constant 2 : i32
      %mul3A_197 = arith.muli %mul3A_196, %scan3A_195 : i32
      %add3A_198 = arith.constant 0 : i32
      %add3A_199 = arith.addi %mul3A_197, %add3A_198 : i32
      %dma_wait3A_200 = arith.constant 0 : i32
      %dma_wait3A_201 = arith.constant 0 : i32
      %dma_wait3A_202 = arith.constant 0 : i32
      %dma_wait3A_203 = arith.constant 0 : i32
      %dma_wait3A_204 = arith.constant 0 : i32
      %dma_wait3A_205 = tpu.memref_slice %arg8[%dma_wait3A_202, %dma_wait3A_203, %dma_wait3A_204] : memref<2x125x128xf32, #tpu.memory_space<vmem>> -> memref<1x125x128xf32, #tpu.memory_space<vmem>>
      %dma_wait3A_206 = tpu.memref_squeeze %dma_wait3A_205 : memref<1x125x128xf32, #tpu.memory_space<vmem>> -> memref<125x128xf32, #tpu.memory_space<vmem>>
      %dma_wait3A_207 = arith.constant 0 : i32
      %dma_wait3A_208 = tpu.memref_slice %arg6[%dma_wait3A_200, %dma_wait3A_201, %dma_wait3A_207] : memref<2x4x125xi32, #tpu.memory_space<vmem>> -> memref<1x1x125xi32, #tpu.memory_space<vmem>>
      %dma_wait3A_209 = tpu.memref_squeeze %dma_wait3A_208 : memref<1x1x125xi32, #tpu.memory_space<vmem>> -> memref<125xi32, #tpu.memory_space<vmem>>
      %dma_wait3A_210 = arith.constant 0 : i32
      %dma_wait3A_211 = arith.constant 0 : i32
      %dma_wait3A_212 = tpu.memref_slice %arg2[%dma_wait3A_210, %dma_wait3A_211] : memref<10000x128xf32, #tpu.memory_space<hbm>> -> memref<10000x128xf32, #tpu.memory_space<hbm>>
      tpu.wait_indirect_dma semaphore(%arg10 : memref<!tpu.dma_semaphore, #tpu.memory_space<semaphore_mem>>) src(%dma_wait3A_212 : memref<10000x128xf32, #tpu.memory_space<hbm>>) dst(%dma_wait3A_206 : memref<125x128xf32, #tpu.memory_space<vmem>>)
      %run_scoped3A_213 = arith.constant 0 : i32
      %run_scoped3A_214 = arith.constant 0 : i32
      %run_scoped3A_215 = arith.constant 0 : i32
      "tpu.region"() ({
        %run_scoped3A_425 = tpu.sem_alloc : memref<!tpu.dma_semaphore, #tpu.memory_space<semaphore_mem>>
        %dma_start3A_426 = arith.constant 0 : i32
        %dma_start3A_427 = arith.constant 0 : i32
        %dma_start3A_428 = tpu.memref_slice %arg8[%run_scoped3A_213, %dma_start3A_426, %dma_start3A_427] : memref<2x125x128xf32, #tpu.memory_space<vmem>> -> memref<1x125x128xf32, #tpu.memory_space<vmem>>
        %dma_start3A_429 = tpu.memref_squeeze %dma_start3A_428 : memref<1x125x128xf32, #tpu.memory_space<vmem>> -> memref<125x128xf32, #tpu.memory_space<vmem>>
        %dma_start3A_430 = arith.constant 0 : i32
        %dma_start3A_431 = tpu.memref_slice %arg7[%run_scoped3A_214, %run_scoped3A_215, %dma_start3A_430] : memref<2x4x125xi32, #tpu.memory_space<vmem>> -> memref<1x1x125xi32, #tpu.memory_space<vmem>>
        %dma_start3A_432 = tpu.memref_squeeze %dma_start3A_431 : memref<1x1x125xi32, #tpu.memory_space<vmem>> -> memref<125xi32, #tpu.memory_space<vmem>>
        %dma_start3A_433 = arith.constant 0 : i32
        %dma_start3A_434 = arith.constant 0 : i32
        %dma_start3A_435 = tpu.memref_slice %arg9[%dma_start3A_433, %dma_start3A_434] : memref<10112x128xf32, #tpu.memory_space<vmem_shared>> -> memref<10112x128xf32, #tpu.memory_space<vmem_shared>>
        tpu.enqueue_indirect_dma source(%dma_start3A_429 : memref<125x128xf32, #tpu.memory_space<vmem>>) target(%dma_start3A_435 : memref<10112x128xf32, #tpu.memory_space<vmem_shared>>) offsets(%dma_start3A_432 : memref<125xi32, #tpu.memory_space<vmem>>) semaphore(%run_scoped3A_425 : memref<!tpu.dma_semaphore, #tpu.memory_space<semaphore_mem>>) {add = true}
        %dma_wait3A_436 = arith.constant 0 : i32
        %dma_wait3A_437 = arith.constant 0 : i32
        %dma_wait3A_438 = tpu.memref_slice %arg8[%run_scoped3A_213, %dma_wait3A_436, %dma_wait3A_437] : memref<2x125x128xf32, #tpu.memory_space<vmem>> -> memref<1x125x128xf32, #tpu.memory_space<vmem>>
        %dma_wait3A_439 = tpu.memref_squeeze %dma_wait3A_438 : memref<1x125x128xf32, #tpu.memory_space<vmem>> -> memref<125x128xf32, #tpu.memory_space<vmem>>
        %dma_wait3A_440 = arith.constant 0 : i32
        %dma_wait3A_441 = tpu.memref_slice %arg7[%run_scoped3A_214, %run_scoped3A_215, %dma_wait3A_440] : memref<2x4x125xi32, #tpu.memory_space<vmem>> -> memref<1x1x125xi32, #tpu.memory_space<vmem>>
        %dma_wait3A_442 = tpu.memref_squeeze %dma_wait3A_441 : memref<1x1x125xi32, #tpu.memory_space<vmem>> -> memref<125xi32, #tpu.memory_space<vmem>>
        %dma_wait3A_443 = arith.constant 0 : i32
        %dma_wait3A_444 = arith.constant 0 : i32
        %dma_wait3A_445 = tpu.memref_slice %arg9[%dma_wait3A_443, %dma_wait3A_444] : memref<10112x128xf32, #tpu.memory_space<vmem_shared>> -> memref<10112x128xf32, #tpu.memory_space<vmem_shared>>
        tpu.wait_indirect_dma semaphore(%run_scoped3A_425 : memref<!tpu.dma_semaphore, #tpu.memory_space<semaphore_mem>>) src(%dma_wait3A_439 : memref<125x128xf32, #tpu.memory_space<vmem>>) dst(%dma_wait3A_445 : memref<10112x128xf32, #tpu.memory_space<vmem_shared>>)
        tpu.yield
      }) : () -> ()
      %dma_start3A_216 = arith.constant 0 : i32
      %dma_start3A_217 = arith.constant 2 : i32
      %dma_start3A_218 = arith.constant 0 : i32
      %dma_start3A_219 = arith.constant 0 : i32
      %dma_start3A_220 = arith.constant 0 : i32
      %dma_start3A_221 = tpu.memref_slice %arg8[%dma_start3A_218, %dma_start3A_219, %dma_start3A_220] : memref<2x125x128xf32, #tpu.memory_space<vmem>> -> memref<1x125x128xf32, #tpu.memory_space<vmem>>
      %dma_start3A_222 = tpu.memref_squeeze %dma_start3A_221 : memref<1x125x128xf32, #tpu.memory_space<vmem>> -> memref<125x128xf32, #tpu.memory_space<vmem>>
      %dma_start3A_223 = arith.constant 0 : i32
      %dma_start3A_224 = tpu.memref_slice %arg6[%dma_start3A_216, %dma_start3A_217, %dma_start3A_223] : memref<2x4x125xi32, #tpu.memory_space<vmem>> -> memref<1x1x125xi32, #tpu.memory_space<vmem>>
      %dma_start3A_225 = tpu.memref_squeeze %dma_start3A_224 : memref<1x1x125xi32, #tpu.memory_space<vmem>> -> memref<125xi32, #tpu.memory_space<vmem>>
      %dma_start3A_226 = arith.constant 0 : i32
      %dma_start3A_227 = arith.constant 0 : i32
      %dma_start3A_228 = tpu.memref_slice %arg2[%dma_start3A_226, %dma_start3A_227] : memref<10000x128xf32, #tpu.memory_space<hbm>> -> memref<10000x128xf32, #tpu.memory_space<hbm>>
      tpu.enqueue_indirect_dma source(%dma_start3A_228 : memref<10000x128xf32, #tpu.memory_space<hbm>>) target(%dma_start3A_222 : memref<125x128xf32, #tpu.memory_space<vmem>>) offsets(%dma_start3A_225 : memref<125xi32, #tpu.memory_space<vmem>>) semaphore(%arg10 : memref<!tpu.dma_semaphore, #tpu.memory_space<semaphore_mem>>)
      %dma_wait3A_229 = arith.constant 0 : i32
      %dma_wait3A_230 = arith.constant 1 : i32
      %dma_wait3A_231 = arith.constant 1 : i32
      %dma_wait3A_232 = arith.constant 0 : i32
      %dma_wait3A_233 = arith.constant 0 : i32
      %dma_wait3A_234 = tpu.memref_slice %arg8[%dma_wait3A_231, %dma_wait3A_232, %dma_wait3A_233] : memref<2x125x128xf32, #tpu.memory_space<vmem>> -> memref<1x125x128xf32, #tpu.memory_space<vmem>>
      %dma_wait3A_235 = tpu.memref_squeeze %dma_wait3A_234 : memref<1x125x128xf32, #tpu.memory_space<vmem>> -> memref<125x128xf32, #tpu.memory_space<vmem>>
      %dma_wait3A_236 = arith.constant 0 : i32
      %dma_wait3A_237 = tpu.memref_slice %arg6[%dma_wait3A_229, %dma_wait3A_230, %dma_wait3A_236] : memref<2x4x125xi32, #tpu.memory_space<vmem>> -> memref<1x1x125xi32, #tpu.memory_space<vmem>>
      %dma_wait3A_238 = tpu.memref_squeeze %dma_wait3A_237 : memref<1x1x125xi32, #tpu.memory_space<vmem>> -> memref<125xi32, #tpu.memory_space<vmem>>
      %dma_wait3A_239 = arith.constant 0 : i32
      %dma_wait3A_240 = arith.constant 0 : i32
      %dma_wait3A_241 = tpu.memref_slice %arg2[%dma_wait3A_239, %dma_wait3A_240] : memref<10000x128xf32, #tpu.memory_space<hbm>> -> memref<10000x128xf32, #tpu.memory_space<hbm>>
      tpu.wait_indirect_dma semaphore(%arg11 : memref<!tpu.dma_semaphore, #tpu.memory_space<semaphore_mem>>) src(%dma_wait3A_241 : memref<10000x128xf32, #tpu.memory_space<hbm>>) dst(%dma_wait3A_235 : memref<125x128xf32, #tpu.memory_space<vmem>>)
      %run_scoped3A_242 = arith.constant 1 : i32
      %run_scoped3A_243 = arith.constant 0 : i32
      %run_scoped3A_244 = arith.constant 1 : i32
      "tpu.region"() ({
        %run_scoped3A_425 = tpu.sem_alloc : memref<!tpu.dma_semaphore, #tpu.memory_space<semaphore_mem>>
        %dma_start3A_426 = arith.constant 0 : i32
        %dma_start3A_427 = arith.constant 0 : i32
        %dma_start3A_428 = tpu.memref_slice %arg8[%run_scoped3A_242, %dma_start3A_426, %dma_start3A_427] : memref<2x125x128xf32, #tpu.memory_space<vmem>> -> memref<1x125x128xf32, #tpu.memory_space<vmem>>
        %dma_start3A_429 = tpu.memref_squeeze %dma_start3A_428 : memref<1x125x128xf32, #tpu.memory_space<vmem>> -> memref<125x128xf32, #tpu.memory_space<vmem>>
        %dma_start3A_430 = arith.constant 0 : i32
        %dma_start3A_431 = tpu.memref_slice %arg7[%run_scoped3A_243, %run_scoped3A_244, %dma_start3A_430] : memref<2x4x125xi32, #tpu.memory_space<vmem>> -> memref<1x1x125xi32, #tpu.memory_space<vmem>>
        %dma_start3A_432 = tpu.memref_squeeze %dma_start3A_431 : memref<1x1x125xi32, #tpu.memory_space<vmem>> -> memref<125xi32, #tpu.memory_space<vmem>>
        %dma_start3A_433 = arith.constant 0 : i32
        %dma_start3A_434 = arith.constant 0 : i32
        %dma_start3A_435 = tpu.memref_slice %arg9[%dma_start3A_433, %dma_start3A_434] : memref<10112x128xf32, #tpu.memory_space<vmem_shared>> -> memref<10112x128xf32, #tpu.memory_space<vmem_shared>>
        tpu.enqueue_indirect_dma source(%dma_start3A_429 : memref<125x128xf32, #tpu.memory_space<vmem>>) target(%dma_start3A_435 : memref<10112x128xf32, #tpu.memory_space<vmem_shared>>) offsets(%dma_start3A_432 : memref<125xi32, #tpu.memory_space<vmem>>) semaphore(%run_scoped3A_425 : memref<!tpu.dma_semaphore, #tpu.memory_space<semaphore_mem>>) {add = true}
        %dma_wait3A_436 = arith.constant 0 : i32
        %dma_wait3A_437 = arith.constant 0 : i32
        %dma_wait3A_438 = tpu.memref_slice %arg8[%run_scoped3A_242, %dma_wait3A_436, %dma_wait3A_437] : memref<2x125x128xf32, #tpu.memory_space<vmem>> -> memref<1x125x128xf32, #tpu.memory_space<vmem>>
        %dma_wait3A_439 = tpu.memref_squeeze %dma_wait3A_438 : memref<1x125x128xf32, #tpu.memory_space<vmem>> -> memref<125x128xf32, #tpu.memory_space<vmem>>
        %dma_wait3A_440 = arith.constant 0 : i32
        %dma_wait3A_441 = tpu.memref_slice %arg7[%run_scoped3A_243, %run_scoped3A_244, %dma_wait3A_440] : memref<2x4x125xi32, #tpu.memory_space<vmem>> -> memref<1x1x125xi32, #tpu.memory_space<vmem>>
        %dma_wait3A_442 = tpu.memref_squeeze %dma_wait3A_441 : memref<1x1x125xi32, #tpu.memory_space<vmem>> -> memref<125xi32, #tpu.memory_space<vmem>>
        %dma_wait3A_443 = arith.constant 0 : i32
        %dma_wait3A_444 = arith.constant 0 : i32
        %dma_wait3A_445 = tpu.memref_slice %arg9[%dma_wait3A_443, %dma_wait3A_444] : memref<10112x128xf32, #tpu.memory_space<vmem_shared>> -> memref<10112x128xf32, #tpu.memory_space<vmem_shared>>
        tpu.wait_indirect_dma semaphore(%run_scoped3A_425 : memref<!tpu.dma_semaphore, #tpu.memory_space<semaphore_mem>>) src(%dma_wait3A_439 : memref<125x128xf32, #tpu.memory_space<vmem>>) dst(%dma_wait3A_445 : memref<10112x128xf32, #tpu.memory_space<vmem_shared>>)
        tpu.yield
      }) : () -> ()
      %dma_start3A_245 = arith.constant 0 : i32
      %dma_start3A_246 = arith.constant 3 : i32
      %dma_start3A_247 = arith.constant 1 : i32
      %dma_start3A_248 = arith.constant 0 : i32
      %dma_start3A_249 = arith.constant 0 : i32
      %dma_start3A_250 = tpu.memref_slice %arg8[%dma_start3A_247, %dma_start3A_248, %dma_start3A_249] : memref<2x125x128xf32, #tpu.memory_space<vmem>> -> memref<1x125x128xf32, #tpu.memory_space<vmem>>
      %dma_start3A_251 = tpu.memref_squeeze %dma_start3A_250 : memref<1x125x128xf32, #tpu.memory_space<vmem>> -> memref<125x128xf32, #tpu.memory_space<vmem>>
      %dma_start3A_252 = arith.constant 0 : i32
      %dma_start3A_253 = tpu.memref_slice %arg6[%dma_start3A_245, %dma_start3A_246, %dma_start3A_252] : memref<2x4x125xi32, #tpu.memory_space<vmem>> -> memref<1x1x125xi32, #tpu.memory_space<vmem>>
      %dma_start3A_254 = tpu.memref_squeeze %dma_start3A_253 : memref<1x1x125xi32, #tpu.memory_space<vmem>> -> memref<125xi32, #tpu.memory_space<vmem>>
      %dma_start3A_255 = arith.constant 0 : i32
      %dma_start3A_256 = arith.constant 0 : i32
      %dma_start3A_257 = tpu.memref_slice %arg2[%dma_start3A_255, %dma_start3A_256] : memref<10000x128xf32, #tpu.memory_space<hbm>> -> memref<10000x128xf32, #tpu.memory_space<hbm>>
      tpu.enqueue_indirect_dma source(%dma_start3A_257 : memref<10000x128xf32, #tpu.memory_space<hbm>>) target(%dma_start3A_251 : memref<125x128xf32, #tpu.memory_space<vmem>>) offsets(%dma_start3A_254 : memref<125xi32, #tpu.memory_space<vmem>>) semaphore(%arg11 : memref<!tpu.dma_semaphore, #tpu.memory_space<semaphore_mem>>)
      %dma_wait3A_258 = arith.constant 0 : i32
      %dma_wait3A_259 = arith.constant 2 : i32
      %dma_wait3A_260 = arith.constant 0 : i32
      %dma_wait3A_261 = arith.constant 0 : i32
      %dma_wait3A_262 = arith.constant 0 : i32
      %dma_wait3A_263 = tpu.memref_slice %arg8[%dma_wait3A_260, %dma_wait3A_261, %dma_wait3A_262] : memref<2x125x128xf32, #tpu.memory_space<vmem>> -> memref<1x125x128xf32, #tpu.memory_space<vmem>>
      %dma_wait3A_264 = tpu.memref_squeeze %dma_wait3A_263 : memref<1x125x128xf32, #tpu.memory_space<vmem>> -> memref<125x128xf32, #tpu.memory_space<vmem>>
      %dma_wait3A_265 = arith.constant 0 : i32
      %dma_wait3A_266 = tpu.memref_slice %arg6[%dma_wait3A_258, %dma_wait3A_259, %dma_wait3A_265] : memref<2x4x125xi32, #tpu.memory_space<vmem>> -> memref<1x1x125xi32, #tpu.memory_space<vmem>>
      %dma_wait3A_267 = tpu.memref_squeeze %dma_wait3A_266 : memref<1x1x125xi32, #tpu.memory_space<vmem>> -> memref<125xi32, #tpu.memory_space<vmem>>
      %dma_wait3A_268 = arith.constant 0 : i32
      %dma_wait3A_269 = arith.constant 0 : i32
      %dma_wait3A_270 = tpu.memref_slice %arg2[%dma_wait3A_268, %dma_wait3A_269] : memref<10000x128xf32, #tpu.memory_space<hbm>> -> memref<10000x128xf32, #tpu.memory_space<hbm>>
      tpu.wait_indirect_dma semaphore(%arg10 : memref<!tpu.dma_semaphore, #tpu.memory_space<semaphore_mem>>) src(%dma_wait3A_270 : memref<10000x128xf32, #tpu.memory_space<hbm>>) dst(%dma_wait3A_264 : memref<125x128xf32, #tpu.memory_space<vmem>>)
      %run_scoped3A_271 = arith.constant 0 : i32
      %run_scoped3A_272 = arith.constant 0 : i32
      %run_scoped3A_273 = arith.constant 2 : i32
      "tpu.region"() ({
        %run_scoped3A_425 = tpu.sem_alloc : memref<!tpu.dma_semaphore, #tpu.memory_space<semaphore_mem>>
        %dma_start3A_426 = arith.constant 0 : i32
        %dma_start3A_427 = arith.constant 0 : i32
        %dma_start3A_428 = tpu.memref_slice %arg8[%run_scoped3A_271, %dma_start3A_426, %dma_start3A_427] : memref<2x125x128xf32, #tpu.memory_space<vmem>> -> memref<1x125x128xf32, #tpu.memory_space<vmem>>
        %dma_start3A_429 = tpu.memref_squeeze %dma_start3A_428 : memref<1x125x128xf32, #tpu.memory_space<vmem>> -> memref<125x128xf32, #tpu.memory_space<vmem>>
        %dma_start3A_430 = arith.constant 0 : i32
        %dma_start3A_431 = tpu.memref_slice %arg7[%run_scoped3A_272, %run_scoped3A_273, %dma_start3A_430] : memref<2x4x125xi32, #tpu.memory_space<vmem>> -> memref<1x1x125xi32, #tpu.memory_space<vmem>>
        %dma_start3A_432 = tpu.memref_squeeze %dma_start3A_431 : memref<1x1x125xi32, #tpu.memory_space<vmem>> -> memref<125xi32, #tpu.memory_space<vmem>>
        %dma_start3A_433 = arith.constant 0 : i32
        %dma_start3A_434 = arith.constant 0 : i32
        %dma_start3A_435 = tpu.memref_slice %arg9[%dma_start3A_433, %dma_start3A_434] : memref<10112x128xf32, #tpu.memory_space<vmem_shared>> -> memref<10112x128xf32, #tpu.memory_space<vmem_shared>>
        tpu.enqueue_indirect_dma source(%dma_start3A_429 : memref<125x128xf32, #tpu.memory_space<vmem>>) target(%dma_start3A_435 : memref<10112x128xf32, #tpu.memory_space<vmem_shared>>) offsets(%dma_start3A_432 : memref<125xi32, #tpu.memory_space<vmem>>) semaphore(%run_scoped3A_425 : memref<!tpu.dma_semaphore, #tpu.memory_space<semaphore_mem>>) {add = true}
        %dma_wait3A_436 = arith.constant 0 : i32
        %dma_wait3A_437 = arith.constant 0 : i32
        %dma_wait3A_438 = tpu.memref_slice %arg8[%run_scoped3A_271, %dma_wait3A_436, %dma_wait3A_437] : memref<2x125x128xf32, #tpu.memory_space<vmem>> -> memref<1x125x128xf32, #tpu.memory_space<vmem>>
        %dma_wait3A_439 = tpu.memref_squeeze %dma_wait3A_438 : memref<1x125x128xf32, #tpu.memory_space<vmem>> -> memref<125x128xf32, #tpu.memory_space<vmem>>
        %dma_wait3A_440 = arith.constant 0 : i32
        %dma_wait3A_441 = tpu.memref_slice %arg7[%run_scoped3A_272, %run_scoped3A_273, %dma_wait3A_440] : memref<2x4x125xi32, #tpu.memory_space<vmem>> -> memref<1x1x125xi32, #tpu.memory_space<vmem>>
        %dma_wait3A_442 = tpu.memref_squeeze %dma_wait3A_441 : memref<1x1x125xi32, #tpu.memory_space<vmem>> -> memref<125xi32, #tpu.memory_space<vmem>>
        %dma_wait3A_443 = arith.constant 0 : i32
        %dma_wait3A_444 = arith.constant 0 : i32
        %dma_wait3A_445 = tpu.memref_slice %arg9[%dma_wait3A_443, %dma_wait3A_444] : memref<10112x128xf32, #tpu.memory_space<vmem_shared>> -> memref<10112x128xf32, #tpu.memory_space<vmem_shared>>
        tpu.wait_indirect_dma semaphore(%run_scoped3A_425 : memref<!tpu.dma_semaphore, #tpu.memory_space<semaphore_mem>>) src(%dma_wait3A_439 : memref<125x128xf32, #tpu.memory_space<vmem>>) dst(%dma_wait3A_445 : memref<10112x128xf32, #tpu.memory_space<vmem_shared>>)
        tpu.yield
      }) : () -> ()
      %add3A_274 = arith.constant 1 : i32
      %add3A_275 = arith.addi %add3A_199, %add3A_274 : i32
      %lt3A = arith.constant 20 : i32
      %lt3A_276 = arith.cmpi slt, %add3A_275, %lt3A : i32
      %convert_element_type3A_277 = arith.extui %lt3A_276 : i1 to i32
      %cond3A_278 = arith.constant 0 : i32
      %cond3A_279 = arith.cmpi ne, %convert_element_type3A_277, %cond3A_278 : i32
      scf.if %cond3A_279 {
        %add3A_425 = arith.constant 1 : i32
        %add3A_426 = arith.addi %add3A_199, %add3A_425 : i32
        %add3A_427 = arith.addi %mul3A_2, %add3A_426 : i32
        %dma_wait3A_428 = arith.constant 0 : i32
        %dma_wait3A_429 = arith.constant 1 : i32
        %dma_wait3A_430 = arith.constant 0 : i32
        %dma_wait3A_431 = arith.constant 0 : i32
        %dma_wait3A_432 = tpu.memref_slice %arg6[%dma_wait3A_429, %dma_wait3A_430, %dma_wait3A_431] : memref<2x4x125xi32, #tpu.memory_space<vmem>> -> memref<1x4x125xi32, #tpu.memory_space<vmem>>
        %dma_wait3A_433 = tpu.memref_squeeze %dma_wait3A_432 : memref<1x4x125xi32, #tpu.memory_space<vmem>> -> memref<4x125xi32, #tpu.memory_space<vmem>>
        %dma_wait3A_434 = arith.constant 0 : i32
        %dma_wait3A_435 = arith.constant 0 : i32
        %dma_wait3A_436 = tpu.memref_slice %arg3[%dma_wait3A_428, %add3A_427, %dma_wait3A_434, %dma_wait3A_435] : memref<2x640x4x125xi32, #tpu.memory_space<hbm>> -> memref<1x1x4x125xi32, #tpu.memory_space<hbm>>
        %dma_wait3A_437 = tpu.memref_squeeze %dma_wait3A_436 : memref<1x1x4x125xi32, #tpu.memory_space<hbm>> -> memref<4x125xi32, #tpu.memory_space<hbm>>
        %dma_wait3A_438 = arith.constant 0 : i32
        %dma_wait3A_439 = arith.constant 0 : i32
        %dma_wait3A_440 = tpu.memref_slice %arg6[%dma_wait3A_429, %dma_wait3A_438, %dma_wait3A_439] : memref<2x4x125xi32, #tpu.memory_space<vmem>> -> memref<1x4x125xi32, #tpu.memory_space<vmem>>
        %dma_wait3A_441 = tpu.memref_squeeze %dma_wait3A_440 : memref<1x4x125xi32, #tpu.memory_space<vmem>> -> memref<4x125xi32, #tpu.memory_space<vmem>>
        %dma_wait3A_442 = arith.constant 0 : i32
        %dma_wait3A_443 = arith.constant 0 : i32
        %dma_wait3A_444 = tpu.memref_slice %arg3[%dma_wait3A_428, %add3A_427, %dma_wait3A_442, %dma_wait3A_443] : memref<2x640x4x125xi32, #tpu.memory_space<hbm>> -> memref<1x1x4x125xi32, #tpu.memory_space<hbm>>
        %dma_wait3A_445 = tpu.memref_squeeze %dma_wait3A_444 : memref<1x1x4x125xi32, #tpu.memory_space<hbm>> -> memref<4x125xi32, #tpu.memory_space<hbm>>
        tpu.wait_dma2 semaphore(%arg13 : memref<!tpu.dma_semaphore, #tpu.memory_space<semaphore_mem>>) src(%dma_wait3A_445 : memref<4x125xi32, #tpu.memory_space<hbm>>) dst(%dma_wait3A_441 : memref<4x125xi32, #tpu.memory_space<vmem>>)
        %add3A_446 = arith.addi %mul3A_2, %add3A_426 : i32
        %dma_wait3A_447 = arith.constant 1 : i32
        %dma_wait3A_448 = arith.constant 1 : i32
        %dma_wait3A_449 = arith.constant 0 : i32
        %dma_wait3A_450 = arith.constant 0 : i32
        %dma_wait3A_451 = tpu.memref_slice %arg7[%dma_wait3A_448, %dma_wait3A_449, %dma_wait3A_450] : memref<2x4x125xi32, #tpu.memory_space<vmem>> -> memref<1x4x125xi32, #tpu.memory_space<vmem>>
        %dma_wait3A_452 = tpu.memref_squeeze %dma_wait3A_451 : memref<1x4x125xi32, #tpu.memory_space<vmem>> -> memref<4x125xi32, #tpu.memory_space<vmem>>
        %dma_wait3A_453 = arith.constant 0 : i32
        %dma_wait3A_454 = arith.constant 0 : i32
        %dma_wait3A_455 = tpu.memref_slice %arg3[%dma_wait3A_447, %add3A_446, %dma_wait3A_453, %dma_wait3A_454] : memref<2x640x4x125xi32, #tpu.memory_space<hbm>> -> memref<1x1x4x125xi32, #tpu.memory_space<hbm>>
        %dma_wait3A_456 = tpu.memref_squeeze %dma_wait3A_455 : memref<1x1x4x125xi32, #tpu.memory_space<hbm>> -> memref<4x125xi32, #tpu.memory_space<hbm>>
        %dma_wait3A_457 = arith.constant 0 : i32
        %dma_wait3A_458 = arith.constant 0 : i32
        %dma_wait3A_459 = tpu.memref_slice %arg7[%dma_wait3A_448, %dma_wait3A_457, %dma_wait3A_458] : memref<2x4x125xi32, #tpu.memory_space<vmem>> -> memref<1x4x125xi32, #tpu.memory_space<vmem>>
        %dma_wait3A_460 = tpu.memref_squeeze %dma_wait3A_459 : memref<1x4x125xi32, #tpu.memory_space<vmem>> -> memref<4x125xi32, #tpu.memory_space<vmem>>
        %dma_wait3A_461 = arith.constant 0 : i32
        %dma_wait3A_462 = arith.constant 0 : i32
        %dma_wait3A_463 = tpu.memref_slice %arg3[%dma_wait3A_447, %add3A_446, %dma_wait3A_461, %dma_wait3A_462] : memref<2x640x4x125xi32, #tpu.memory_space<hbm>> -> memref<1x1x4x125xi32, #tpu.memory_space<hbm>>
        %dma_wait3A_464 = tpu.memref_squeeze %dma_wait3A_463 : memref<1x1x4x125xi32, #tpu.memory_space<hbm>> -> memref<4x125xi32, #tpu.memory_space<hbm>>
        tpu.wait_dma2 semaphore(%arg13 : memref<!tpu.dma_semaphore, #tpu.memory_space<semaphore_mem>>) src(%dma_wait3A_464 : memref<4x125xi32, #tpu.memory_space<hbm>>) dst(%dma_wait3A_460 : memref<4x125xi32, #tpu.memory_space<vmem>>)
        %dma_start3A_465 = arith.constant 1 : i32
        %dma_start3A_466 = arith.constant 0 : i32
        %dma_start3A_467 = arith.constant 0 : i32
        %dma_start3A_468 = arith.constant 0 : i32
        %dma_start3A_469 = arith.constant 0 : i32
        %dma_start3A_470 = tpu.memref_slice %arg8[%dma_start3A_467, %dma_start3A_468, %dma_start3A_469] : memref<2x125x128xf32, #tpu.memory_space<vmem>> -> memref<1x125x128xf32, #tpu.memory_space<vmem>>
        %dma_start3A_471 = tpu.memref_squeeze %dma_start3A_470 : memref<1x125x128xf32, #tpu.memory_space<vmem>> -> memref<125x128xf32, #tpu.memory_space<vmem>>
        %dma_start3A_472 = arith.constant 0 : i32
        %dma_start3A_473 = tpu.memref_slice %arg6[%dma_start3A_465, %dma_start3A_466, %dma_start3A_472] : memref<2x4x125xi32, #tpu.memory_space<vmem>> -> memref<1x1x125xi32, #tpu.memory_space<vmem>>
        %dma_start3A_474 = tpu.memref_squeeze %dma_start3A_473 : memref<1x1x125xi32, #tpu.memory_space<vmem>> -> memref<125xi32, #tpu.memory_space<vmem>>
        %dma_start3A_475 = arith.constant 0 : i32
        %dma_start3A_476 = arith.constant 0 : i32
        %dma_start3A_477 = tpu.memref_slice %arg2[%dma_start3A_475, %dma_start3A_476] : memref<10000x128xf32, #tpu.memory_space<hbm>> -> memref<10000x128xf32, #tpu.memory_space<hbm>>
        tpu.enqueue_indirect_dma source(%dma_start3A_477 : memref<10000x128xf32, #tpu.memory_space<hbm>>) target(%dma_start3A_471 : memref<125x128xf32, #tpu.memory_space<vmem>>) offsets(%dma_start3A_474 : memref<125xi32, #tpu.memory_space<vmem>>) semaphore(%arg10 : memref<!tpu.dma_semaphore, #tpu.memory_space<semaphore_mem>>)
      } else {
      }
      %dma_wait3A_280 = arith.constant 0 : i32
      %dma_wait3A_281 = arith.constant 3 : i32
      %dma_wait3A_282 = arith.constant 1 : i32
      %dma_wait3A_283 = arith.constant 0 : i32
      %dma_wait3A_284 = arith.constant 0 : i32
      %dma_wait3A_285 = tpu.memref_slice %arg8[%dma_wait3A_282, %dma_wait3A_283, %dma_wait3A_284] : memref<2x125x128xf32, #tpu.memory_space<vmem>> -> memref<1x125x128xf32, #tpu.memory_space<vmem>>
      %dma_wait3A_286 = tpu.memref_squeeze %dma_wait3A_285 : memref<1x125x128xf32, #tpu.memory_space<vmem>> -> memref<125x128xf32, #tpu.memory_space<vmem>>
      %dma_wait3A_287 = arith.constant 0 : i32
      %dma_wait3A_288 = tpu.memref_slice %arg6[%dma_wait3A_280, %dma_wait3A_281, %dma_wait3A_287] : memref<2x4x125xi32, #tpu.memory_space<vmem>> -> memref<1x1x125xi32, #tpu.memory_space<vmem>>
      %dma_wait3A_289 = tpu.memref_squeeze %dma_wait3A_288 : memref<1x1x125xi32, #tpu.memory_space<vmem>> -> memref<125xi32, #tpu.memory_space<vmem>>
      %dma_wait3A_290 = arith.constant 0 : i32
      %dma_wait3A_291 = arith.constant 0 : i32
      %dma_wait3A_292 = tpu.memref_slice %arg2[%dma_wait3A_290, %dma_wait3A_291] : memref<10000x128xf32, #tpu.memory_space<hbm>> -> memref<10000x128xf32, #tpu.memory_space<hbm>>
      tpu.wait_indirect_dma semaphore(%arg11 : memref<!tpu.dma_semaphore, #tpu.memory_space<semaphore_mem>>) src(%dma_wait3A_292 : memref<10000x128xf32, #tpu.memory_space<hbm>>) dst(%dma_wait3A_286 : memref<125x128xf32, #tpu.memory_space<vmem>>)
      %run_scoped3A_293 = arith.constant 1 : i32
      %run_scoped3A_294 = arith.constant 0 : i32
      %run_scoped3A_295 = arith.constant 3 : i32
      "tpu.region"() ({
        %run_scoped3A_425 = tpu.sem_alloc : memref<!tpu.dma_semaphore, #tpu.memory_space<semaphore_mem>>
        %dma_start3A_426 = arith.constant 0 : i32
        %dma_start3A_427 = arith.constant 0 : i32
        %dma_start3A_428 = tpu.memref_slice %arg8[%run_scoped3A_293, %dma_start3A_426, %dma_start3A_427] : memref<2x125x128xf32, #tpu.memory_space<vmem>> -> memref<1x125x128xf32, #tpu.memory_space<vmem>>
        %dma_start3A_429 = tpu.memref_squeeze %dma_start3A_428 : memref<1x125x128xf32, #tpu.memory_space<vmem>> -> memref<125x128xf32, #tpu.memory_space<vmem>>
        %dma_start3A_430 = arith.constant 0 : i32
        %dma_start3A_431 = tpu.memref_slice %arg7[%run_scoped3A_294, %run_scoped3A_295, %dma_start3A_430] : memref<2x4x125xi32, #tpu.memory_space<vmem>> -> memref<1x1x125xi32, #tpu.memory_space<vmem>>
        %dma_start3A_432 = tpu.memref_squeeze %dma_start3A_431 : memref<1x1x125xi32, #tpu.memory_space<vmem>> -> memref<125xi32, #tpu.memory_space<vmem>>
        %dma_start3A_433 = arith.constant 0 : i32
        %dma_start3A_434 = arith.constant 0 : i32
        %dma_start3A_435 = tpu.memref_slice %arg9[%dma_start3A_433, %dma_start3A_434] : memref<10112x128xf32, #tpu.memory_space<vmem_shared>> -> memref<10112x128xf32, #tpu.memory_space<vmem_shared>>
        tpu.enqueue_indirect_dma source(%dma_start3A_429 : memref<125x128xf32, #tpu.memory_space<vmem>>) target(%dma_start3A_435 : memref<10112x128xf32, #tpu.memory_space<vmem_shared>>) offsets(%dma_start3A_432 : memref<125xi32, #tpu.memory_space<vmem>>) semaphore(%run_scoped3A_425 : memref<!tpu.dma_semaphore, #tpu.memory_space<semaphore_mem>>) {add = true}
        %dma_wait3A_436 = arith.constant 0 : i32
        %dma_wait3A_437 = arith.constant 0 : i32
        %dma_wait3A_438 = tpu.memref_slice %arg8[%run_scoped3A_293, %dma_wait3A_436, %dma_wait3A_437] : memref<2x125x128xf32, #tpu.memory_space<vmem>> -> memref<1x125x128xf32, #tpu.memory_space<vmem>>
        %dma_wait3A_439 = tpu.memref_squeeze %dma_wait3A_438 : memref<1x125x128xf32, #tpu.memory_space<vmem>> -> memref<125x128xf32, #tpu.memory_space<vmem>>
        %dma_wait3A_440 = arith.constant 0 : i32
        %dma_wait3A_441 = tpu.memref_slice %arg7[%run_scoped3A_294, %run_scoped3A_295, %dma_wait3A_440] : memref<2x4x125xi32, #tpu.memory_space<vmem>> -> memref<1x1x125xi32, #tpu.memory_space<vmem>>
        %dma_wait3A_442 = tpu.memref_squeeze %dma_wait3A_441 : memref<1x1x125xi32, #tpu.memory_space<vmem>> -> memref<125xi32, #tpu.memory_space<vmem>>
        %dma_wait3A_443 = arith.constant 0 : i32
        %dma_wait3A_444 = arith.constant 0 : i32
        %dma_wait3A_445 = tpu.memref_slice %arg9[%dma_wait3A_443, %dma_wait3A_444] : memref<10112x128xf32, #tpu.memory_space<vmem_shared>> -> memref<10112x128xf32, #tpu.memory_space<vmem_shared>>
        tpu.wait_indirect_dma semaphore(%run_scoped3A_425 : memref<!tpu.dma_semaphore, #tpu.memory_space<semaphore_mem>>) src(%dma_wait3A_439 : memref<125x128xf32, #tpu.memory_space<vmem>>) dst(%dma_wait3A_445 : memref<10112x128xf32, #tpu.memory_space<vmem_shared>>)
        tpu.yield
      }) : () -> ()
      %add3A_296 = arith.constant 1 : i32
      %add3A_297 = arith.addi %add3A_199, %add3A_296 : i32
      %lt3A_298 = arith.constant 20 : i32
      %lt3A_299 = arith.cmpi slt, %add3A_297, %lt3A_298 : i32
      %convert_element_type3A_300 = arith.extui %lt3A_299 : i1 to i32
      %cond3A_301 = arith.constant 0 : i32
      %cond3A_302 = arith.cmpi ne, %convert_element_type3A_300, %cond3A_301 : i32
      scf.if %cond3A_302 {
        %dma_start3A_425 = arith.constant 1 : i32
        %dma_start3A_426 = arith.constant 1 : i32
        %dma_start3A_427 = arith.constant 1 : i32
        %dma_start3A_428 = arith.constant 0 : i32
        %dma_start3A_429 = arith.constant 0 : i32
        %dma_start3A_430 = tpu.memref_slice %arg8[%dma_start3A_427, %dma_start3A_428, %dma_start3A_429] : memref<2x125x128xf32, #tpu.memory_space<vmem>> -> memref<1x125x128xf32, #tpu.memory_space<vmem>>
        %dma_start3A_431 = tpu.memref_squeeze %dma_start3A_430 : memref<1x125x128xf32, #tpu.memory_space<vmem>> -> memref<125x128xf32, #tpu.memory_space<vmem>>
        %dma_start3A_432 = arith.constant 0 : i32
        %dma_start3A_433 = tpu.memref_slice %arg6[%dma_start3A_425, %dma_start3A_426, %dma_start3A_432] : memref<2x4x125xi32, #tpu.memory_space<vmem>> -> memref<1x1x125xi32, #tpu.memory_space<vmem>>
        %dma_start3A_434 = tpu.memref_squeeze %dma_start3A_433 : memref<1x1x125xi32, #tpu.memory_space<vmem>> -> memref<125xi32, #tpu.memory_space<vmem>>
        %dma_start3A_435 = arith.constant 0 : i32
        %dma_start3A_436 = arith.constant 0 : i32
        %dma_start3A_437 = tpu.memref_slice %arg2[%dma_start3A_435, %dma_start3A_436] : memref<10000x128xf32, #tpu.memory_space<hbm>> -> memref<10000x128xf32, #tpu.memory_space<hbm>>
        tpu.enqueue_indirect_dma source(%dma_start3A_437 : memref<10000x128xf32, #tpu.memory_space<hbm>>) target(%dma_start3A_431 : memref<125x128xf32, #tpu.memory_space<vmem>>) offsets(%dma_start3A_434 : memref<125xi32, #tpu.memory_space<vmem>>) semaphore(%arg11 : memref<!tpu.dma_semaphore, #tpu.memory_space<semaphore_mem>>)
      } else {
      }
      %add3A_303 = arith.constant 2 : i32
      %add3A_304 = arith.addi %add3A_199, %add3A_303 : i32
      %lt3A_305 = arith.constant 20 : i32
      %lt3A_306 = arith.cmpi slt, %add3A_304, %lt3A_305 : i32
      %convert_element_type3A_307 = arith.extui %lt3A_306 : i1 to i32
      %cond3A_308 = arith.constant 0 : i32
      %cond3A_309 = arith.cmpi ne, %convert_element_type3A_307, %cond3A_308 : i32
      scf.if %cond3A_309 {
        %add3A_425 = arith.constant 2 : i32
        %add3A_426 = arith.addi %add3A_199, %add3A_425 : i32
        %add3A_427 = arith.addi %mul3A_2, %add3A_426 : i32
        %dma_start3A_428 = arith.constant 0 : i32
        %dma_start3A_429 = arith.constant 0 : i32
        %dma_start3A_430 = arith.constant 0 : i32
        %dma_start3A_431 = arith.constant 0 : i32
        %dma_start3A_432 = tpu.memref_slice %arg6[%dma_start3A_429, %dma_start3A_430, %dma_start3A_431] : memref<2x4x125xi32, #tpu.memory_space<vmem>> -> memref<1x4x125xi32, #tpu.memory_space<vmem>>
        %dma_start3A_433 = tpu.memref_squeeze %dma_start3A_432 : memref<1x4x125xi32, #tpu.memory_space<vmem>> -> memref<4x125xi32, #tpu.memory_space<vmem>>
        %dma_start3A_434 = arith.constant 0 : i32
        %dma_start3A_435 = arith.constant 0 : i32
        %dma_start3A_436 = tpu.memref_slice %arg3[%dma_start3A_428, %add3A_427, %dma_start3A_434, %dma_start3A_435] : memref<2x640x4x125xi32, #tpu.memory_space<hbm>> -> memref<1x1x4x125xi32, #tpu.memory_space<hbm>>
        %dma_start3A_437 = tpu.memref_squeeze %dma_start3A_436 : memref<1x1x4x125xi32, #tpu.memory_space<hbm>> -> memref<4x125xi32, #tpu.memory_space<hbm>>
        %dma_start3A_438 = arith.constant 0 : i32
        %dma_start3A_439 = arith.constant 0 : i32
        %dma_start3A_440 = tpu.memref_slice %arg6[%dma_start3A_429, %dma_start3A_438, %dma_start3A_439] : memref<2x4x125xi32, #tpu.memory_space<vmem>> -> memref<1x4x125xi32, #tpu.memory_space<vmem>>
        %dma_start3A_441 = tpu.memref_squeeze %dma_start3A_440 : memref<1x4x125xi32, #tpu.memory_space<vmem>> -> memref<4x125xi32, #tpu.memory_space<vmem>>
        %dma_start3A_442 = arith.constant 0 : i32
        %dma_start3A_443 = arith.constant 0 : i32
        %dma_start3A_444 = tpu.memref_slice %arg3[%dma_start3A_428, %add3A_427, %dma_start3A_442, %dma_start3A_443] : memref<2x640x4x125xi32, #tpu.memory_space<hbm>> -> memref<1x1x4x125xi32, #tpu.memory_space<hbm>>
        %dma_start3A_445 = tpu.memref_squeeze %dma_start3A_444 : memref<1x1x4x125xi32, #tpu.memory_space<hbm>> -> memref<4x125xi32, #tpu.memory_space<hbm>>
        tpu.enqueue_dma source(%dma_start3A_445 : memref<4x125xi32, #tpu.memory_space<hbm>>) target(%dma_start3A_441 : memref<4x125xi32, #tpu.memory_space<vmem>>) target_semaphore(%arg12 : memref<!tpu.dma_semaphore, #tpu.memory_space<semaphore_mem>>)
        %add3A_446 = arith.addi %mul3A_2, %add3A_426 : i32
        %dma_start3A_447 = arith.constant 1 : i32
        %dma_start3A_448 = arith.constant 0 : i32
        %dma_start3A_449 = arith.constant 0 : i32
        %dma_start3A_450 = arith.constant 0 : i32
        %dma_start3A_451 = tpu.memref_slice %arg7[%dma_start3A_448, %dma_start3A_449, %dma_start3A_450] : memref<2x4x125xi32, #tpu.memory_space<vmem>> -> memref<1x4x125xi32, #tpu.memory_space<vmem>>
        %dma_start3A_452 = tpu.memref_squeeze %dma_start3A_451 : memref<1x4x125xi32, #tpu.memory_space<vmem>> -> memref<4x125xi32, #tpu.memory_space<vmem>>
        %dma_start3A_453 = arith.constant 0 : i32
        %dma_start3A_454 = arith.constant 0 : i32
        %dma_start3A_455 = tpu.memref_slice %arg3[%dma_start3A_447, %add3A_446, %dma_start3A_453, %dma_start3A_454] : memref<2x640x4x125xi32, #tpu.memory_space<hbm>> -> memref<1x1x4x125xi32, #tpu.memory_space<hbm>>
        %dma_start3A_456 = tpu.memref_squeeze %dma_start3A_455 : memref<1x1x4x125xi32, #tpu.memory_space<hbm>> -> memref<4x125xi32, #tpu.memory_space<hbm>>
        %dma_start3A_457 = arith.constant 0 : i32
        %dma_start3A_458 = arith.constant 0 : i32
        %dma_start3A_459 = tpu.memref_slice %arg7[%dma_start3A_448, %dma_start3A_457, %dma_start3A_458] : memref<2x4x125xi32, #tpu.memory_space<vmem>> -> memref<1x4x125xi32, #tpu.memory_space<vmem>>
        %dma_start3A_460 = tpu.memref_squeeze %dma_start3A_459 : memref<1x4x125xi32, #tpu.memory_space<vmem>> -> memref<4x125xi32, #tpu.memory_space<vmem>>
        %dma_start3A_461 = arith.constant 0 : i32
        %dma_start3A_462 = arith.constant 0 : i32
        %dma_start3A_463 = tpu.memref_slice %arg3[%dma_start3A_447, %add3A_446, %dma_start3A_461, %dma_start3A_462] : memref<2x640x4x125xi32, #tpu.memory_space<hbm>> -> memref<1x1x4x125xi32, #tpu.memory_space<hbm>>
        %dma_start3A_464 = tpu.memref_squeeze %dma_start3A_463 : memref<1x1x4x125xi32, #tpu.memory_space<hbm>> -> memref<4x125xi32, #tpu.memory_space<hbm>>
        tpu.enqueue_dma source(%dma_start3A_464 : memref<4x125xi32, #tpu.memory_space<hbm>>) target(%dma_start3A_460 : memref<4x125xi32, #tpu.memory_space<vmem>>) target_semaphore(%arg12 : memref<!tpu.dma_semaphore, #tpu.memory_space<semaphore_mem>>)
      } else {
      }
      %mul3A_310 = arith.constant 2 : i32
      %mul3A_311 = arith.muli %mul3A_310, %scan3A_195 : i32
      %add3A_312 = arith.constant 1 : i32
      %add3A_313 = arith.addi %mul3A_311, %add3A_312 : i32
      %dma_wait3A_314 = arith.constant 1 : i32
      %dma_wait3A_315 = arith.constant 0 : i32
      %dma_wait3A_316 = arith.constant 0 : i32
      %dma_wait3A_317 = arith.constant 0 : i32
      %dma_wait3A_318 = arith.constant 0 : i32
      %dma_wait3A_319 = tpu.memref_slice %arg8[%dma_wait3A_316, %dma_wait3A_317, %dma_wait3A_318] : memref<2x125x128xf32, #tpu.memory_space<vmem>> -> memref<1x125x128xf32, #tpu.memory_space<vmem>>
      %dma_wait3A_320 = tpu.memref_squeeze %dma_wait3A_319 : memref<1x125x128xf32, #tpu.memory_space<vmem>> -> memref<125x128xf32, #tpu.memory_space<vmem>>
      %dma_wait3A_321 = arith.constant 0 : i32
      %dma_wait3A_322 = tpu.memref_slice %arg6[%dma_wait3A_314, %dma_wait3A_315, %dma_wait3A_321] : memref<2x4x125xi32, #tpu.memory_space<vmem>> -> memref<1x1x125xi32, #tpu.memory_space<vmem>>
      %dma_wait3A_323 = tpu.memref_squeeze %dma_wait3A_322 : memref<1x1x125xi32, #tpu.memory_space<vmem>> -> memref<125xi32, #tpu.memory_space<vmem>>
      %dma_wait3A_324 = arith.constant 0 : i32
      %dma_wait3A_325 = arith.constant 0 : i32
      %dma_wait3A_326 = tpu.memref_slice %arg2[%dma_wait3A_324, %dma_wait3A_325] : memref<10000x128xf32, #tpu.memory_space<hbm>> -> memref<10000x128xf32, #tpu.memory_space<hbm>>
      tpu.wait_indirect_dma semaphore(%arg10 : memref<!tpu.dma_semaphore, #tpu.memory_space<semaphore_mem>>) src(%dma_wait3A_326 : memref<10000x128xf32, #tpu.memory_space<hbm>>) dst(%dma_wait3A_320 : memref<125x128xf32, #tpu.memory_space<vmem>>)
      %run_scoped3A_327 = arith.constant 0 : i32
      %run_scoped3A_328 = arith.constant 1 : i32
      %run_scoped3A_329 = arith.constant 0 : i32
      "tpu.region"() ({
        %run_scoped3A_425 = tpu.sem_alloc : memref<!tpu.dma_semaphore, #tpu.memory_space<semaphore_mem>>
        %dma_start3A_426 = arith.constant 0 : i32
        %dma_start3A_427 = arith.constant 0 : i32
        %dma_start3A_428 = tpu.memref_slice %arg8[%run_scoped3A_327, %dma_start3A_426, %dma_start3A_427] : memref<2x125x128xf32, #tpu.memory_space<vmem>> -> memref<1x125x128xf32, #tpu.memory_space<vmem>>
        %dma_start3A_429 = tpu.memref_squeeze %dma_start3A_428 : memref<1x125x128xf32, #tpu.memory_space<vmem>> -> memref<125x128xf32, #tpu.memory_space<vmem>>
        %dma_start3A_430 = arith.constant 0 : i32
        %dma_start3A_431 = tpu.memref_slice %arg7[%run_scoped3A_328, %run_scoped3A_329, %dma_start3A_430] : memref<2x4x125xi32, #tpu.memory_space<vmem>> -> memref<1x1x125xi32, #tpu.memory_space<vmem>>
        %dma_start3A_432 = tpu.memref_squeeze %dma_start3A_431 : memref<1x1x125xi32, #tpu.memory_space<vmem>> -> memref<125xi32, #tpu.memory_space<vmem>>
        %dma_start3A_433 = arith.constant 0 : i32
        %dma_start3A_434 = arith.constant 0 : i32
        %dma_start3A_435 = tpu.memref_slice %arg9[%dma_start3A_433, %dma_start3A_434] : memref<10112x128xf32, #tpu.memory_space<vmem_shared>> -> memref<10112x128xf32, #tpu.memory_space<vmem_shared>>
        tpu.enqueue_indirect_dma source(%dma_start3A_429 : memref<125x128xf32, #tpu.memory_space<vmem>>) target(%dma_start3A_435 : memref<10112x128xf32, #tpu.memory_space<vmem_shared>>) offsets(%dma_start3A_432 : memref<125xi32, #tpu.memory_space<vmem>>) semaphore(%run_scoped3A_425 : memref<!tpu.dma_semaphore, #tpu.memory_space<semaphore_mem>>) {add = true}
        %dma_wait3A_436 = arith.constant 0 : i32
        %dma_wait3A_437 = arith.constant 0 : i32
        %dma_wait3A_438 = tpu.memref_slice %arg8[%run_scoped3A_327, %dma_wait3A_436, %dma_wait3A_437] : memref<2x125x128xf32, #tpu.memory_space<vmem>> -> memref<1x125x128xf32, #tpu.memory_space<vmem>>
        %dma_wait3A_439 = tpu.memref_squeeze %dma_wait3A_438 : memref<1x125x128xf32, #tpu.memory_space<vmem>> -> memref<125x128xf32, #tpu.memory_space<vmem>>
        %dma_wait3A_440 = arith.constant 0 : i32
        %dma_wait3A_441 = tpu.memref_slice %arg7[%run_scoped3A_328, %run_scoped3A_329, %dma_wait3A_440] : memref<2x4x125xi32, #tpu.memory_space<vmem>> -> memref<1x1x125xi32, #tpu.memory_space<vmem>>
        %dma_wait3A_442 = tpu.memref_squeeze %dma_wait3A_441 : memref<1x1x125xi32, #tpu.memory_space<vmem>> -> memref<125xi32, #tpu.memory_space<vmem>>
        %dma_wait3A_443 = arith.constant 0 : i32
        %dma_wait3A_444 = arith.constant 0 : i32
        %dma_wait3A_445 = tpu.memref_slice %arg9[%dma_wait3A_443, %dma_wait3A_444] : memref<10112x128xf32, #tpu.memory_space<vmem_shared>> -> memref<10112x128xf32, #tpu.memory_space<vmem_shared>>
        tpu.wait_indirect_dma semaphore(%run_scoped3A_425 : memref<!tpu.dma_semaphore, #tpu.memory_space<semaphore_mem>>) src(%dma_wait3A_439 : memref<125x128xf32, #tpu.memory_space<vmem>>) dst(%dma_wait3A_445 : memref<10112x128xf32, #tpu.memory_space<vmem_shared>>)
        tpu.yield
      }) : () -> ()
      %dma_start3A_330 = arith.constant 1 : i32
      %dma_start3A_331 = arith.constant 2 : i32
      %dma_start3A_332 = arith.constant 0 : i32
      %dma_start3A_333 = arith.constant 0 : i32
      %dma_start3A_334 = arith.constant 0 : i32
      %dma_start3A_335 = tpu.memref_slice %arg8[%dma_start3A_332, %dma_start3A_333, %dma_start3A_334] : memref<2x125x128xf32, #tpu.memory_space<vmem>> -> memref<1x125x128xf32, #tpu.memory_space<vmem>>
      %dma_start3A_336 = tpu.memref_squeeze %dma_start3A_335 : memref<1x125x128xf32, #tpu.memory_space<vmem>> -> memref<125x128xf32, #tpu.memory_space<vmem>>
      %dma_start3A_337 = arith.constant 0 : i32
      %dma_start3A_338 = tpu.memref_slice %arg6[%dma_start3A_330, %dma_start3A_331, %dma_start3A_337] : memref<2x4x125xi32, #tpu.memory_space<vmem>> -> memref<1x1x125xi32, #tpu.memory_space<vmem>>
      %dma_start3A_339 = tpu.memref_squeeze %dma_start3A_338 : memref<1x1x125xi32, #tpu.memory_space<vmem>> -> memref<125xi32, #tpu.memory_space<vmem>>
      %dma_start3A_340 = arith.constant 0 : i32
      %dma_start3A_341 = arith.constant 0 : i32
      %dma_start3A_342 = tpu.memref_slice %arg2[%dma_start3A_340, %dma_start3A_341] : memref<10000x128xf32, #tpu.memory_space<hbm>> -> memref<10000x128xf32, #tpu.memory_space<hbm>>
      tpu.enqueue_indirect_dma source(%dma_start3A_342 : memref<10000x128xf32, #tpu.memory_space<hbm>>) target(%dma_start3A_336 : memref<125x128xf32, #tpu.memory_space<vmem>>) offsets(%dma_start3A_339 : memref<125xi32, #tpu.memory_space<vmem>>) semaphore(%arg10 : memref<!tpu.dma_semaphore, #tpu.memory_space<semaphore_mem>>)
      %dma_wait3A_343 = arith.constant 1 : i32
      %dma_wait3A_344 = arith.constant 1 : i32
      %dma_wait3A_345 = arith.constant 1 : i32
      %dma_wait3A_346 = arith.constant 0 : i32
      %dma_wait3A_347 = arith.constant 0 : i32
      %dma_wait3A_348 = tpu.memref_slice %arg8[%dma_wait3A_345, %dma_wait3A_346, %dma_wait3A_347] : memref<2x125x128xf32, #tpu.memory_space<vmem>> -> memref<1x125x128xf32, #tpu.memory_space<vmem>>
      %dma_wait3A_349 = tpu.memref_squeeze %dma_wait3A_348 : memref<1x125x128xf32, #tpu.memory_space<vmem>> -> memref<125x128xf32, #tpu.memory_space<vmem>>
      %dma_wait3A_350 = arith.constant 0 : i32
      %dma_wait3A_351 = tpu.memref_slice %arg6[%dma_wait3A_343, %dma_wait3A_344, %dma_wait3A_350] : memref<2x4x125xi32, #tpu.memory_space<vmem>> -> memref<1x1x125xi32, #tpu.memory_space<vmem>>
      %dma_wait3A_352 = tpu.memref_squeeze %dma_wait3A_351 : memref<1x1x125xi32, #tpu.memory_space<vmem>> -> memref<125xi32, #tpu.memory_space<vmem>>
      %dma_wait3A_353 = arith.constant 0 : i32
      %dma_wait3A_354 = arith.constant 0 : i32
      %dma_wait3A_355 = tpu.memref_slice %arg2[%dma_wait3A_353, %dma_wait3A_354] : memref<10000x128xf32, #tpu.memory_space<hbm>> -> memref<10000x128xf32, #tpu.memory_space<hbm>>
      tpu.wait_indirect_dma semaphore(%arg11 : memref<!tpu.dma_semaphore, #tpu.memory_space<semaphore_mem>>) src(%dma_wait3A_355 : memref<10000x128xf32, #tpu.memory_space<hbm>>) dst(%dma_wait3A_349 : memref<125x128xf32, #tpu.memory_space<vmem>>)
      %run_scoped3A_356 = arith.constant 1 : i32
      %run_scoped3A_357 = arith.constant 1 : i32
      %run_scoped3A_358 = arith.constant 1 : i32
      "tpu.region"() ({
        %run_scoped3A_425 = tpu.sem_alloc : memref<!tpu.dma_semaphore, #tpu.memory_space<semaphore_mem>>
        %dma_start3A_426 = arith.constant 0 : i32
        %dma_start3A_427 = arith.constant 0 : i32
        %dma_start3A_428 = tpu.memref_slice %arg8[%run_scoped3A_356, %dma_start3A_426, %dma_start3A_427] : memref<2x125x128xf32, #tpu.memory_space<vmem>> -> memref<1x125x128xf32, #tpu.memory_space<vmem>>
        %dma_start3A_429 = tpu.memref_squeeze %dma_start3A_428 : memref<1x125x128xf32, #tpu.memory_space<vmem>> -> memref<125x128xf32, #tpu.memory_space<vmem>>
        %dma_start3A_430 = arith.constant 0 : i32
        %dma_start3A_431 = tpu.memref_slice %arg7[%run_scoped3A_357, %run_scoped3A_358, %dma_start3A_430] : memref<2x4x125xi32, #tpu.memory_space<vmem>> -> memref<1x1x125xi32, #tpu.memory_space<vmem>>
        %dma_start3A_432 = tpu.memref_squeeze %dma_start3A_431 : memref<1x1x125xi32, #tpu.memory_space<vmem>> -> memref<125xi32, #tpu.memory_space<vmem>>
        %dma_start3A_433 = arith.constant 0 : i32
        %dma_start3A_434 = arith.constant 0 : i32
        %dma_start3A_435 = tpu.memref_slice %arg9[%dma_start3A_433, %dma_start3A_434] : memref<10112x128xf32, #tpu.memory_space<vmem_shared>> -> memref<10112x128xf32, #tpu.memory_space<vmem_shared>>
        tpu.enqueue_indirect_dma source(%dma_start3A_429 : memref<125x128xf32, #tpu.memory_space<vmem>>) target(%dma_start3A_435 : memref<10112x128xf32, #tpu.memory_space<vmem_shared>>) offsets(%dma_start3A_432 : memref<125xi32, #tpu.memory_space<vmem>>) semaphore(%run_scoped3A_425 : memref<!tpu.dma_semaphore, #tpu.memory_space<semaphore_mem>>) {add = true}
        %dma_wait3A_436 = arith.constant 0 : i32
        %dma_wait3A_437 = arith.constant 0 : i32
        %dma_wait3A_438 = tpu.memref_slice %arg8[%run_scoped3A_356, %dma_wait3A_436, %dma_wait3A_437] : memref<2x125x128xf32, #tpu.memory_space<vmem>> -> memref<1x125x128xf32, #tpu.memory_space<vmem>>
        %dma_wait3A_439 = tpu.memref_squeeze %dma_wait3A_438 : memref<1x125x128xf32, #tpu.memory_space<vmem>> -> memref<125x128xf32, #tpu.memory_space<vmem>>
        %dma_wait3A_440 = arith.constant 0 : i32
        %dma_wait3A_441 = tpu.memref_slice %arg7[%run_scoped3A_357, %run_scoped3A_358, %dma_wait3A_440] : memref<2x4x125xi32, #tpu.memory_space<vmem>> -> memref<1x1x125xi32, #tpu.memory_space<vmem>>
        %dma_wait3A_442 = tpu.memref_squeeze %dma_wait3A_441 : memref<1x1x125xi32, #tpu.memory_space<vmem>> -> memref<125xi32, #tpu.memory_space<vmem>>
        %dma_wait3A_443 = arith.constant 0 : i32
        %dma_wait3A_444 = arith.constant 0 : i32
        %dma_wait3A_445 = tpu.memref_slice %arg9[%dma_wait3A_443, %dma_wait3A_444] : memref<10112x128xf32, #tpu.memory_space<vmem_shared>> -> memref<10112x128xf32, #tpu.memory_space<vmem_shared>>
        tpu.wait_indirect_dma semaphore(%run_scoped3A_425 : memref<!tpu.dma_semaphore, #tpu.memory_space<semaphore_mem>>) src(%dma_wait3A_439 : memref<125x128xf32, #tpu.memory_space<vmem>>) dst(%dma_wait3A_445 : memref<10112x128xf32, #tpu.memory_space<vmem_shared>>)
        tpu.yield
      }) : () -> ()
      %dma_start3A_359 = arith.constant 1 : i32
      %dma_start3A_360 = arith.constant 3 : i32
      %dma_start3A_361 = arith.constant 1 : i32
      %dma_start3A_362 = arith.constant 0 : i32
      %dma_start3A_363 = arith.constant 0 : i32
      %dma_start3A_364 = tpu.memref_slice %arg8[%dma_start3A_361, %dma_start3A_362, %dma_start3A_363] : memref<2x125x128xf32, #tpu.memory_space<vmem>> -> memref<1x125x128xf32, #tpu.memory_space<vmem>>
      %dma_start3A_365 = tpu.memref_squeeze %dma_start3A_364 : memref<1x125x128xf32, #tpu.memory_space<vmem>> -> memref<125x128xf32, #tpu.memory_space<vmem>>
      %dma_start3A_366 = arith.constant 0 : i32
      %dma_start3A_367 = tpu.memref_slice %arg6[%dma_start3A_359, %dma_start3A_360, %dma_start3A_366] : memref<2x4x125xi32, #tpu.memory_space<vmem>> -> memref<1x1x125xi32, #tpu.memory_space<vmem>>
      %dma_start3A_368 = tpu.memref_squeeze %dma_start3A_367 : memref<1x1x125xi32, #tpu.memory_space<vmem>> -> memref<125xi32, #tpu.memory_space<vmem>>
      %dma_start3A_369 = arith.constant 0 : i32
      %dma_start3A_370 = arith.constant 0 : i32
      %dma_start3A_371 = tpu.memref_slice %arg2[%dma_start3A_369, %dma_start3A_370] : memref<10000x128xf32, #tpu.memory_space<hbm>> -> memref<10000x128xf32, #tpu.memory_space<hbm>>
      tpu.enqueue_indirect_dma source(%dma_start3A_371 : memref<10000x128xf32, #tpu.memory_space<hbm>>) target(%dma_start3A_365 : memref<125x128xf32, #tpu.memory_space<vmem>>) offsets(%dma_start3A_368 : memref<125xi32, #tpu.memory_space<vmem>>) semaphore(%arg11 : memref<!tpu.dma_semaphore, #tpu.memory_space<semaphore_mem>>)
      %dma_wait3A_372 = arith.constant 1 : i32
      %dma_wait3A_373 = arith.constant 2 : i32
      %dma_wait3A_374 = arith.constant 0 : i32
      %dma_wait3A_375 = arith.constant 0 : i32
      %dma_wait3A_376 = arith.constant 0 : i32
      %dma_wait3A_377 = tpu.memref_slice %arg8[%dma_wait3A_374, %dma_wait3A_375, %dma_wait3A_376] : memref<2x125x128xf32, #tpu.memory_space<vmem>> -> memref<1x125x128xf32, #tpu.memory_space<vmem>>
      %dma_wait3A_378 = tpu.memref_squeeze %dma_wait3A_377 : memref<1x125x128xf32, #tpu.memory_space<vmem>> -> memref<125x128xf32, #tpu.memory_space<vmem>>
      %dma_wait3A_379 = arith.constant 0 : i32
      %dma_wait3A_380 = tpu.memref_slice %arg6[%dma_wait3A_372, %dma_wait3A_373, %dma_wait3A_379] : memref<2x4x125xi32, #tpu.memory_space<vmem>> -> memref<1x1x125xi32, #tpu.memory_space<vmem>>
      %dma_wait3A_381 = tpu.memref_squeeze %dma_wait3A_380 : memref<1x1x125xi32, #tpu.memory_space<vmem>> -> memref<125xi32, #tpu.memory_space<vmem>>
      %dma_wait3A_382 = arith.constant 0 : i32
      %dma_wait3A_383 = arith.constant 0 : i32
      %dma_wait3A_384 = tpu.memref_slice %arg2[%dma_wait3A_382, %dma_wait3A_383] : memref<10000x128xf32, #tpu.memory_space<hbm>> -> memref<10000x128xf32, #tpu.memory_space<hbm>>
      tpu.wait_indirect_dma semaphore(%arg10 : memref<!tpu.dma_semaphore, #tpu.memory_space<semaphore_mem>>) src(%dma_wait3A_384 : memref<10000x128xf32, #tpu.memory_space<hbm>>) dst(%dma_wait3A_378 : memref<125x128xf32, #tpu.memory_space<vmem>>)
      %run_scoped3A_385 = arith.constant 0 : i32
      %run_scoped3A_386 = arith.constant 1 : i32
      %run_scoped3A_387 = arith.constant 2 : i32
      "tpu.region"() ({
        %run_scoped3A_425 = tpu.sem_alloc : memref<!tpu.dma_semaphore, #tpu.memory_space<semaphore_mem>>
        %dma_start3A_426 = arith.constant 0 : i32
        %dma_start3A_427 = arith.constant 0 : i32
        %dma_start3A_428 = tpu.memref_slice %arg8[%run_scoped3A_385, %dma_start3A_426, %dma_start3A_427] : memref<2x125x128xf32, #tpu.memory_space<vmem>> -> memref<1x125x128xf32, #tpu.memory_space<vmem>>
        %dma_start3A_429 = tpu.memref_squeeze %dma_start3A_428 : memref<1x125x128xf32, #tpu.memory_space<vmem>> -> memref<125x128xf32, #tpu.memory_space<vmem>>
        %dma_start3A_430 = arith.constant 0 : i32
        %dma_start3A_431 = tpu.memref_slice %arg7[%run_scoped3A_386, %run_scoped3A_387, %dma_start3A_430] : memref<2x4x125xi32, #tpu.memory_space<vmem>> -> memref<1x1x125xi32, #tpu.memory_space<vmem>>
        %dma_start3A_432 = tpu.memref_squeeze %dma_start3A_431 : memref<1x1x125xi32, #tpu.memory_space<vmem>> -> memref<125xi32, #tpu.memory_space<vmem>>
        %dma_start3A_433 = arith.constant 0 : i32
        %dma_start3A_434 = arith.constant 0 : i32
        %dma_start3A_435 = tpu.memref_slice %arg9[%dma_start3A_433, %dma_start3A_434] : memref<10112x128xf32, #tpu.memory_space<vmem_shared>> -> memref<10112x128xf32, #tpu.memory_space<vmem_shared>>
        tpu.enqueue_indirect_dma source(%dma_start3A_429 : memref<125x128xf32, #tpu.memory_space<vmem>>) target(%dma_start3A_435 : memref<10112x128xf32, #tpu.memory_space<vmem_shared>>) offsets(%dma_start3A_432 : memref<125xi32, #tpu.memory_space<vmem>>) semaphore(%run_scoped3A_425 : memref<!tpu.dma_semaphore, #tpu.memory_space<semaphore_mem>>) {add = true}
        %dma_wait3A_436 = arith.constant 0 : i32
        %dma_wait3A_437 = arith.constant 0 : i32
        %dma_wait3A_438 = tpu.memref_slice %arg8[%run_scoped3A_385, %dma_wait3A_436, %dma_wait3A_437] : memref<2x125x128xf32, #tpu.memory_space<vmem>> -> memref<1x125x128xf32, #tpu.memory_space<vmem>>
        %dma_wait3A_439 = tpu.memref_squeeze %dma_wait3A_438 : memref<1x125x128xf32, #tpu.memory_space<vmem>> -> memref<125x128xf32, #tpu.memory_space<vmem>>
        %dma_wait3A_440 = arith.constant 0 : i32
        %dma_wait3A_441 = tpu.memref_slice %arg7[%run_scoped3A_386, %run_scoped3A_387, %dma_wait3A_440] : memref<2x4x125xi32, #tpu.memory_space<vmem>> -> memref<1x1x125xi32, #tpu.memory_space<vmem>>
        %dma_wait3A_442 = tpu.memref_squeeze %dma_wait3A_441 : memref<1x1x125xi32, #tpu.memory_space<vmem>> -> memref<125xi32, #tpu.memory_space<vmem>>
        %dma_wait3A_443 = arith.constant 0 : i32
        %dma_wait3A_444 = arith.constant 0 : i32
        %dma_wait3A_445 = tpu.memref_slice %arg9[%dma_wait3A_443, %dma_wait3A_444] : memref<10112x128xf32, #tpu.memory_space<vmem_shared>> -> memref<10112x128xf32, #tpu.memory_space<vmem_shared>>
        tpu.wait_indirect_dma semaphore(%run_scoped3A_425 : memref<!tpu.dma_semaphore, #tpu.memory_space<semaphore_mem>>) src(%dma_wait3A_439 : memref<125x128xf32, #tpu.memory_space<vmem>>) dst(%dma_wait3A_445 : memref<10112x128xf32, #tpu.memory_space<vmem_shared>>)
        tpu.yield
      }) : () -> ()
      %add3A_388 = arith.constant 1 : i32
      %add3A_389 = arith.addi %add3A_313, %add3A_388 : i32
      %lt3A_390 = arith.constant 20 : i32
      %lt3A_391 = arith.cmpi slt, %add3A_389, %lt3A_390 : i32
      %convert_element_type3A_392 = arith.extui %lt3A_391 : i1 to i32
      %cond3A_393 = arith.constant 0 : i32
      %cond3A_394 = arith.cmpi ne, %convert_element_type3A_392, %cond3A_393 : i32
      scf.if %cond3A_394 {
        %add3A_425 = arith.constant 1 : i32
        %add3A_426 = arith.addi %add3A_313, %add3A_425 : i32
        %add3A_427 = arith.addi %mul3A_2, %add3A_426 : i32
        %dma_wait3A_428 = arith.constant 0 : i32
        %dma_wait3A_429 = arith.constant 0 : i32
        %dma_wait3A_430 = arith.constant 0 : i32
        %dma_wait3A_431 = arith.constant 0 : i32
        %dma_wait3A_432 = tpu.memref_slice %arg6[%dma_wait3A_429, %dma_wait3A_430, %dma_wait3A_431] : memref<2x4x125xi32, #tpu.memory_space<vmem>> -> memref<1x4x125xi32, #tpu.memory_space<vmem>>
        %dma_wait3A_433 = tpu.memref_squeeze %dma_wait3A_432 : memref<1x4x125xi32, #tpu.memory_space<vmem>> -> memref<4x125xi32, #tpu.memory_space<vmem>>
        %dma_wait3A_434 = arith.constant 0 : i32
        %dma_wait3A_435 = arith.constant 0 : i32
        %dma_wait3A_436 = tpu.memref_slice %arg3[%dma_wait3A_428, %add3A_427, %dma_wait3A_434, %dma_wait3A_435] : memref<2x640x4x125xi32, #tpu.memory_space<hbm>> -> memref<1x1x4x125xi32, #tpu.memory_space<hbm>>
        %dma_wait3A_437 = tpu.memref_squeeze %dma_wait3A_436 : memref<1x1x4x125xi32, #tpu.memory_space<hbm>> -> memref<4x125xi32, #tpu.memory_space<hbm>>
        %dma_wait3A_438 = arith.constant 0 : i32
        %dma_wait3A_439 = arith.constant 0 : i32
        %dma_wait3A_440 = tpu.memref_slice %arg6[%dma_wait3A_429, %dma_wait3A_438, %dma_wait3A_439] : memref<2x4x125xi32, #tpu.memory_space<vmem>> -> memref<1x4x125xi32, #tpu.memory_space<vmem>>
        %dma_wait3A_441 = tpu.memref_squeeze %dma_wait3A_440 : memref<1x4x125xi32, #tpu.memory_space<vmem>> -> memref<4x125xi32, #tpu.memory_space<vmem>>
        %dma_wait3A_442 = arith.constant 0 : i32
        %dma_wait3A_443 = arith.constant 0 : i32
        %dma_wait3A_444 = tpu.memref_slice %arg3[%dma_wait3A_428, %add3A_427, %dma_wait3A_442, %dma_wait3A_443] : memref<2x640x4x125xi32, #tpu.memory_space<hbm>> -> memref<1x1x4x125xi32, #tpu.memory_space<hbm>>
        %dma_wait3A_445 = tpu.memref_squeeze %dma_wait3A_444 : memref<1x1x4x125xi32, #tpu.memory_space<hbm>> -> memref<4x125xi32, #tpu.memory_space<hbm>>
        tpu.wait_dma2 semaphore(%arg12 : memref<!tpu.dma_semaphore, #tpu.memory_space<semaphore_mem>>) src(%dma_wait3A_445 : memref<4x125xi32, #tpu.memory_space<hbm>>) dst(%dma_wait3A_441 : memref<4x125xi32, #tpu.memory_space<vmem>>)
        %add3A_446 = arith.addi %mul3A_2, %add3A_426 : i32
        %dma_wait3A_447 = arith.constant 1 : i32
        %dma_wait3A_448 = arith.constant 0 : i32
        %dma_wait3A_449 = arith.constant 0 : i32
        %dma_wait3A_450 = arith.constant 0 : i32
        %dma_wait3A_451 = tpu.memref_slice %arg7[%dma_wait3A_448, %dma_wait3A_449, %dma_wait3A_450] : memref<2x4x125xi32, #tpu.memory_space<vmem>> -> memref<1x4x125xi32, #tpu.memory_space<vmem>>
        %dma_wait3A_452 = tpu.memref_squeeze %dma_wait3A_451 : memref<1x4x125xi32, #tpu.memory_space<vmem>> -> memref<4x125xi32, #tpu.memory_space<vmem>>
        %dma_wait3A_453 = arith.constant 0 : i32
        %dma_wait3A_454 = arith.constant 0 : i32
        %dma_wait3A_455 = tpu.memref_slice %arg3[%dma_wait3A_447, %add3A_446, %dma_wait3A_453, %dma_wait3A_454] : memref<2x640x4x125xi32, #tpu.memory_space<hbm>> -> memref<1x1x4x125xi32, #tpu.memory_space<hbm>>
        %dma_wait3A_456 = tpu.memref_squeeze %dma_wait3A_455 : memref<1x1x4x125xi32, #tpu.memory_space<hbm>> -> memref<4x125xi32, #tpu.memory_space<hbm>>
        %dma_wait3A_457 = arith.constant 0 : i32
        %dma_wait3A_458 = arith.constant 0 : i32
        %dma_wait3A_459 = tpu.memref_slice %arg7[%dma_wait3A_448, %dma_wait3A_457, %dma_wait3A_458] : memref<2x4x125xi32, #tpu.memory_space<vmem>> -> memref<1x4x125xi32, #tpu.memory_space<vmem>>
        %dma_wait3A_460 = tpu.memref_squeeze %dma_wait3A_459 : memref<1x4x125xi32, #tpu.memory_space<vmem>> -> memref<4x125xi32, #tpu.memory_space<vmem>>
        %dma_wait3A_461 = arith.constant 0 : i32
        %dma_wait3A_462 = arith.constant 0 : i32
        %dma_wait3A_463 = tpu.memref_slice %arg3[%dma_wait3A_447, %add3A_446, %dma_wait3A_461, %dma_wait3A_462] : memref<2x640x4x125xi32, #tpu.memory_space<hbm>> -> memref<1x1x4x125xi32, #tpu.memory_space<hbm>>
        %dma_wait3A_464 = tpu.memref_squeeze %dma_wait3A_463 : memref<1x1x4x125xi32, #tpu.memory_space<hbm>> -> memref<4x125xi32, #tpu.memory_space<hbm>>
        tpu.wait_dma2 semaphore(%arg12 : memref<!tpu.dma_semaphore, #tpu.memory_space<semaphore_mem>>) src(%dma_wait3A_464 : memref<4x125xi32, #tpu.memory_space<hbm>>) dst(%dma_wait3A_460 : memref<4x125xi32, #tpu.memory_space<vmem>>)
        %dma_start3A_465 = arith.constant 0 : i32
        %dma_start3A_466 = arith.constant 0 : i32
        %dma_start3A_467 = arith.constant 0 : i32
        %dma_start3A_468 = arith.constant 0 : i32
        %dma_start3A_469 = arith.constant 0 : i32
        %dma_start3A_470 = tpu.memref_slice %arg8[%dma_start3A_467, %dma_start3A_468, %dma_start3A_469] : memref<2x125x128xf32, #tpu.memory_space<vmem>> -> memref<1x125x128xf32, #tpu.memory_space<vmem>>
        %dma_start3A_471 = tpu.memref_squeeze %dma_start3A_470 : memref<1x125x128xf32, #tpu.memory_space<vmem>> -> memref<125x128xf32, #tpu.memory_space<vmem>>
        %dma_start3A_472 = arith.constant 0 : i32
        %dma_start3A_473 = tpu.memref_slice %arg6[%dma_start3A_465, %dma_start3A_466, %dma_start3A_472] : memref<2x4x125xi32, #tpu.memory_space<vmem>> -> memref<1x1x125xi32, #tpu.memory_space<vmem>>
        %dma_start3A_474 = tpu.memref_squeeze %dma_start3A_473 : memref<1x1x125xi32, #tpu.memory_space<vmem>> -> memref<125xi32, #tpu.memory_space<vmem>>
        %dma_start3A_475 = arith.constant 0 : i32
        %dma_start3A_476 = arith.constant 0 : i32
        %dma_start3A_477 = tpu.memref_slice %arg2[%dma_start3A_475, %dma_start3A_476] : memref<10000x128xf32, #tpu.memory_space<hbm>> -> memref<10000x128xf32, #tpu.memory_space<hbm>>
        tpu.enqueue_indirect_dma source(%dma_start3A_477 : memref<10000x128xf32, #tpu.memory_space<hbm>>) target(%dma_start3A_471 : memref<125x128xf32, #tpu.memory_space<vmem>>) offsets(%dma_start3A_474 : memref<125xi32, #tpu.memory_space<vmem>>) semaphore(%arg10 : memref<!tpu.dma_semaphore, #tpu.memory_space<semaphore_mem>>)
      } else {
      }
      %dma_wait3A_395 = arith.constant 1 : i32
      %dma_wait3A_396 = arith.constant 3 : i32
      %dma_wait3A_397 = arith.constant 1 : i32
      %dma_wait3A_398 = arith.constant 0 : i32
      %dma_wait3A_399 = arith.constant 0 : i32
      %dma_wait3A_400 = tpu.memref_slice %arg8[%dma_wait3A_397, %dma_wait3A_398, %dma_wait3A_399] : memref<2x125x128xf32, #tpu.memory_space<vmem>> -> memref<1x125x128xf32, #tpu.memory_space<vmem>>
      %dma_wait3A_401 = tpu.memref_squeeze %dma_wait3A_400 : memref<1x125x128xf32, #tpu.memory_space<vmem>> -> memref<125x128xf32, #tpu.memory_space<vmem>>
      %dma_wait3A_402 = arith.constant 0 : i32
      %dma_wait3A_403 = tpu.memref_slice %arg6[%dma_wait3A_395, %dma_wait3A_396, %dma_wait3A_402] : memref<2x4x125xi32, #tpu.memory_space<vmem>> -> memref<1x1x125xi32, #tpu.memory_space<vmem>>
      %dma_wait3A_404 = tpu.memref_squeeze %dma_wait3A_403 : memref<1x1x125xi32, #tpu.memory_space<vmem>> -> memref<125xi32, #tpu.memory_space<vmem>>
      %dma_wait3A_405 = arith.constant 0 : i32
      %dma_wait3A_406 = arith.constant 0 : i32
      %dma_wait3A_407 = tpu.memref_slice %arg2[%dma_wait3A_405, %dma_wait3A_406] : memref<10000x128xf32, #tpu.memory_space<hbm>> -> memref<10000x128xf32, #tpu.memory_space<hbm>>
      tpu.wait_indirect_dma semaphore(%arg11 : memref<!tpu.dma_semaphore, #tpu.memory_space<semaphore_mem>>) src(%dma_wait3A_407 : memref<10000x128xf32, #tpu.memory_space<hbm>>) dst(%dma_wait3A_401 : memref<125x128xf32, #tpu.memory_space<vmem>>)
      %run_scoped3A_408 = arith.constant 1 : i32
      %run_scoped3A_409 = arith.constant 1 : i32
      %run_scoped3A_410 = arith.constant 3 : i32
      "tpu.region"() ({
        %run_scoped3A_425 = tpu.sem_alloc : memref<!tpu.dma_semaphore, #tpu.memory_space<semaphore_mem>>
        %dma_start3A_426 = arith.constant 0 : i32
        %dma_start3A_427 = arith.constant 0 : i32
        %dma_start3A_428 = tpu.memref_slice %arg8[%run_scoped3A_408, %dma_start3A_426, %dma_start3A_427] : memref<2x125x128xf32, #tpu.memory_space<vmem>> -> memref<1x125x128xf32, #tpu.memory_space<vmem>>
        %dma_start3A_429 = tpu.memref_squeeze %dma_start3A_428 : memref<1x125x128xf32, #tpu.memory_space<vmem>> -> memref<125x128xf32, #tpu.memory_space<vmem>>
        %dma_start3A_430 = arith.constant 0 : i32
        %dma_start3A_431 = tpu.memref_slice %arg7[%run_scoped3A_409, %run_scoped3A_410, %dma_start3A_430] : memref<2x4x125xi32, #tpu.memory_space<vmem>> -> memref<1x1x125xi32, #tpu.memory_space<vmem>>
        %dma_start3A_432 = tpu.memref_squeeze %dma_start3A_431 : memref<1x1x125xi32, #tpu.memory_space<vmem>> -> memref<125xi32, #tpu.memory_space<vmem>>
        %dma_start3A_433 = arith.constant 0 : i32
        %dma_start3A_434 = arith.constant 0 : i32
        %dma_start3A_435 = tpu.memref_slice %arg9[%dma_start3A_433, %dma_start3A_434] : memref<10112x128xf32, #tpu.memory_space<vmem_shared>> -> memref<10112x128xf32, #tpu.memory_space<vmem_shared>>
        tpu.enqueue_indirect_dma source(%dma_start3A_429 : memref<125x128xf32, #tpu.memory_space<vmem>>) target(%dma_start3A_435 : memref<10112x128xf32, #tpu.memory_space<vmem_shared>>) offsets(%dma_start3A_432 : memref<125xi32, #tpu.memory_space<vmem>>) semaphore(%run_scoped3A_425 : memref<!tpu.dma_semaphore, #tpu.memory_space<semaphore_mem>>) {add = true}
        %dma_wait3A_436 = arith.constant 0 : i32
        %dma_wait3A_437 = arith.constant 0 : i32
        %dma_wait3A_438 = tpu.memref_slice %arg8[%run_scoped3A_408, %dma_wait3A_436, %dma_wait3A_437] : memref<2x125x128xf32, #tpu.memory_space<vmem>> -> memref<1x125x128xf32, #tpu.memory_space<vmem>>
        %dma_wait3A_439 = tpu.memref_squeeze %dma_wait3A_438 : memref<1x125x128xf32, #tpu.memory_space<vmem>> -> memref<125x128xf32, #tpu.memory_space<vmem>>
        %dma_wait3A_440 = arith.constant 0 : i32
        %dma_wait3A_441 = tpu.memref_slice %arg7[%run_scoped3A_409, %run_scoped3A_410, %dma_wait3A_440] : memref<2x4x125xi32, #tpu.memory_space<vmem>> -> memref<1x1x125xi32, #tpu.memory_space<vmem>>
        %dma_wait3A_442 = tpu.memref_squeeze %dma_wait3A_441 : memref<1x1x125xi32, #tpu.memory_space<vmem>> -> memref<125xi32, #tpu.memory_space<vmem>>
        %dma_wait3A_443 = arith.constant 0 : i32
        %dma_wait3A_444 = arith.constant 0 : i32
        %dma_wait3A_445 = tpu.memref_slice %arg9[%dma_wait3A_443, %dma_wait3A_444] : memref<10112x128xf32, #tpu.memory_space<vmem_shared>> -> memref<10112x128xf32, #tpu.memory_space<vmem_shared>>
        tpu.wait_indirect_dma semaphore(%run_scoped3A_425 : memref<!tpu.dma_semaphore, #tpu.memory_space<semaphore_mem>>) src(%dma_wait3A_439 : memref<125x128xf32, #tpu.memory_space<vmem>>) dst(%dma_wait3A_445 : memref<10112x128xf32, #tpu.memory_space<vmem_shared>>)
        tpu.yield
      }) : () -> ()
      %add3A_411 = arith.constant 1 : i32
      %add3A_412 = arith.addi %add3A_313, %add3A_411 : i32
      %lt3A_413 = arith.constant 20 : i32
      %lt3A_414 = arith.cmpi slt, %add3A_412, %lt3A_413 : i32
      %convert_element_type3A_415 = arith.extui %lt3A_414 : i1 to i32
      %cond3A_416 = arith.constant 0 : i32
      %cond3A_417 = arith.cmpi ne, %convert_element_type3A_415, %cond3A_416 : i32
      scf.if %cond3A_417 {
        %dma_start3A_425 = arith.constant 0 : i32
        %dma_start3A_426 = arith.constant 1 : i32
        %dma_start3A_427 = arith.constant 1 : i32
        %dma_start3A_428 = arith.constant 0 : i32
        %dma_start3A_429 = arith.constant 0 : i32
        %dma_start3A_430 = tpu.memref_slice %arg8[%dma_start3A_427, %dma_start3A_428, %dma_start3A_429] : memref<2x125x128xf32, #tpu.memory_space<vmem>> -> memref<1x125x128xf32, #tpu.memory_space<vmem>>
        %dma_start3A_431 = tpu.memref_squeeze %dma_start3A_430 : memref<1x125x128xf32, #tpu.memory_space<vmem>> -> memref<125x128xf32, #tpu.memory_space<vmem>>
        %dma_start3A_432 = arith.constant 0 : i32
        %dma_start3A_433 = tpu.memref_slice %arg6[%dma_start3A_425, %dma_start3A_426, %dma_start3A_432] : memref<2x4x125xi32, #tpu.memory_space<vmem>> -> memref<1x1x125xi32, #tpu.memory_space<vmem>>
        %dma_start3A_434 = tpu.memref_squeeze %dma_start3A_433 : memref<1x1x125xi32, #tpu.memory_space<vmem>> -> memref<125xi32, #tpu.memory_space<vmem>>
        %dma_start3A_435 = arith.constant 0 : i32
        %dma_start3A_436 = arith.constant 0 : i32
        %dma_start3A_437 = tpu.memref_slice %arg2[%dma_start3A_435, %dma_start3A_436] : memref<10000x128xf32, #tpu.memory_space<hbm>> -> memref<10000x128xf32, #tpu.memory_space<hbm>>
        tpu.enqueue_indirect_dma source(%dma_start3A_437 : memref<10000x128xf32, #tpu.memory_space<hbm>>) target(%dma_start3A_431 : memref<125x128xf32, #tpu.memory_space<vmem>>) offsets(%dma_start3A_434 : memref<125xi32, #tpu.memory_space<vmem>>) semaphore(%arg11 : memref<!tpu.dma_semaphore, #tpu.memory_space<semaphore_mem>>)
      } else {
      }
      %add3A_418 = arith.constant 2 : i32
      %add3A_419 = arith.addi %add3A_313, %add3A_418 : i32
      %lt3A_420 = arith.constant 20 : i32
      %lt3A_421 = arith.cmpi slt, %add3A_419, %lt3A_420 : i32
      %convert_element_type3A_422 = arith.extui %lt3A_421 : i1 to i32
      %cond3A_423 = arith.constant 0 : i32
      %cond3A_424 = arith.cmpi ne, %convert_element_type3A_422, %cond3A_423 : i32
      scf.if %cond3A_424 {
        %add3A_425 = arith.constant 2 : i32
        %add3A_426 = arith.addi %add3A_313, %add3A_425 : i32
        %add3A_427 = arith.addi %mul3A_2, %add3A_426 : i32
        %dma_start3A_428 = arith.constant 0 : i32
        %dma_start3A_429 = arith.constant 1 : i32
        %dma_start3A_430 = arith.constant 0 : i32
        %dma_start3A_431 = arith.constant 0 : i32
        %dma_start3A_432 = tpu.memref_slice %arg6[%dma_start3A_429, %dma_start3A_430, %dma_start3A_431] : memref<2x4x125xi32, #tpu.memory_space<vmem>> -> memref<1x4x125xi32, #tpu.memory_space<vmem>>
        %dma_start3A_433 = tpu.memref_squeeze %dma_start3A_432 : memref<1x4x125xi32, #tpu.memory_space<vmem>> -> memref<4x125xi32, #tpu.memory_space<vmem>>
        %dma_start3A_434 = arith.constant 0 : i32
        %dma_start3A_435 = arith.constant 0 : i32
        %dma_start3A_436 = tpu.memref_slice %arg3[%dma_start3A_428, %add3A_427, %dma_start3A_434, %dma_start3A_435] : memref<2x640x4x125xi32, #tpu.memory_space<hbm>> -> memref<1x1x4x125xi32, #tpu.memory_space<hbm>>
        %dma_start3A_437 = tpu.memref_squeeze %dma_start3A_436 : memref<1x1x4x125xi32, #tpu.memory_space<hbm>> -> memref<4x125xi32, #tpu.memory_space<hbm>>
        %dma_start3A_438 = arith.constant 0 : i32
        %dma_start3A_439 = arith.constant 0 : i32
        %dma_start3A_440 = tpu.memref_slice %arg6[%dma_start3A_429, %dma_start3A_438, %dma_start3A_439] : memref<2x4x125xi32, #tpu.memory_space<vmem>> -> memref<1x4x125xi32, #tpu.memory_space<vmem>>
        %dma_start3A_441 = tpu.memref_squeeze %dma_start3A_440 : memref<1x4x125xi32, #tpu.memory_space<vmem>> -> memref<4x125xi32, #tpu.memory_space<vmem>>
        %dma_start3A_442 = arith.constant 0 : i32
        %dma_start3A_443 = arith.constant 0 : i32
        %dma_start3A_444 = tpu.memref_slice %arg3[%dma_start3A_428, %add3A_427, %dma_start3A_442, %dma_start3A_443] : memref<2x640x4x125xi32, #tpu.memory_space<hbm>> -> memref<1x1x4x125xi32, #tpu.memory_space<hbm>>
        %dma_start3A_445 = tpu.memref_squeeze %dma_start3A_444 : memref<1x1x4x125xi32, #tpu.memory_space<hbm>> -> memref<4x125xi32, #tpu.memory_space<hbm>>
        tpu.enqueue_dma source(%dma_start3A_445 : memref<4x125xi32, #tpu.memory_space<hbm>>) target(%dma_start3A_441 : memref<4x125xi32, #tpu.memory_space<vmem>>) target_semaphore(%arg13 : memref<!tpu.dma_semaphore, #tpu.memory_space<semaphore_mem>>)
        %add3A_446 = arith.addi %mul3A_2, %add3A_426 : i32
        %dma_start3A_447 = arith.constant 1 : i32
        %dma_start3A_448 = arith.constant 1 : i32
        %dma_start3A_449 = arith.constant 0 : i32
        %dma_start3A_450 = arith.constant 0 : i32
        %dma_start3A_451 = tpu.memref_slice %arg7[%dma_start3A_448, %dma_start3A_449, %dma_start3A_450] : memref<2x4x125xi32, #tpu.memory_space<vmem>> -> memref<1x4x125xi32, #tpu.memory_space<vmem>>
        %dma_start3A_452 = tpu.memref_squeeze %dma_start3A_451 : memref<1x4x125xi32, #tpu.memory_space<vmem>> -> memref<4x125xi32, #tpu.memory_space<vmem>>
        %dma_start3A_453 = arith.constant 0 : i32
        %dma_start3A_454 = arith.constant 0 : i32
        %dma_start3A_455 = tpu.memref_slice %arg3[%dma_start3A_447, %add3A_446, %dma_start3A_453, %dma_start3A_454] : memref<2x640x4x125xi32, #tpu.memory_space<hbm>> -> memref<1x1x4x125xi32, #tpu.memory_space<hbm>>
        %dma_start3A_456 = tpu.memref_squeeze %dma_start3A_455 : memref<1x1x4x125xi32, #tpu.memory_space<hbm>> -> memref<4x125xi32, #tpu.memory_space<hbm>>
        %dma_start3A_457 = arith.constant 0 : i32
        %dma_start3A_458 = arith.constant 0 : i32
        %dma_start3A_459 = tpu.memref_slice %arg7[%dma_start3A_448, %dma_start3A_457, %dma_start3A_458] : memref<2x4x125xi32, #tpu.memory_space<vmem>> -> memref<1x4x125xi32, #tpu.memory_space<vmem>>
        %dma_start3A_460 = tpu.memref_squeeze %dma_start3A_459 : memref<1x4x125xi32, #tpu.memory_space<vmem>> -> memref<4x125xi32, #tpu.memory_space<vmem>>
        %dma_start3A_461 = arith.constant 0 : i32
        %dma_start3A_462 = arith.constant 0 : i32
        %dma_start3A_463 = tpu.memref_slice %arg3[%dma_start3A_447, %add3A_446, %dma_start3A_461, %dma_start3A_462] : memref<2x640x4x125xi32, #tpu.memory_space<hbm>> -> memref<1x1x4x125xi32, #tpu.memory_space<hbm>>
        %dma_start3A_464 = tpu.memref_squeeze %dma_start3A_463 : memref<1x1x4x125xi32, #tpu.memory_space<hbm>> -> memref<4x125xi32, #tpu.memory_space<hbm>>
        tpu.enqueue_dma source(%dma_start3A_464 : memref<4x125xi32, #tpu.memory_space<hbm>>) target(%dma_start3A_460 : memref<4x125xi32, #tpu.memory_space<vmem>>) target_semaphore(%arg13 : memref<!tpu.dma_semaphore, #tpu.memory_space<semaphore_mem>>)
      } else {
      }
    }
    %scan3A_186 = arith.constant 10 : i32
    %barrier3A_187 = arith.constant 0 : index
    tpu.barrier barrier_id(%barrier3A_187)
    %eq3A = arith.constant 0 : i32
    %eq3A_188 = arith.cmpi eq, %arg0, %eq3A : i32
    %convert_element_type3A = arith.extui %eq3A_188 : i1 to i32
    %cond3A = arith.constant 0 : i32
    %cond3A_189 = arith.cmpi ne, %convert_element_type3A, %cond3A : i32
    scf.if %cond3A_189 {
      %mul3A_195 = arith.constant 632 : i32
      %mul3A_196 = arith.muli %arg1, %mul3A_195 : i32
      %mul3A_197 = arith.constant 632 : i32
      %mul3A_198 = arith.muli %arg1, %mul3A_197 : i32
      "tpu.region"() ({
        %run_scoped3A_199 = tpu.sem_alloc : memref<!tpu.dma_semaphore, #tpu.memory_space<semaphore_mem>>
        %dma_start3A_200 = arith.constant 0 : i32
        %dma_start3A_201 = tpu.memref_slice %arg4[%mul3A_198, %dma_start3A_200] : memref<10112x128xf32, #tpu.memory_space<hbm>> -> memref<632x128xf32, #tpu.memory_space<hbm>>
        %dma_start3A_202 = arith.constant 0 : i32
        %dma_start3A_203 = tpu.memref_slice %arg9[%mul3A_196, %dma_start3A_202] : memref<10112x128xf32, #tpu.memory_space<vmem_shared>> -> memref<632x128xf32, #tpu.memory_space<vmem_shared>>
        tpu.enqueue_dma source(%dma_start3A_203 : memref<632x128xf32, #tpu.memory_space<vmem_shared>>) target(%dma_start3A_201 : memref<632x128xf32, #tpu.memory_space<hbm>>) target_semaphore(%run_scoped3A_199 : memref<!tpu.dma_semaphore, #tpu.memory_space<semaphore_mem>>)
        %dma_wait3A_204 = arith.constant 0 : i32
        %dma_wait3A_205 = tpu.memref_slice %arg4[%mul3A_198, %dma_wait3A_204] : memref<10112x128xf32, #tpu.memory_space<hbm>> -> memref<632x128xf32, #tpu.memory_space<hbm>>
        %dma_wait3A_206 = arith.constant 0 : i32
        %dma_wait3A_207 = tpu.memref_slice %arg9[%mul3A_196, %dma_wait3A_206] : memref<10112x128xf32, #tpu.memory_space<vmem_shared>> -> memref<632x128xf32, #tpu.memory_space<vmem_shared>>
        tpu.wait_dma2 semaphore(%run_scoped3A_199 : memref<!tpu.dma_semaphore, #tpu.memory_space<semaphore_mem>>) src(%dma_wait3A_207 : memref<632x128xf32, #tpu.memory_space<vmem_shared>>) dst(%dma_wait3A_205 : memref<632x128xf32, #tpu.memory_space<hbm>>)
        tpu.yield
      }) : () -> ()
    } else {
    }
    %eq3A_190 = arith.constant 1 : i32
    %eq3A_191 = arith.cmpi eq, %arg0, %eq3A_190 : i32
    %convert_element_type3A_192 = arith.extui %eq3A_191 : i1 to i32
    %cond3A_193 = arith.constant 0 : i32
    %cond3A_194 = arith.cmpi ne, %convert_element_type3A_192, %cond3A_193 : i32
    scf.if %cond3A_194 {
      %mul3A_195 = arith.constant 632 : i32
      %mul3A_196 = arith.muli %arg1, %mul3A_195 : i32
      %mul3A_197 = arith.constant 632 : i32
      %mul3A_198 = arith.muli %arg1, %mul3A_197 : i32
      "tpu.region"() ({
        %run_scoped3A_199 = tpu.sem_alloc : memref<!tpu.dma_semaphore, #tpu.memory_space<semaphore_mem>>
        %dma_start3A_200 = arith.constant 0 : i32
        %dma_start3A_201 = tpu.memref_slice %arg5[%mul3A_198, %dma_start3A_200] : memref<10112x128xf32, #tpu.memory_space<hbm>> -> memref<632x128xf32, #tpu.memory_space<hbm>>
        %dma_start3A_202 = arith.constant 0 : i32
        %dma_start3A_203 = tpu.memref_slice %arg9[%mul3A_196, %dma_start3A_202] : memref<10112x128xf32, #tpu.memory_space<vmem_shared>> -> memref<632x128xf32, #tpu.memory_space<vmem_shared>>
        tpu.enqueue_dma source(%dma_start3A_203 : memref<632x128xf32, #tpu.memory_space<vmem_shared>>) target(%dma_start3A_201 : memref<632x128xf32, #tpu.memory_space<hbm>>) target_semaphore(%run_scoped3A_199 : memref<!tpu.dma_semaphore, #tpu.memory_space<semaphore_mem>>)
        %dma_wait3A_204 = arith.constant 0 : i32
        %dma_wait3A_205 = tpu.memref_slice %arg5[%mul3A_198, %dma_wait3A_204] : memref<10112x128xf32, #tpu.memory_space<hbm>> -> memref<632x128xf32, #tpu.memory_space<hbm>>
        %dma_wait3A_206 = arith.constant 0 : i32
        %dma_wait3A_207 = tpu.memref_slice %arg9[%mul3A_196, %dma_wait3A_206] : memref<10112x128xf32, #tpu.memory_space<vmem_shared>> -> memref<632x128xf32, #tpu.memory_space<vmem_shared>>
        tpu.wait_dma2 semaphore(%run_scoped3A_199 : memref<!tpu.dma_semaphore, #tpu.memory_space<semaphore_mem>>) src(%dma_wait3A_207 : memref<632x128xf32, #tpu.memory_space<vmem_shared>>) dst(%dma_wait3A_205 : memref<632x128xf32, #tpu.memory_space<hbm>>)
        tpu.yield
      }) : () -> ()
    } else {
    }
    return
  }
}

module attributes {stable_mosaic.version = 14 : i64} {
  func.func @_mm_body(%arg0: i32, %arg1: memref<2000x128xf32, #tpu.memory_space<vmem>>, %arg2: memref<2000x128xf32, #tpu.memory_space<vmem>>, %arg3: memref<2000x128xf32, #tpu.memory_space<vmem>>, %arg4: memref<128x128xf32, #tpu.memory_space<vmem>>, %arg5: memref<1x128xf32, #tpu.memory_space<vmem>>, %arg6: memref<2000x128xf32, #tpu.memory_space<vmem>>) attributes {dimension_semantics = [#tpu.dimension_semantics<arbitrary>], iteration_bounds = array<i64: 5>, scalar_prefetch = 0 : i64, scratch_operands = 0 : i64, tpu.core_type = #tpu.core_type<tc>, window_params = [{transform_indices = @transform_0, window_bounds = array<i64: 2000, 128>}, {transform_indices = @transform_1, window_bounds = array<i64: 2000, 128>}, {transform_indices = @transform_2, window_bounds = array<i64: 2000, 128>}, {pipeline_mode = #tpu.pipeline_mode<synchronous>, transform_indices = @transform_3, window_bounds = array<i64: 128, 128>}, {pipeline_mode = #tpu.pipeline_mode<synchronous>, transform_indices = @transform_4, window_bounds = array<i64: 1, 128>}, {transform_indices = @transform_5, window_bounds = array<i64: 2000, 128>}]} {
    %get3A = arith.constant 0 : index
    %get3A_0 = arith.constant 0 : index
    %get3A_1 = vector.load %arg1[%get3A, %get3A_0] : memref<2000x128xf32, #tpu.memory_space<vmem>>, vector<2000x128xf32>
    %get3A_2 = arith.constant 0 : index
    %get3A_3 = arith.constant 0 : index
    %get3A_4 = vector.load %arg2[%get3A_2, %get3A_3] : memref<2000x128xf32, #tpu.memory_space<vmem>>, vector<2000x128xf32>
    %add3A = arith.addf %get3A_1, %get3A_4 : vector<2000x128xf32>
    %get3A_5 = arith.constant 0 : index
    %get3A_6 = arith.constant 0 : index
    %get3A_7 = vector.load %arg3[%get3A_5, %get3A_6] : memref<2000x128xf32, #tpu.memory_space<vmem>>, vector<2000x128xf32>
    %add3A_8 = arith.addf %add3A, %get3A_7 : vector<2000x128xf32>
    %get3A_9 = arith.constant 0 : index
    %get3A_10 = arith.constant 0 : index
    %get3A_11 = vector.load %arg4[%get3A_9, %get3A_10] : memref<128x128xf32, #tpu.memory_space<vmem>>, vector<128x128xf32>
    %dot_general3A = arith.constant dense<0.000000e+00> : vector<2000x128xf32>
    %dot_general3A_12 = tpu.matmul %add3A_8, %get3A_11, %dot_general3A {dimension_numbers = #tpu.dot_dimension_numbers<[1], [0], [0], [1], [0, 0, 1, 1], [], []>, transpose_lhs_hint = false} : vector<2000x128xf32>, vector<128x128xf32>, vector<2000x128xf32> -> vector<2000x128xf32>
    %get3A_13 = arith.constant 0 : index
    %get3A_14 = arith.constant 0 : index
    %get3A_15 = vector.load %arg5[%get3A_13, %get3A_14] : memref<1x128xf32, #tpu.memory_space<vmem>>, vector<1x128xf32>
    %add3A_16 = vector.broadcast %get3A_15 : vector<1x128xf32> to vector<2000x128xf32>
    %add3A_17 = arith.addf %dot_general3A_12, %add3A_16 : vector<2000x128xf32>
    %max3A = arith.constant 0.000000e+00 : f32
    %max3A_18 = vector.broadcast %max3A : f32 to vector<2000x128xf32>
    %max3A_19 = arith.maximumf %add3A_17, %max3A_18 : vector<2000x128xf32>
    %swap3A = arith.constant 0 : index
    %swap3A_20 = arith.constant 0 : index
    %swap3A_21 = vector.load %arg6[%swap3A, %swap3A_20] : memref<2000x128xf32, #tpu.memory_space<vmem>>, vector<2000x128xf32>
    tpu.vector_store %arg6[%swap3A, %swap3A_20], %max3A_19 {strides = array<i32>} : memref<2000x128xf32, #tpu.memory_space<vmem>>, vector<2000x128xf32>,
    return
  }
  func.func @transform_0(%arg0: i32) -> (i32, i32) {
    %c0_i32 = arith.constant 0 : i32
    %c0_i32_0 = arith.constant 0 : i32
    return %arg0, %c0_i32 : i32, i32
  }
  func.func @transform_1(%arg0: i32) -> (i32, i32) {
    %c0_i32 = arith.constant 0 : i32
    %c0_i32_0 = arith.constant 0 : i32
    return %arg0, %c0_i32 : i32, i32
  }
  func.func @transform_2(%arg0: i32) -> (i32, i32) {
    %c0_i32 = arith.constant 0 : i32
    %c0_i32_0 = arith.constant 0 : i32
    return %arg0, %c0_i32 : i32, i32
  }
  func.func @transform_3(%arg0: i32) -> (i32, i32) {
    %c0_i32 = arith.constant 0 : i32
    %c0_i32_0 = arith.constant 0 : i32
    %c0_i32_1 = arith.constant 0 : i32
    return %c0_i32, %c0_i32_0 : i32, i32
  }
  func.func @transform_4(%arg0: i32) -> (i32, i32) {
    %c0_i32 = arith.constant 0 : i32
    %c0_i32_0 = arith.constant 0 : i32
    %c0_i32_1 = arith.constant 0 : i32
    return %c0_i32, %c0_i32_0 : i32, i32
  }
  func.func @transform_5(%arg0: i32) -> (i32, i32) {
    %c0_i32 = arith.constant 0 : i32
    %c0_i32_0 = arith.constant 0 : i32
    return %arg0, %c0_i32 : i32, i32
  }
}

module attributes {stable_mosaic.version = 14 : i64} {
  func.func @_mm_body(%arg0: i32, %arg1: memref<2000x128xf32, #tpu.memory_space<vmem>>, %arg2: memref<2000x128xf32, #tpu.memory_space<vmem>>, %arg3: memref<2000x128xf32, #tpu.memory_space<vmem>>, %arg4: memref<128x128xf32, #tpu.memory_space<vmem>>, %arg5: memref<1x128xf32, #tpu.memory_space<vmem>>, %arg6: memref<2000x128xf32, #tpu.memory_space<vmem>>) attributes {dimension_semantics = [#tpu.dimension_semantics<arbitrary>], iteration_bounds = array<i64: 5>, scalar_prefetch = 0 : i64, scratch_operands = 0 : i64, tpu.core_type = #tpu.core_type<tc>, window_params = [{transform_indices = @transform_0, window_bounds = array<i64: 2000, 128>}, {transform_indices = @transform_1, window_bounds = array<i64: 2000, 128>}, {transform_indices = @transform_2, window_bounds = array<i64: 2000, 128>}, {pipeline_mode = #tpu.pipeline_mode<synchronous>, transform_indices = @transform_3, window_bounds = array<i64: 128, 128>}, {pipeline_mode = #tpu.pipeline_mode<synchronous>, transform_indices = @transform_4, window_bounds = array<i64: 1, 128>}, {transform_indices = @transform_5, window_bounds = array<i64: 2000, 128>}]} {
    %get3A = arith.constant 0 : index
    %get3A_0 = arith.constant 0 : index
    %get3A_1 = vector.load %arg1[%get3A, %get3A_0] : memref<2000x128xf32, #tpu.memory_space<vmem>>, vector<2000x128xf32>
    %get3A_2 = arith.constant 0 : index
    %get3A_3 = arith.constant 0 : index
    %get3A_4 = vector.load %arg2[%get3A_2, %get3A_3] : memref<2000x128xf32, #tpu.memory_space<vmem>>, vector<2000x128xf32>
    %add3A = arith.addf %get3A_1, %get3A_4 : vector<2000x128xf32>
    %get3A_5 = arith.constant 0 : index
    %get3A_6 = arith.constant 0 : index
    %get3A_7 = vector.load %arg3[%get3A_5, %get3A_6] : memref<2000x128xf32, #tpu.memory_space<vmem>>, vector<2000x128xf32>
    %add3A_8 = arith.addf %add3A, %get3A_7 : vector<2000x128xf32>
    %get3A_9 = arith.constant 0 : index
    %get3A_10 = arith.constant 0 : index
    %get3A_11 = vector.load %arg4[%get3A_9, %get3A_10] : memref<128x128xf32, #tpu.memory_space<vmem>>, vector<128x128xf32>
    %dot_general3A = arith.constant dense<0.000000e+00> : vector<2000x128xf32>
    %dot_general3A_12 = tpu.matmul %add3A_8, %get3A_11, %dot_general3A {dimension_numbers = #tpu.dot_dimension_numbers<[1], [0], [0], [1], [0, 0, 1, 1], [], []>, transpose_lhs_hint = false} : vector<2000x128xf32>, vector<128x128xf32>, vector<2000x128xf32> -> vector<2000x128xf32>
    %get3A_13 = arith.constant 0 : index
    %get3A_14 = arith.constant 0 : index
    %get3A_15 = vector.load %arg5[%get3A_13, %get3A_14] : memref<1x128xf32, #tpu.memory_space<vmem>>, vector<1x128xf32>
    %add3A_16 = vector.broadcast %get3A_15 : vector<1x128xf32> to vector<2000x128xf32>
    %add3A_17 = arith.addf %dot_general3A_12, %add3A_16 : vector<2000x128xf32>
    %max3A = arith.constant 0.000000e+00 : f32
    %max3A_18 = vector.broadcast %max3A : f32 to vector<2000x128xf32>
    %max3A_19 = arith.maximumf %add3A_17, %max3A_18 : vector<2000x128xf32>
    %swap3A = arith.constant 0 : index
    %swap3A_20 = arith.constant 0 : index
    %swap3A_21 = vector.load %arg6[%swap3A, %swap3A_20] : memref<2000x128xf32, #tpu.memory_space<vmem>>, vector<2000x128xf32>
    tpu.vector_store %arg6[%swap3A, %swap3A_20], %max3A_19 {strides = array<i32>} : memref<2000x128xf32, #tpu.memory_space<vmem>>, vector<2000x128xf32>,
    return
  }
  func.func @transform_0(%arg0: i32) -> (i32, i32) {
    %c0_i32 = arith.constant 0 : i32
    %c0_i32_0 = arith.constant 0 : i32
    return %arg0, %c0_i32 : i32, i32
  }
  func.func @transform_1(%arg0: i32) -> (i32, i32) {
    %c0_i32 = arith.constant 0 : i32
    %c0_i32_0 = arith.constant 0 : i32
    return %arg0, %c0_i32 : i32, i32
  }
  func.func @transform_2(%arg0: i32) -> (i32, i32) {
    %c0_i32 = arith.constant 0 : i32
    %c0_i32_0 = arith.constant 0 : i32
    return %arg0, %c0_i32 : i32, i32
  }
  func.func @transform_3(%arg0: i32) -> (i32, i32) {
    %c0_i32 = arith.constant 0 : i32
    %c0_i32_0 = arith.constant 0 : i32
    %c0_i32_1 = arith.constant 0 : i32
    return %c0_i32, %c0_i32_0 : i32, i32
  }
  func.func @transform_4(%arg0: i32) -> (i32, i32) {
    %c0_i32 = arith.constant 0 : i32
    %c0_i32_0 = arith.constant 0 : i32
    %c0_i32_1 = arith.constant 0 : i32
    return %c0_i32, %c0_i32_0 : i32, i32
  }
  func.func @transform_5(%arg0: i32) -> (i32, i32) {
    %c0_i32 = arith.constant 0 : i32
    %c0_i32_0 = arith.constant 0 : i32
    return %arg0, %c0_i32 : i32, i32
  }
}

</mosaic_0001>

<sc_bundles>
// kernel: kernel.6.cloned.1.call-start
scs
__scs_entry_jumppad:
0x0: {  	(pc) =	sbr.rel $0x88, $3  }
0x1: {  	(tag) =	ssettag $0x0;
	lr =	simm.s32 $0x1  }
0x2: {  	[smem:$0x3F9B] =	sst lr;
	_ =	strace $0xD0000000  }
0x3: {  	_ = 	snop  }
0x4: {  	_ = 	snop  }
0x5: {  	_ = 	snop  }
0x6: {  	_ = 	snop  }
0x7: {  	_ = 	snop  }
__scs_overlays_trampoline_lowered:
0x8: {  	[smem:$0x3FAA] =	sst s0  }
0x9: {  	[smem:$0x3FAB] =	sst s1  }
0xa: {  	[smem:$0x3FAC] =	sst s2  }
0xb: {  	[smem:$0x3FAD] =	sst s3  }
0xc: {  	[smem:$0x3FAE] =	sst s4  }
0xd: {  	[smem:$0x3FAF] =	sst s5  }
0xe: {  	[smem:$0x3FB0] =	sst s6  }
0xf: {  	[smem:$0x3FB1] =	sst s7  }
0x10: {  	[smem:$0x3FB2] =	sst s8  }
0x11: {  	[smem:$0x3FB3] =	sst s9;
	s0 =	simm.s32 @!p0 $0x0  }
0x12: {  	s1 =	sld [smem:$0x3F99];
	s0 =	simm.s32 @p0 $0x1  }
0x13: {  	[smem:$0x3FB4] =	sst s0;
	s0 =	simm.s32 @!p1 $0x0  }
0x14: {  	s2 =	sld [smem:$0x3F98];
	s0 =	simm.s32 @p1 $0x1  }
0x15: {  	[smem:$0x3FB5] =	sst s0;
	s0 =	simm.s32 @!p2 $0x0  }
0x16: {  	s3 =	sld [smem:$0x3FDB];
	s0 =	simm.s32 @p2 $0x1  }
0x17: {  	s4 =	simm.s32 $0x1BF5;
	[smem:$0x3FB7] =	sst s0  }
0x18: {  	s0 =	sld [smem:$0x3F9A];
	_ =	swait.ge [sflag:s4], $0x0  }
0x19: {  	s7 =	sld [smem:$0x3F9B]  }
0x1a: {  	s8 =	sadd.s32 $0xFFFFE003, lr  }
0x1b: {  	s9 =	sadd.s32 $0xFFFFFEF7, lr;
	s5 =	simm.s32 $0xFFFFFFFF;
	p2 =	slt.u32 s8, $0xFFFFF086  }
0x1c: {  	p1 =	slt.u32 s9, $0xF7A;
	s5 =	simm.s32 @!p2 $0x0  }
0x1d: {  	s5 =	simm.s32 @p1 $0x1;
	p0 =	seq.s32 s7, s2  }
0x1e: {  	s7 =	smul.u32 @!p0 $0xF7A, s2;
	p2 =	seq.s32 @!p0 s5, $0x0  }
0x1f: {  	s9 =	smul.u32 $0xF7A, s1;
	s8 =	simm.s32 @!p0 $0x1BF5;
	p2 =	por !p2, p0  }
0x20: {  	[sflag:s8] =	ssyncset.s32 @!p0 $0xFFFFF086;
	s6 =	sadd.s32 @!p0 s3, s7;
	s7 =	simm.s32 @!p0 $0x108  }
0x21: {  	s3 =	sadd.s32 s3, s9;
	s6 =	sadd.s32 @!p0 $0x88, s6;
	s7 =	simm.s32 @p2 $0x1082  }
0x22: {  	[simem:s7], [sflag:s8] =	dma.local @!p0 [hbm:s6], $0xF7A  }
0x23: {  	s9 =	sor.u32 $0xD0000000, s2;
	s6 =	simm.s32 $0x108;
	_ =	swait.ge @!p0 [sflag:s8], $0x0  }
0x24: {  	s3 =	sadd.s32 $0x88, s3;
	s6 =	simm.s32 @!p1 $0x1082;
	[sflag:s4] =	ssyncset.s32 $0xFFFFF086  }
0x25: {  	[simem:s6], [sflag:s4] =	dma.local [hbm:s3], $0xF7A  }
0x26: {  	[smem:$0x3F9B] =	sst s1;
	(tag) =	ssettag s2;
	_ =	strace s9  }
0x27: {  	s1 =	sld [smem:$0x3FAB]  }
0x28: {  	s2 =	sld [smem:$0x3FAC]  }
0x29: {  	s4 =	sld [smem:$0x3FAE]  }
0x2a: {  	p0 =	seq.s32 s5, $0x0;
	s5 =	sld [smem:$0x3FAF]  }
0x2b: {  	s6 =	sld [smem:$0x3FB0]  }
0x2c: {  	s7 =	sld [smem:$0x3FB1]  }
0x2d: {  	s3 =	simm.s32 $0x108;
	s8 =	sld [smem:$0x3FB2]  }
0x2e: {  	s3 =	simm.s32 @!p0 $0x1082;
	s9 =	sld [smem:$0x3FB3]  }
0x2f: {  	lr =	sadd.s32 s0, s3;
	s0 =	sld [smem:$0x3FAA]  }
0x30: {  	s3 =	sld [smem:$0x3FAD]  }
0x31: {  	[smem:$0x3FB6] =	sst s10  }
0x32: {  	s10 =	sld [smem:$0x3FB4];
	_ =	sdelay $0x3  }
0x33: {  	p0 =	seq.s32 s10, $0x1;
	s10 =	sld [smem:$0x3FB6];
	_ =	sdelay $0x3  }
0x34: {  	[smem:$0x3FB6] =	sst s10  }
0x35: {  	s10 =	sld [smem:$0x3FB5];
	_ =	sdelay $0x3  }
0x36: {  	p1 =	seq.s32 s10, $0x1;
	s10 =	sld [smem:$0x3FB6];
	_ =	sdelay $0x3  }
0x37: {  	[smem:$0x3FB6] =	sst s10  }
0x38: {  	s10 =	sld [smem:$0x3FB7]  }
0x39: {  	_ = 	snop;
	(pc) =	sbr.ind lr, $3  }
0x3a: {  	_ = 	snop  }
0x3b: {  	_ = 	snop  }
0x3c: {  	p2 =	seq.s32 s10, $0x1;
	s10 =	sld [smem:$0x3FB6]  }
0x3d: {  	_ =	shalt  }
0x3e: {  	_ =	shalt  }
0x3f: {  	_ =	shalt  }
0x40: {  	_ =	shalt  }
0x41: {  	_ =	shalt  }
0x42: {  	_ =	shalt  }
0x43: {  	_ =	shalt  }
0x44: {  	_ =	shalt  }
0x45: {  	_ =	shalt  }
0x46: {  	_ =	shalt  }
0x47: {  	_ =	shalt  }
0x48: {  	_ =	shalt  }
0x49: {  	_ =	shalt  }
0x4a: {  	_ =	shalt  }
0x4b: {  	_ =	shalt  }
0x4c: {  	_ =	shalt  }
0x4d: {  	_ =	shalt  }
0x4e: {  	_ =	shalt  }
0x4f: {  	_ =	shalt  }
0x50: {  	_ =	shalt  }
0x51: {  	_ =	shalt  }
0x52: {  	_ =	shalt  }
0x53: {  	_ =	shalt  }
0x54: {  	_ =	shalt  }
0x55: {  	_ =	shalt  }
0x56: {  	_ =	shalt  }
0x57: {  	_ =	shalt  }
0x58: {  	_ =	shalt  }
0x59: {  	_ =	shalt  }
0x5a: {  	_ =	shalt  }
0x5b: {  	_ =	shalt  }
0x5c: {  	_ =	shalt  }
0x5d: {  	_ =	shalt  }
0x5e: {  	_ =	shalt  }
0x5f: {  	_ =	shalt  }
0x60: {  	_ =	shalt  }
0x61: {  	_ =	shalt  }
0x62: {  	_ =	shalt  }
0x63: {  	_ =	shalt  }
0x64: {  	_ =	shalt  }
0x65: {  	_ =	shalt  }
0x66: {  	_ =	shalt  }
0x67: {  	_ =	shalt  }
0x68: {  	_ =	shalt  }
0x69: {  	_ =	shalt  }
0x6a: {  	_ =	shalt  }
0x6b: {  	_ =	shalt  }
0x6c: {  	_ =	shalt  }
0x6d: {  	_ =	shalt  }
0x6e: {  	_ =	shalt  }
0x6f: {  	_ =	shalt  }
0x70: {  	_ =	shalt  }
0x71: {  	_ =	shalt  }
0x72: {  	_ =	shalt  }
0x73: {  	_ =	shalt  }
0x74: {  	_ =	shalt  }
0x75: {  	_ =	shalt  }
0x76: {  	_ =	shalt  }
0x77: {  	_ =	shalt  }
0x78: {  	_ =	shalt  }
0x79: {  	_ =	shalt  }
0x7a: {  	_ =	shalt  }
0x7b: {  	_ =	shalt  }
0x7c: {  	_ =	shalt  }
0x7d: {  	_ =	shalt  }
0x7e: {  	_ =	shalt  }
0x7f: {  	_ =	shalt  }
0x80: {  	_ =	shalt  }
0x81: {  	_ =	shalt  }
0x82: {  	_ =	shalt  }
0x83: {  	_ =	shalt  }
0x84: {  	_ =	shalt  }
0x85: {  	_ =	shalt  }
0x86: {  	_ =	shalt  }
0x87: {  	_ =	shalt  }
.Lfunc_end0:
.L_simem_size_0:
called_computation_lowered:
.L_overlay_start_0:
0x88: {  	s2 =	sld [smem:$0x3FD9]  }
0x89: {  	s3 =	sld [smem:$0x3FFE];
	_ =	sdelay $0x1  }
0x8a: {  	s1 =	srdreg.scid  }
0x8b: {  	s0 =	sand.u32 $0x1, s1  }
0x8c: {  	s17 =	sshll.u32 s0, $0xA;
	s2 =	sadd.s32 s3, s2  }
0x8d: {  	s2 =	sadd.s32 s2, s17  }
0x8e: {  	[smem:$0x3FC2] =	sst s2  }
0x8f: {  	_ = 	snop  }
0x90: {  	s2 =	sld [smem:$0x3FC9];
	(tm) =	ssettm $0x1  }
0x91: {  	s18 =	sld [smem:$0x3FFB];
	_ =	sdelay $0x3  }
0x92: {  	_ =	strace s18  }
0x93: {  	s3 =	sld [smem:$0x3FFC];
	_ =	sdelay $0x3  }
0x94: {  	_ =	strace s3  }
0x95: {  	s3 =	sld [smem:$0x3FFD];
	_ =	sdelay $0x3  }
0x96: {  	_ =	strace s3  }
0x97: {  	_ =	strace $0x8FFFFFFF  }
0x98: {  	s19 =	sld [smem:$0x3FDB];
	_ =	sdelay $0x1  }
0x99: {  	s4 =	simm.s32 $_scs_section_size  }
0x9a: {  	s5 =	simm.s32 $_size__tile_overlayer_lowered;
	s6 =	simm.s32 $_tile_overlayer_lowered  }
0x9b: {  	s22 =	simm.s32 $0x1BFF;
	s21 =	sshll.u32 s6, $0x1;
	s3 =	sadd.s32 s4, s19  }
0x9c: {  	s7 =	simm.s32 $0x0;
	s20 =	sshll.u32 s5, $0x1;
	s5 =	sadd.s32 s21, s3  }
0x9d: {  	[timem:s7], [sflag:s22] =	dma.local [hbm:s5], s20  }
0x9e: {  	_ =	swait.ge [sflag:s22], s20  }
0x9f: {  	s4 =	ssub.s32 $0x0, s20;
	[sflag:s22] =	ssyncset.done $0x0  }
0xa0: {  	[sflag:s22] =	ssyncadd.s32 s4;
	_ =	sdelay $0x1  }
0xa1: {  	s23 =	simm.s32 $0x1B8B  }
0xa2: {  	_ =	swait.ge [sflag:s23], $0x1  }
0xa3: {  	[sflag:s23] =	ssyncset.done $0x0  }
0xa4: {  	s25 =	simm.s32 $0x1B8E;
	s24 =	sld [smem:$0x3FFE];
	[sflag:s23] =	ssyncadd.s32 $0xFFFFFFFF  }
0xa5: {  	s26 =	simm.s32 $execute0_lowered;
	[smem:$0x3FD2] =	sst s25  }
0xa6: {  	s5 =	sshll.u32 s26, $0x1;
	_ =	strace $0x80000046;
	[dreg:$0x1] =	wrdreg $0xFFFFFFFF  }
0xa7: {  	s28 =	simm.s32 $_size_execute0_lowered;
	s3 =	sadd.s32 s3, s5;
	[dreg:$0x0] =	wrdreg $0x0  }
0xa8: {  	s5 =	sshll.u32 s28, $0x1;
	[dreg:$0x2] =	wrdreg s3  }
0xa9: {  	[dreg:$0x3] =	wrdreg s5  }
0xaa: {  	[dreg:$0x4] =	wrdreg $0xC0  }
0xab: {  	_ =	task [dreg:s7], $0x5FFFF  }
0xac: {  	[dreg:$0x1] =	wrdreg $0xFFFFFFFF  }
0xad: {  	[dreg:$0x0] =	wrdreg $0x60  }
0xae: {  	[dreg:$0x2] =	wrdreg s2  }
0xaf: {  	[dreg:$0x3] =	wrdreg s24  }
0xb0: {  	[dreg:$0x4] =	wrdreg $0x88000  }
0xb1: {  	[dreg:$0x5] =	wrdreg $0x9  }
0xb2: {  	_ =	task.clear_ibuf [dreg:s7], $0x6FFFF;
	_ =	strace $0x90000046  }
0xb3: {  	s29 =	simm.s32 $0x9;
	_ =	strace $0x80000048  }
0xb4: {  	_ =	swait.ge [sflag:s29], $0x1  }
0xb5: {  	[sflag:s29] =	ssyncadd.s32 $0xFFFFFFFF  }
0xb6: {  	_ =	strace $0x90000048  }
0xb7: {  	_ =	sfence  }
0xb8: {  	s30 =	sld [smem:$0x0];
	_ =	sdelay $0x2  }
0xb9: {  	s31 =	sshll.u32 s1, $0xD;
	s1 =	sshrl.u32 s1, $0x2  }
0xba: {  	s3 =	sand.u32 $0x4000, s31;
	s1 =	sadd.s32 s1, s30  }
0xbb: {  	s0 =	sor.u32 s3, s0;
	s1 =	sshll.u32 s1, $0x11  }
0xbc: {  	s0 =	sor.u32 s1, s0  }
0xbd: {  	s0 =	sadd.s32 $0x8F2B, s0  }
0xbe: {  	[sflag:s0] =	ssyncadd.remote.s32 $0x1  }
0xbf: {  	_ =	sfence.sel $0xFFFF  }
0xc0: {  	[dreg:$0x0] =	wrdreg $0xFFFFFFFF;
	(pc) =	sbr.abs _section_cstart, $3  }
0xc1: {  	[dreg:$0x1] =	wrdreg $0xFFFFFFFF  }
0xc2: {  	_ =	task.clear_ibuf [dreg:s7], $0x2FFFF;
	_ =	strace $0x9FFFFFFF  }
0xc3: {  	(tm) =	ssettm $0x7FFFFFFF  }
tec
execute0_lowered:
.L_overlay_start_1:
0x0: {  	(tag) =	ssettag $0x1  }
0x1: {  	s0 =	rddreg [dreg:$0x0]  }
0x2: {  	s1 =	srdreg.scid;
	s2 =	rddreg [dreg:$0x1]  }
0x3: {  	s3 =	rddreg [dreg:$0x2];
	s10 =	stileid.u32  }
0x4: {  	s4 =	simm.s32 $0x0;
	s28 =	simm.s32 $0x1;
	s29 =	simm.s32 $0x100  }
0x5: {  	s30 =	simm.s32 $0x2;
	s31 =	simm.s32 $0x480;
	s13 =	simm.s32 $0x700  }
0x6: {  	s14 =	simm.s32 $0x780;
	s1 =	sand.u32 $0x1, s1;
	s6 =	smul.u32 $0x4F000, s10  }
0x7: {  	[smem:$0x7FF] =	sst s4;
	s7 =	sadd.s32 $0x2C00, s2;
	s23 =	smul.u32 $0x2780, s10  }
0x8: {  	s25 =	smul.u32 $0x500, s10;
	s5 =	sshll.u32 s1, $0x4;
	_ =	strace $0x80000047  }
0x9: {  	s8 =	ssub.s32 $0x2, s1;
	p0 =	seq.s32 s1, $0x1;
	s1 =	smul.u32 $0x5000, s1  }
0xa: {  	s5 =	sor.u32 s10, s5;
	s9 =	sshrl.u32 s8, $0x1;
	s15 =	sshrl.u32 s6, $0x2  }
0xb: {  	s10 =	simm.s32 $0x300;
	s5 =	smul.u32 $0x2800, s5;
	s12 =	sadd.s32 s15, s3  }
0xc: {  	s16 =	ssub.s32 s8, s9;
	s20 =	sadd.s32 $0x3C00, s12;
	[dreg:$0x6] =	wrdreg s12  }
0xd: {  	s8 =	simm.s32 $0x3E400;
	s21 =	sadd.s32 $0x7800, s12;
	[dreg:$0x9] =	wrdreg s20  }
0xe: {  	s1 =	sadd.s32 s1, s7;
	s22 =	sadd.s32 $0xB400, s12;
	[dreg:$0xa] =	wrdreg s21  }
0xf: {  	s9 =	simm.s32 $0x280;
	s24 =	sadd.s32 $0xF000, s12;
	[dreg:$0xb] =	wrdreg s22  }
0x10: {  	s8 =	simm.s32 @!p0 $0x16C00;
	s26 =	sadd.s32 $0x12C00, s12;
	[dreg:$0xc] =	wrdreg s24  }
0x11: {  	s6 =	smax.u32 s16, $0x1;
	s12 =	simm.s32 $0x380;
	[dreg:$0xd] =	wrdreg s26  }
0x12: {  	s5 =	sshrl.u32 s5, $0x3;
	s2 =	sadd.s32 s8, s2;
	[dreg:$0xe] =	wrdreg s6  }
0x13: {  	s20 =	simm.s32 $0x600;
	s21 =	simm.s32 $0x800;
	s22 =	simm.s32 $0x5  }
0x14: {  	s24 =	simm.s32 $0x7D;
	s26 =	simm.s32 $0x4800;
	s6 =	simm.s32 $0x4  }
0x15: {  	s8 =	simm.s32 $0x580;
	s11 =	sadd.s32 s7, s5;
	s2 =	sadd.s32 s2, s23  }
0x16: {  	s23 =	simm.s32 $0x3;
	s7 =	simm.s32 $0x0;
	[dreg:$0x4] =	wrdreg s11  }
.Ltmp0:
0x17: {  	s17 =	sadd.s32 $0xA000, s11;
	[dreg:$0xf] =	wrdreg s2;
	(pc) =	sbr.rel .LBB2_1-.Ltmp0, $4  }
0x18: {  	s18 =	sadd.s32 $0x40, s11;
	s19 =	sadd.s32 $0xA040, s11;
	[dreg:$0x5] =	wrdreg s17  }
0x19: {  	s2 =	simm.s32 $0x500;
	s11 =	simm.s32 $0x680;
	[dreg:$0x7] =	wrdreg s18  }
0x1a: {  	[dreg:$0x8] =	wrdreg s19;
	s17 =	sadd.s32 s25, s1;
	s18 =	simm.s32 $0x400  }
0x1b: {  	v0 =	vimm.f32 $0.0e+00;
	s19 =	simm.s32 $0x200;
	s25 =	simm.s32 $0x80;
	s1 =	simm.s32 $0x180  }
.LBB2_6:
0x1c: {  	_ =	swait.ge [sflag:s30], $0x3E80  }
0x1d: {  	[sflag:s30] =	ssyncset.done $0x0  }
0x1e: {  	[sflag:s30] =	ssyncadd.s32 $0xFFFFC180  }
0x1f: {  	[spmem:s3] =	stream.indirect.scatter.add.f32 [tilespmem:s26], [sflag:$0x5], $0x80, s14, s24, $0xb8;
	[tilespmem:$0x1C400] =	vst v63  }
0x20: {  	_ =	swait.ge [sflag:s22], $0x3E80  }
0x21: {  	[sflag:s22] =	ssyncset.done $0x0  }
0x22: {  	[sflag:s22] =	ssyncadd.s32 $0xFFFFC180  }
0x23: {  	s5 =	stileid.u32;
	[bflag:$0x0] =	sbarrier.arrive $0xFFFF  }
0x24: {  	s5 =	sshll.u32 s5, $0x6;
	s7 =	rddreg [dreg:$0x6]  }
0x25: {  	s5 =	sor.u32 $0x1C05, s5;
	s15 =	rddreg [dreg:$0xf];
	s7 =	sshrl.u32 s7, $0x3  }
0x26: {  	[hbm:s15], [sflag:s5] =	dma.local [spmem:s7], $0x2780  }
0x27: {  	_ =	swait.ge [sflag:s22], $0x2780  }
0x28: {  	s15 =	rddreg [dreg:$0x10]  }
0x29: {  	s16 =	rddreg [dreg:$0xe];
	s7 =	sadd.s32 $0x1, s15  }
0x2a: {  	p0 =	sne.s32 s7, s16  }
.Ltmp1:
0x2b: {  	_ = 	snop;
	(pc) =	sbr.rel @!p0 .LBB2_7-.Ltmp1, $3  }
0x2c: {  	_ =	sdelay $0x1  }
0x2d: {  	[sflag:s22] =	ssyncset.done $0x0  }
0x2e: {  	[sflag:s22] =	ssyncadd.s32 $0xFFFFD880  }
.LBB2_1:
0x2f: {  	[dreg:$0x10] =	wrdreg s7  }
0x30: {  	s5 =	rddreg [dreg:$0x4]  }
0x31: {  	[tilespmem:s4], [sflag:$0x3] =	stream.linear.gather [hbm4b:s5+s4], $0x200, $0x38;
	[tilespmem:$0x1C400] =	vst v63  }
0x32: {  	s7 =	rddreg [dreg:$0x5]  }
0x33: {  	[tilespmem:s18], [sflag:$0x3] =	stream.linear.gather [hbm4b:s7+s4], $0x200, $0x38;
	[tilespmem:$0x1C400] =	vst v63  }
0x34: {  	s15 =	rddreg [dreg:$0x7];
	s7 =	sand.u32 $0xFE00, s4  }
0x35: {  	[tilespmem:s19], [sflag:$0x4] =	stream.linear.gather [hbm4b:s15+s4], $0x200, $0x38;
	[tilespmem:$0x1C400] =	vst v63  }
0x36: {  	s16 =	rddreg [dreg:$0x8];
	s5 =	sshrl.u32 s7, $0x2;
	s15 =	sand.u32 $0x70, s4  }
0x37: {  	[tilespmem:s20], [sflag:$0x4] =	stream.linear.gather [hbm4b:s16+s4], $0x200, $0x38;
	[tilespmem:$0x1C400] =	vst v63  }
0x38: {  	s7 =	sor.u32 s15, s5;
	s5 =	simm.s32 $0x0;
	s16 =	simm.s32 $0x40  }
.LBB2_2:
0x39: {  	p0 =	sne.s32 s16, $0xEFC0  }
0x3a: {  	[tilespmem:s7+$0x800] =	vst v0;
	s5 =	sadd.s32 $0x10, s5;
	s7 =	smov.u32 s16;
	s16 =	sadd.s32 $0x40, s16  }
.Ltmp2:
0x3b: {  	(pc) =	sbr.rel @p0 .LBB2_2-.Ltmp2, $4  }
0x3c: {  	_ = 	snop  }
0x3d: {  	s7 =	sand.u32 $0xFE00, s7  }
0x3e: {  	s15 =	sand.u32 $0x70, s5;
	s7 =	sshrl.u32 s7, $0x2  }
0x3f: {  	s7 =	sor.u32 s15, s7  }
0x40: {  	[tilespmem:s7+$0x800] =	vst v0;
	s5 =	rddreg [dreg:$0x6]  }
0x41: {  	[spmem:s5] =	stream.linear.scatter [tilespmem:s21], [sflag:$0x5], $0x3C00, $0x38;
	[tilespmem:$0x1C400] =	vst v63  }
0x42: {  	_ =	swait.ge [sflag:s22], $0x3C00  }
0x43: {  	[sflag:s22] =	ssyncset.done $0x0  }
0x44: {  	s15 =	rddreg [dreg:$0x9];
	[sflag:s22] =	ssyncadd.s32 $0xFFFFC400  }
0x45: {  	[spmem:s15] =	stream.linear.scatter [tilespmem:s21], [sflag:$0x5], $0x3C00, $0x38;
	[tilespmem:$0x1C400] =	vst v63  }
0x46: {  	_ =	swait.ge [sflag:s22], $0x3C00  }
0x47: {  	[sflag:s22] =	ssyncset.done $0x0  }
0x48: {  	s16 =	rddreg [dreg:$0xa];
	[sflag:s22] =	ssyncadd.s32 $0xFFFFC400  }
0x49: {  	[spmem:s16] =	stream.linear.scatter [tilespmem:s21], [sflag:$0x5], $0x3C00, $0x38;
	[tilespmem:$0x1C400] =	vst v63  }
0x4a: {  	_ =	swait.ge [sflag:s22], $0x3C00  }
0x4b: {  	[sflag:s22] =	ssyncset.done $0x0  }
0x4c: {  	s7 =	rddreg [dreg:$0xb];
	[sflag:s22] =	ssyncadd.s32 $0xFFFFC400  }
0x4d: {  	[spmem:s7] =	stream.linear.scatter [tilespmem:s21], [sflag:$0x5], $0x3C00, $0x38;
	[tilespmem:$0x1C400] =	vst v63  }
0x4e: {  	_ =	swait.ge [sflag:s22], $0x3C00  }
0x4f: {  	[sflag:s22] =	ssyncset.done $0x0  }
0x50: {  	s15 =	rddreg [dreg:$0xc];
	[sflag:s22] =	ssyncadd.s32 $0xFFFFC400  }
0x51: {  	[spmem:s15] =	stream.linear.scatter [tilespmem:s21], [sflag:$0x5], $0x3C00, $0x38;
	[tilespmem:$0x1C400] =	vst v63  }
0x52: {  	_ =	swait.ge [sflag:s22], $0x3C00  }
0x53: {  	[sflag:s22] =	ssyncset.done $0x0  }
0x54: {  	s16 =	rddreg [dreg:$0xd];
	[sflag:s22] =	ssyncadd.s32 $0xFFFFC400  }
0x55: {  	[spmem:s16] =	stream.linear.scatter [tilespmem:s21], [sflag:$0x5], $0x1000, $0x38;
	[tilespmem:$0x1C400] =	vst v63  }
0x56: {  	_ =	swait.ge [sflag:s22], $0x1000  }
0x57: {  	[sflag:s22] =	ssyncset.done $0x0  }
0x58: {  	[sflag:s22] =	ssyncadd.s32 $0xFFFFF000  }
0x59: {  	[bflag:$0x0] =	sbarrier.arrive $0xFFFF  }
0x5a: {  	_ =	swait.ge [sflag:s23], $0x200  }
0x5b: {  	[sflag:s23] =	ssyncset.done $0x0  }
0x5c: {  	[sflag:s23] =	ssyncadd.s32 $0xFFFFFE00  }
0x5d: {  	_ =	swait.ge [sflag:s23], $0x200  }
0x5e: {  	[sflag:s23] =	ssyncset.done $0x0  }
0x5f: {  	s16 =	simm.s32 $0x0;
	[sflag:s23] =	ssyncadd.s32 $0xFFFFFE00  }
0x60: {  	[tilespmem:s21], [sflag:$0x1] =	stream.indirect.gather [hbm4b:s0+s24], $0x80, s16, s24, $0xb8;
	[tilespmem:$0x1C400] =	vst v63  }
0x61: {  	_ = 	snop  }
0x62: {  	[tilespmem:s26], [sflag:$0x2] =	stream.indirect.gather [hbm4b:s0+s24], $0x80, s25, s24, $0xb8;
	[tilespmem:$0x1C400] =	vst v63  }
.LBB2_4:
0x63: {  	_ =	swait.ge [sflag:s28], $0x3E80  }
0x64: {  	[sflag:s28] =	ssyncset.done $0x0  }
0x65: {  	[sflag:s28] =	ssyncadd.s32 $0xFFFFC180  }
0x66: {  	[spmem:s3] =	stream.indirect.scatter.add.f32 [tilespmem:s21], [sflag:$0x5], $0x80, s18, s24, $0xb8;
	[tilespmem:$0x1C400] =	vst v63  }
0x67: {  	_ =	swait.ge [sflag:s22], $0x3E80  }
0x68: {  	[sflag:s22] =	ssyncset.done $0x0  }
0x69: {  	[sflag:s22] =	ssyncadd.s32 $0xFFFFC180  }
0x6a: {  	[tilespmem:s21], [sflag:$0x1] =	stream.indirect.gather [hbm4b:s0+s24], $0x80, s29, s24, $0xb8;
	[tilespmem:$0x1C400] =	vst v63  }
0x6b: {  	_ =	swait.ge [sflag:s30], $0x3E80  }
0x6c: {  	[sflag:s30] =	ssyncset.done $0x0  }
0x6d: {  	[sflag:s30] =	ssyncadd.s32 $0xFFFFC180  }
0x6e: {  	[spmem:s3] =	stream.indirect.scatter.add.f32 [tilespmem:s26], [sflag:$0x5], $0x80, s31, s24, $0xb8;
	[tilespmem:$0x1C400] =	vst v63  }
0x6f: {  	_ =	swait.ge [sflag:s22], $0x3E80  }
0x70: {  	[sflag:s22] =	ssyncset.done $0x0  }
0x71: {  	[sflag:s22] =	ssyncadd.s32 $0xFFFFC180  }
0x72: {  	[tilespmem:s26], [sflag:$0x2] =	stream.indirect.gather [hbm4b:s0+s24], $0x80, s1, s24, $0xb8;
	[tilespmem:$0x1C400] =	vst v63  }
0x73: {  	_ =	swait.ge [sflag:s28], $0x3E80  }
0x74: {  	[sflag:s28] =	ssyncset.done $0x0  }
0x75: {  	[sflag:s28] =	ssyncadd.s32 $0xFFFFC180  }
0x76: {  	[spmem:s3] =	stream.indirect.scatter.add.f32 [tilespmem:s21], [sflag:$0x5], $0x80, s2, s24, $0xb8;
	[tilespmem:$0x1C400] =	vst v63  }
0x77: {  	_ =	swait.ge [sflag:s22], $0x3E80  }
0x78: {  	[sflag:s22] =	ssyncset.done $0x0  }
0x79: {  	[sflag:s22] =	ssyncadd.s32 $0xFFFFC180  }
0x7a: {  	_ =	swait.ge [sflag:s6], $0x200  }
0x7b: {  	[sflag:s6] =	ssyncset.done $0x0  }
0x7c: {  	[sflag:s6] =	ssyncadd.s32 $0xFFFFFE00  }
0x7d: {  	_ =	swait.ge [sflag:s6], $0x200  }
0x7e: {  	[sflag:s6] =	ssyncset.done $0x0  }
0x7f: {  	[sflag:s6] =	ssyncadd.s32 $0xFFFFFE00  }
0x80: {  	[tilespmem:s21], [sflag:$0x1] =	stream.indirect.gather [hbm4b:s0+s24], $0x80, s19, s24, $0xb8;
	[tilespmem:$0x1C400] =	vst v63  }
0x81: {  	_ =	swait.ge [sflag:s30], $0x3E80  }
0x82: {  	[sflag:s30] =	ssyncset.done $0x0  }
0x83: {  	[sflag:s30] =	ssyncadd.s32 $0xFFFFC180  }
0x84: {  	[spmem:s3] =	stream.indirect.scatter.add.f32 [tilespmem:s26], [sflag:$0x5], $0x80, s8, s24, $0xb8;
	[tilespmem:$0x1C400] =	vst v63  }
0x85: {  	_ =	swait.ge [sflag:s22], $0x3E80  }
0x86: {  	p0 =	seq.s32 s16, $0x480;
	[sflag:s22] =	ssyncset.done $0x0  }
0x87: {  	s5 =	sadd.s32 @!p0 s16, s17;
	[sflag:s22] =	ssyncadd.s32 $0xFFFFC180  }
0x88: {  	[tilespmem:s26], [sflag:$0x2] =	stream.indirect.gather [hbm4b:s0+s24], $0x80, s9, s24, $0xb8;
	[tilespmem:$0x1C400] =	vst v63  }
0x89: {  	s15 =	simm.s32 @!p0 $0x0;
	s7 =	sadd.s32 @!p0 $0x80, s5  }
0x8a: {  	[tilespmem:s15], [sflag:$0x3] =	stream.linear.gather @!p0 [hbm4b:s7+s15], $0x200, $0x38;
	[tilespmem:$0x1C400] =	vst v63  }
0x8b: {  	s5 =	sadd.s32 @!p0 $0xA080, s5;
	s7 =	simm.s32 @!p0 $0x400  }
0x8c: {  	[tilespmem:s7], [sflag:$0x3] =	stream.linear.gather @!p0 [hbm4b:s5+s15], $0x200, $0x38;
	[tilespmem:$0x1C400] =	vst v63  }
0x8d: {  	_ =	swait.ge [sflag:s28], $0x3E80  }
0x8e: {  	[sflag:s28] =	ssyncset.done $0x0  }
0x8f: {  	[sflag:s28] =	ssyncadd.s32 $0xFFFFC180  }
0x90: {  	[spmem:s3] =	stream.indirect.scatter.add.f32 [tilespmem:s21], [sflag:$0x5], $0x80, s20, s24, $0xb8;
	[tilespmem:$0x1C400] =	vst v63  }
0x91: {  	_ =	swait.ge [sflag:s22], $0x3E80  }
0x92: {  	[sflag:s22] =	ssyncset.done $0x0  }
0x93: {  	[sflag:s22] =	ssyncadd.s32 $0xFFFFC180  }
0x94: {  	[tilespmem:s21], [sflag:$0x1] =	stream.indirect.gather [hbm4b:s0+s24], $0x80, s10, s24, $0xb8;
	[tilespmem:$0x1C400] =	vst v63  }
0x95: {  	_ =	swait.ge [sflag:s30], $0x3E80  }
0x96: {  	[sflag:s30] =	ssyncset.done $0x0  }
0x97: {  	[sflag:s30] =	ssyncadd.s32 $0xFFFFC180  }
0x98: {  	[spmem:s3] =	stream.indirect.scatter.add.f32 [tilespmem:s26], [sflag:$0x5], $0x80, s11, s24, $0xb8;
	[tilespmem:$0x1C400] =	vst v63  }
0x99: {  	_ =	swait.ge [sflag:s22], $0x3E80  }
0x9a: {  	[sflag:s22] =	ssyncset.done $0x0  }
0x9b: {  	[sflag:s22] =	ssyncadd.s32 $0xFFFFC180  }
0x9c: {  	[tilespmem:s26], [sflag:$0x2] =	stream.indirect.gather [hbm4b:s0+s24], $0x80, s12, s24, $0xb8;
	[tilespmem:$0x1C400] =	vst v63  }
0x9d: {  	_ =	swait.ge [sflag:s28], $0x3E80  }
0x9e: {  	[sflag:s28] =	ssyncset.done $0x0  }
.Ltmp3:
0x9f: {  	[sflag:s28] =	ssyncadd.s32 $0xFFFFC180;
	(pc) =	sbr.rel @p0 .LBB2_6-.Ltmp3, $4  }
0xa0: {  	[spmem:s3] =	stream.indirect.scatter.add.f32 [tilespmem:s21], [sflag:$0x5], $0x80, s13, s24, $0xb8;
	[tilespmem:$0x1C400] =	vst v63  }
0xa1: {  	_ =	swait.ge [sflag:s22], $0x3E80  }
0xa2: {  	[sflag:s22] =	ssyncset.done $0x0  }
0xa3: {  	[sflag:s22] =	ssyncadd.s32 $0xFFFFC180  }
0xa4: {  	_ =	swait.ge [sflag:s23], $0x200  }
0xa5: {  	[sflag:s23] =	ssyncset.done $0x0  }
0xa6: {  	[sflag:s23] =	ssyncadd.s32 $0xFFFFFE00  }
0xa7: {  	_ =	swait.ge [sflag:s23], $0x200  }
0xa8: {  	[sflag:s23] =	ssyncset.done $0x0  }
0xa9: {  	[sflag:s23] =	ssyncadd.s32 $0xFFFFFE00  }
0xaa: {  	[tilespmem:s21], [sflag:$0x1] =	stream.indirect.gather [hbm4b:s0+s24], $0x80, s4, s24, $0xb8;
	[tilespmem:$0x1C400] =	vst v63  }
0xab: {  	_ =	swait.ge [sflag:s30], $0x3E80  }
0xac: {  	[sflag:s30] =	ssyncset.done $0x0  }
0xad: {  	[sflag:s30] =	ssyncadd.s32 $0xFFFFC180  }
0xae: {  	[spmem:s3] =	stream.indirect.scatter.add.f32 [tilespmem:s26], [sflag:$0x5], $0x80, s14, s24, $0xb8;
	[tilespmem:$0x1C400] =	vst v63  }
0xaf: {  	_ =	swait.ge [sflag:s22], $0x3E80  }
0xb0: {  	[sflag:s22] =	ssyncset.done $0x0  }
0xb1: {  	[sflag:s22] =	ssyncadd.s32 $0xFFFFC180  }
0xb2: {  	[tilespmem:s26], [sflag:$0x2] =	stream.indirect.gather [hbm4b:s0+s24], $0x80, s25, s24, $0xb8;
	[tilespmem:$0x1C400] =	vst v63  }
.Ltmp4:
0xb3: {  	s5 =	sadd.s32 s16, s17;
	(pc) =	sbr.rel .LBB2_4-.Ltmp4, $4  }
0xb4: {  	s7 =	sadd.s32 $0xC0, s5  }
0xb5: {  	[tilespmem:s19], [sflag:$0x4] =	stream.linear.gather [hbm4b:s7+s4], $0x200, $0x38;
	[tilespmem:$0x1C400] =	vst v63  }
0xb6: {  	s16 =	sadd.s32 $0x80, s16;
	s5 =	sadd.s32 $0xA0C0, s5  }
0xb7: {  	[tilespmem:s20], [sflag:$0x4] =	stream.linear.gather [hbm4b:s5+s4], $0x200, $0x38;
	[tilespmem:$0x1C400] =	vst v63  }
.LBB2_7:
0xb8: {  	_ =	sfence.sel $0x180000  }
0xb9: {  	[bflag:$0x0] =	sbarrier.arrive $0xFFFF  }
0xba: {  	_ =	strace $0x90000047  }
0xbb: {  	s0 =	stileid.u32;
	[bflag:$0x2] =	sbarrier.arrive $0xFFFF  }
0xbc: {  	p0 =	sne.s32 s0, $0x0;
	s0 =	rddreg [dreg:$0x3]  }
0xbd: {  	s0 =	sadd.s32 @!p0 $0x100000, s0  }
0xbe: {  	[sflag:s0] =	ssyncadd.tile.s32 @!p0 $0x1;
	_ =	shalt  }
.Lfunc_end2:
_tile_overlayer_lowered:
.L_overlay_start_2:
0xbf: {  	(tag) =	ssettag $0x2  }
0xc0: {  	s0 =	rddreg [dreg:$0x0];
	s2 =	stileid.u32  }
0xc1: {  	s1 =	rddreg [dreg:$0x1];
	p0 =	sne.s32 s2, $0x0  }
0xc2: {  	s3 =	rddreg [dreg:$0x2];
	[bflag:$0x3] =	sbarrier.arrive $0xFFFF;
	s2 =	simm.s32 @!p0 $0x1C05  }
0xc3: {  	[timem:s3], [sflag:s2] =	dma.local @!p0 [hbm:s0], s1  }
0xc4: {  	s0 =	simm.s32 @!p0 $0x5  }
0xc5: {  	_ =	swait.ge @!p0 [sflag:s0], s1  }
0xc6: {  	s1 =	ssub.s32 @!p0 $0x0, s1;
	[sflag:s0] =	ssyncset.done @!p0 $0x0  }
0xc7: {  	[sflag:s0] =	ssyncadd.s32 @!p0 s1  }
0xc8: {  	[bflag:$0x3] =	sbarrier.arrive $0xFFFF  }
0xc9: {  	_ =	shalt  }

// kernel: kernel.9.cloned.1.call-start
scs
__scs_entry_jumppad:
0x0: {  	(pc) =	sbr.rel $0x88, $3  }
0x1: {  	(tag) =	ssettag $0x0;
	lr =	simm.s32 $0x1  }
0x2: {  	[smem:$0x3F9B] =	sst lr;
	_ =	strace $0xD0000000  }
0x3: {  	_ = 	snop  }
0x4: {  	_ = 	snop  }
0x5: {  	_ = 	snop  }
0x6: {  	_ = 	snop  }
0x7: {  	_ = 	snop  }
__scs_overlays_trampoline_lowered:
0x8: {  	[smem:$0x3FAA] =	sst s0  }
0x9: {  	[smem:$0x3FAB] =	sst s1  }
0xa: {  	[smem:$0x3FAC] =	sst s2  }
0xb: {  	[smem:$0x3FAD] =	sst s3  }
0xc: {  	[smem:$0x3FAE] =	sst s4  }
0xd: {  	[smem:$0x3FAF] =	sst s5  }
0xe: {  	[smem:$0x3FB0] =	sst s6  }
0xf: {  	[smem:$0x3FB1] =	sst s7  }
0x10: {  	[smem:$0x3FB2] =	sst s8  }
0x11: {  	[smem:$0x3FB3] =	sst s9;
	s0 =	simm.s32 @!p0 $0x0  }
0x12: {  	s1 =	sld [smem:$0x3F99];
	s0 =	simm.s32 @p0 $0x1  }
0x13: {  	[smem:$0x3FB4] =	sst s0;
	s0 =	simm.s32 @!p1 $0x0  }
0x14: {  	s2 =	sld [smem:$0x3F98];
	s0 =	simm.s32 @p1 $0x1  }
0x15: {  	[smem:$0x3FB5] =	sst s0;
	s0 =	simm.s32 @!p2 $0x0  }
0x16: {  	s3 =	sld [smem:$0x3FDB];
	s0 =	simm.s32 @p2 $0x1  }
0x17: {  	s4 =	simm.s32 $0x1BF5;
	[smem:$0x3FB7] =	sst s0  }
0x18: {  	s0 =	sld [smem:$0x3F9A];
	_ =	swait.ge [sflag:s4], $0x0  }
0x19: {  	s7 =	sld [smem:$0x3F9B]  }
0x1a: {  	s8 =	sadd.s32 $0xFFFFE003, lr  }
0x1b: {  	s9 =	sadd.s32 $0xFFFFFEF7, lr;
	s5 =	simm.s32 $0xFFFFFFFF;
	p2 =	slt.u32 s8, $0xFFFFF086  }
0x1c: {  	p1 =	slt.u32 s9, $0xF7A;
	s5 =	simm.s32 @!p2 $0x0  }
0x1d: {  	s5 =	simm.s32 @p1 $0x1;
	p0 =	seq.s32 s7, s2  }
0x1e: {  	s7 =	smul.u32 @!p0 $0xF7A, s2;
	p2 =	seq.s32 @!p0 s5, $0x0  }
0x1f: {  	s9 =	smul.u32 $0xF7A, s1;
	s8 =	simm.s32 @!p0 $0x1BF5;
	p2 =	por !p2, p0  }
0x20: {  	[sflag:s8] =	ssyncset.s32 @!p0 $0xFFFFF086;
	s6 =	sadd.s32 @!p0 s3, s7;
	s7 =	simm.s32 @!p0 $0x108  }
0x21: {  	s3 =	sadd.s32 s3, s9;
	s6 =	sadd.s32 @!p0 $0x88, s6;
	s7 =	simm.s32 @p2 $0x1082  }
0x22: {  	[simem:s7], [sflag:s8] =	dma.local @!p0 [hbm:s6], $0xF7A  }
0x23: {  	s9 =	sor.u32 $0xD0000000, s2;
	s6 =	simm.s32 $0x108;
	_ =	swait.ge @!p0 [sflag:s8], $0x0  }
0x24: {  	s3 =	sadd.s32 $0x88, s3;
	s6 =	simm.s32 @!p1 $0x1082;
	[sflag:s4] =	ssyncset.s32 $0xFFFFF086  }
0x25: {  	[simem:s6], [sflag:s4] =	dma.local [hbm:s3], $0xF7A  }
0x26: {  	[smem:$0x3F9B] =	sst s1;
	(tag) =	ssettag s2;
	_ =	strace s9  }
0x27: {  	s1 =	sld [smem:$0x3FAB]  }
0x28: {  	s2 =	sld [smem:$0x3FAC]  }
0x29: {  	s4 =	sld [smem:$0x3FAE]  }
0x2a: {  	p0 =	seq.s32 s5, $0x0;
	s5 =	sld [smem:$0x3FAF]  }
0x2b: {  	s6 =	sld [smem:$0x3FB0]  }
0x2c: {  	s7 =	sld [smem:$0x3FB1]  }
0x2d: {  	s3 =	simm.s32 $0x108;
	s8 =	sld [smem:$0x3FB2]  }
0x2e: {  	s3 =	simm.s32 @!p0 $0x1082;
	s9 =	sld [smem:$0x3FB3]  }
0x2f: {  	lr =	sadd.s32 s0, s3;
	s0 =	sld [smem:$0x3FAA]  }
0x30: {  	s3 =	sld [smem:$0x3FAD]  }
0x31: {  	[smem:$0x3FB6] =	sst s10  }
0x32: {  	s10 =	sld [smem:$0x3FB4];
	_ =	sdelay $0x3  }
0x33: {  	p0 =	seq.s32 s10, $0x1;
	s10 =	sld [smem:$0x3FB6];
	_ =	sdelay $0x3  }
0x34: {  	[smem:$0x3FB6] =	sst s10  }
0x35: {  	s10 =	sld [smem:$0x3FB5];
	_ =	sdelay $0x3  }
0x36: {  	p1 =	seq.s32 s10, $0x1;
	s10 =	sld [smem:$0x3FB6];
	_ =	sdelay $0x3  }
0x37: {  	[smem:$0x3FB6] =	sst s10  }
0x38: {  	s10 =	sld [smem:$0x3FB7]  }
0x39: {  	_ = 	snop;
	(pc) =	sbr.ind lr, $3  }
0x3a: {  	_ = 	snop  }
0x3b: {  	_ = 	snop  }
0x3c: {  	p2 =	seq.s32 s10, $0x1;
	s10 =	sld [smem:$0x3FB6]  }
0x3d: {  	_ =	shalt  }
0x3e: {  	_ =	shalt  }
0x3f: {  	_ =	shalt  }
0x40: {  	_ =	shalt  }
0x41: {  	_ =	shalt  }
0x42: {  	_ =	shalt  }
0x43: {  	_ =	shalt  }
0x44: {  	_ =	shalt  }
0x45: {  	_ =	shalt  }
0x46: {  	_ =	shalt  }
0x47: {  	_ =	shalt  }
0x48: {  	_ =	shalt  }
0x49: {  	_ =	shalt  }
0x4a: {  	_ =	shalt  }
0x4b: {  	_ =	shalt  }
0x4c: {  	_ =	shalt  }
0x4d: {  	_ =	shalt  }
0x4e: {  	_ =	shalt  }
0x4f: {  	_ =	shalt  }
0x50: {  	_ =	shalt  }
0x51: {  	_ =	shalt  }
0x52: {  	_ =	shalt  }
0x53: {  	_ =	shalt  }
0x54: {  	_ =	shalt  }
0x55: {  	_ =	shalt  }
0x56: {  	_ =	shalt  }
0x57: {  	_ =	shalt  }
0x58: {  	_ =	shalt  }
0x59: {  	_ =	shalt  }
0x5a: {  	_ =	shalt  }
0x5b: {  	_ =	shalt  }
0x5c: {  	_ =	shalt  }
0x5d: {  	_ =	shalt  }
0x5e: {  	_ =	shalt  }
0x5f: {  	_ =	shalt  }
0x60: {  	_ =	shalt  }
0x61: {  	_ =	shalt  }
0x62: {  	_ =	shalt  }
0x63: {  	_ =	shalt  }
0x64: {  	_ =	shalt  }
0x65: {  	_ =	shalt  }
0x66: {  	_ =	shalt  }
0x67: {  	_ =	shalt  }
0x68: {  	_ =	shalt  }
0x69: {  	_ =	shalt  }
0x6a: {  	_ =	shalt  }
0x6b: {  	_ =	shalt  }
0x6c: {  	_ =	shalt  }
0x6d: {  	_ =	shalt  }
0x6e: {  	_ =	shalt  }
0x6f: {  	_ =	shalt  }
0x70: {  	_ =	shalt  }
0x71: {  	_ =	shalt  }
0x72: {  	_ =	shalt  }
0x73: {  	_ =	shalt  }
0x74: {  	_ =	shalt  }
0x75: {  	_ =	shalt  }
0x76: {  	_ =	shalt  }
0x77: {  	_ =	shalt  }
0x78: {  	_ =	shalt  }
0x79: {  	_ =	shalt  }
0x7a: {  	_ =	shalt  }
0x7b: {  	_ =	shalt  }
0x7c: {  	_ =	shalt  }
0x7d: {  	_ =	shalt  }
0x7e: {  	_ =	shalt  }
0x7f: {  	_ =	shalt  }
0x80: {  	_ =	shalt  }
0x81: {  	_ =	shalt  }
0x82: {  	_ =	shalt  }
0x83: {  	_ =	shalt  }
0x84: {  	_ =	shalt  }
0x85: {  	_ =	shalt  }
0x86: {  	_ =	shalt  }
0x87: {  	_ =	shalt  }
.Lfunc_end0:
.L_simem_size_0:
called_computation.1_lowered:
.L_overlay_start_0:
0x88: {  	s2 =	sld [smem:$0x3FD9]  }
0x89: {  	s3 =	sld [smem:$0x3FFE];
	_ =	sdelay $0x1  }
0x8a: {  	s1 =	srdreg.scid  }
0x8b: {  	s0 =	sand.u32 $0x1, s1  }
0x8c: {  	s17 =	sshll.u32 s0, $0xA;
	s2 =	sadd.s32 s3, s2  }
0x8d: {  	s2 =	sadd.s32 s2, s17  }
0x8e: {  	[smem:$0x3FC2] =	sst s2  }
0x8f: {  	_ = 	snop  }
0x90: {  	s2 =	sld [smem:$0x3FD0];
	(tm) =	ssettm $0x1  }
0x91: {  	s18 =	sld [smem:$0x3FFB];
	_ =	sdelay $0x3  }
0x92: {  	_ =	strace s18  }
0x93: {  	s3 =	sld [smem:$0x3FFC];
	_ =	sdelay $0x3  }
0x94: {  	_ =	strace s3  }
0x95: {  	s3 =	sld [smem:$0x3FFD];
	_ =	sdelay $0x3  }
0x96: {  	_ =	strace s3  }
0x97: {  	_ =	strace $0x8FFFFFFF  }
0x98: {  	s19 =	sld [smem:$0x3FDB];
	_ =	sdelay $0x1  }
0x99: {  	s4 =	simm.s32 $_scs_section_size  }
0x9a: {  	s5 =	simm.s32 $_size__tile_overlayer_lowered;
	s6 =	simm.s32 $_tile_overlayer_lowered  }
0x9b: {  	s22 =	simm.s32 $0x1BFF;
	s21 =	sshll.u32 s6, $0x1;
	s3 =	sadd.s32 s4, s19  }
0x9c: {  	s7 =	simm.s32 $0x0;
	s20 =	sshll.u32 s5, $0x1;
	s5 =	sadd.s32 s21, s3  }
0x9d: {  	[timem:s7], [sflag:s22] =	dma.local [hbm:s5], s20  }
0x9e: {  	_ =	swait.ge [sflag:s22], s20  }
0x9f: {  	s4 =	ssub.s32 $0x0, s20;
	[sflag:s22] =	ssyncset.done $0x0  }
0xa0: {  	[sflag:s22] =	ssyncadd.s32 s4;
	_ =	sdelay $0x1  }
0xa1: {  	s23 =	simm.s32 $0x1B8B  }
0xa2: {  	_ =	swait.ge [sflag:s23], $0x1  }
0xa3: {  	[sflag:s23] =	ssyncset.done $0x0  }
0xa4: {  	s25 =	simm.s32 $0x1B8E;
	s24 =	sld [smem:$0x3FFE];
	[sflag:s23] =	ssyncadd.s32 $0xFFFFFFFF  }
0xa5: {  	s26 =	simm.s32 $execute0_lowered;
	[smem:$0x3FD2] =	sst s25  }
0xa6: {  	s5 =	sshll.u32 s26, $0x1;
	_ =	strace $0x80000049;
	[dreg:$0x1] =	wrdreg $0xFFFFFFFF  }
0xa7: {  	s28 =	simm.s32 $_size_execute0_lowered;
	s3 =	sadd.s32 s3, s5;
	[dreg:$0x0] =	wrdreg $0x0  }
0xa8: {  	s5 =	sshll.u32 s28, $0x1;
	[dreg:$0x2] =	wrdreg s3  }
0xa9: {  	[dreg:$0x3] =	wrdreg s5  }
0xaa: {  	[dreg:$0x4] =	wrdreg $0xC0  }
0xab: {  	_ =	task [dreg:s7], $0x5FFFF  }
0xac: {  	[dreg:$0x1] =	wrdreg $0xFFFFFFFF  }
0xad: {  	[dreg:$0x0] =	wrdreg $0x60  }
0xae: {  	[dreg:$0x2] =	wrdreg s2  }
0xaf: {  	[dreg:$0x3] =	wrdreg s24  }
0xb0: {  	[dreg:$0x4] =	wrdreg $0x88000  }
0xb1: {  	[dreg:$0x5] =	wrdreg $0x9  }
0xb2: {  	_ =	task.clear_ibuf [dreg:s7], $0x6FFFF;
	_ =	strace $0x90000049  }
0xb3: {  	s29 =	simm.s32 $0x9;
	_ =	strace $0x8000004B  }
0xb4: {  	_ =	swait.ge [sflag:s29], $0x1  }
0xb5: {  	[sflag:s29] =	ssyncadd.s32 $0xFFFFFFFF  }
0xb6: {  	_ =	strace $0x9000004B  }
0xb7: {  	_ =	sfence  }
0xb8: {  	s30 =	sld [smem:$0x0];
	_ =	sdelay $0x2  }
0xb9: {  	s31 =	sshll.u32 s1, $0xD;
	s1 =	sshrl.u32 s1, $0x2  }
0xba: {  	s3 =	sand.u32 $0x4000, s31;
	s1 =	sadd.s32 s1, s30  }
0xbb: {  	s0 =	sor.u32 s3, s0;
	s1 =	sshll.u32 s1, $0x11  }
0xbc: {  	s0 =	sor.u32 s1, s0  }
0xbd: {  	s0 =	sadd.s32 $0x8F2B, s0  }
0xbe: {  	[sflag:s0] =	ssyncadd.remote.s32 $0x1  }
0xbf: {  	_ =	sfence.sel $0xFFFF  }
0xc0: {  	[dreg:$0x0] =	wrdreg $0xFFFFFFFF;
	(pc) =	sbr.abs _section_cstart, $3  }
0xc1: {  	[dreg:$0x1] =	wrdreg $0xFFFFFFFF  }
0xc2: {  	_ =	task.clear_ibuf [dreg:s7], $0x2FFFF;
	_ =	strace $0x9FFFFFFF  }
0xc3: {  	(tm) =	ssettm $0x7FFFFFFF  }
tec
execute0_lowered:
.L_overlay_start_1:
0x0: {  	(tag) =	ssettag $0x1  }
0x1: {  	s0 =	rddreg [dreg:$0x0]  }
0x2: {  	s1 =	srdreg.scid;
	s2 =	rddreg [dreg:$0x1]  }
0x3: {  	s3 =	rddreg [dreg:$0x2];
	s10 =	stileid.u32  }
0x4: {  	s4 =	simm.s32 $0x0;
	s28 =	simm.s32 $0x1;
	s29 =	simm.s32 $0x100  }
0x5: {  	s30 =	simm.s32 $0x2;
	s31 =	simm.s32 $0x480;
	s13 =	simm.s32 $0x700  }
0x6: {  	s14 =	simm.s32 $0x780;
	s1 =	sand.u32 $0x1, s1;
	s6 =	smul.u32 $0x4F000, s10  }
0x7: {  	[smem:$0x7FF] =	sst s4;
	s7 =	sadd.s32 $0x2C00, s2;
	s23 =	smul.u32 $0x2780, s10  }
0x8: {  	s25 =	smul.u32 $0x500, s10;
	s5 =	sshll.u32 s1, $0x4;
	_ =	strace $0x8000004A  }
0x9: {  	s8 =	ssub.s32 $0x2, s1;
	p0 =	seq.s32 s1, $0x1;
	s1 =	smul.u32 $0x5000, s1  }
0xa: {  	s5 =	sor.u32 s10, s5;
	s9 =	sshrl.u32 s8, $0x1;
	s15 =	sshrl.u32 s6, $0x2  }
0xb: {  	s10 =	simm.s32 $0x300;
	s5 =	smul.u32 $0x2800, s5;
	s12 =	sadd.s32 s15, s3  }
0xc: {  	s16 =	ssub.s32 s8, s9;
	s20 =	sadd.s32 $0x3C00, s12;
	[dreg:$0x6] =	wrdreg s12  }
0xd: {  	s8 =	simm.s32 $0x3E400;
	s21 =	sadd.s32 $0x7800, s12;
	[dreg:$0x9] =	wrdreg s20  }
0xe: {  	s1 =	sadd.s32 s1, s7;
	s22 =	sadd.s32 $0xB400, s12;
	[dreg:$0xa] =	wrdreg s21  }
0xf: {  	s9 =	simm.s32 $0x280;
	s24 =	sadd.s32 $0xF000, s12;
	[dreg:$0xb] =	wrdreg s22  }
0x10: {  	s8 =	simm.s32 @!p0 $0x16C00;
	s26 =	sadd.s32 $0x12C00, s12;
	[dreg:$0xc] =	wrdreg s24  }
0x11: {  	s6 =	smax.u32 s16, $0x1;
	s12 =	simm.s32 $0x380;
	[dreg:$0xd] =	wrdreg s26  }
0x12: {  	s5 =	sshrl.u32 s5, $0x3;
	s2 =	sadd.s32 s8, s2;
	[dreg:$0xe] =	wrdreg s6  }
0x13: {  	s20 =	simm.s32 $0x600;
	s21 =	simm.s32 $0x800;
	s22 =	simm.s32 $0x5  }
0x14: {  	s24 =	simm.s32 $0x7D;
	s26 =	simm.s32 $0x4800;
	s6 =	simm.s32 $0x4  }
0x15: {  	s8 =	simm.s32 $0x580;
	s11 =	sadd.s32 s7, s5;
	s2 =	sadd.s32 s2, s23  }
0x16: {  	s23 =	simm.s32 $0x3;
	s7 =	simm.s32 $0x0;
	[dreg:$0x4] =	wrdreg s11  }
.Ltmp0:
0x17: {  	s17 =	sadd.s32 $0xA000, s11;
	[dreg:$0xf] =	wrdreg s2;
	(pc) =	sbr.rel .LBB2_1-.Ltmp0, $4  }
0x18: {  	s18 =	sadd.s32 $0x40, s11;
	s19 =	sadd.s32 $0xA040, s11;
	[dreg:$0x5] =	wrdreg s17  }
0x19: {  	s2 =	simm.s32 $0x500;
	s11 =	simm.s32 $0x680;
	[dreg:$0x7] =	wrdreg s18  }
0x1a: {  	[dreg:$0x8] =	wrdreg s19;
	s17 =	sadd.s32 s25, s1;
	s18 =	simm.s32 $0x400  }
0x1b: {  	v0 =	vimm.f32 $0.0e+00;
	s19 =	simm.s32 $0x200;
	s25 =	simm.s32 $0x80;
	s1 =	simm.s32 $0x180  }
.LBB2_6:
0x1c: {  	_ =	swait.ge [sflag:s30], $0x3E80  }
0x1d: {  	[sflag:s30] =	ssyncset.done $0x0  }
0x1e: {  	[sflag:s30] =	ssyncadd.s32 $0xFFFFC180  }
0x1f: {  	[spmem:s3] =	stream.indirect.scatter.add.f32 [tilespmem:s26], [sflag:$0x5], $0x80, s14, s24, $0xb8;
	[tilespmem:$0x1C400] =	vst v63  }
0x20: {  	_ =	swait.ge [sflag:s22], $0x3E80  }
0x21: {  	[sflag:s22] =	ssyncset.done $0x0  }
0x22: {  	[sflag:s22] =	ssyncadd.s32 $0xFFFFC180  }
0x23: {  	s5 =	stileid.u32;
	[bflag:$0x0] =	sbarrier.arrive $0xFFFF  }
0x24: {  	s5 =	sshll.u32 s5, $0x6;
	s7 =	rddreg [dreg:$0x6]  }
0x25: {  	s5 =	sor.u32 $0x1C05, s5;
	s15 =	rddreg [dreg:$0xf];
	s7 =	sshrl.u32 s7, $0x3  }
0x26: {  	[hbm:s15], [sflag:s5] =	dma.local [spmem:s7], $0x2780  }
0x27: {  	_ =	swait.ge [sflag:s22], $0x2780  }
0x28: {  	s15 =	rddreg [dreg:$0x10]  }
0x29: {  	s16 =	rddreg [dreg:$0xe];
	s7 =	sadd.s32 $0x1, s15  }
0x2a: {  	p0 =	sne.s32 s7, s16  }
.Ltmp1:
0x2b: {  	_ = 	snop;
	(pc) =	sbr.rel @!p0 .LBB2_7-.Ltmp1, $3  }
0x2c: {  	_ =	sdelay $0x1  }
0x2d: {  	[sflag:s22] =	ssyncset.done $0x0  }
0x2e: {  	[sflag:s22] =	ssyncadd.s32 $0xFFFFD880  }
.LBB2_1:
0x2f: {  	[dreg:$0x10] =	wrdreg s7  }
0x30: {  	s5 =	rddreg [dreg:$0x4]  }
0x31: {  	[tilespmem:s4], [sflag:$0x3] =	stream.linear.gather [hbm4b:s5+s4], $0x200, $0x38;
	[tilespmem:$0x1C400] =	vst v63  }
0x32: {  	s7 =	rddreg [dreg:$0x5]  }
0x33: {  	[tilespmem:s18], [sflag:$0x3] =	stream.linear.gather [hbm4b:s7+s4], $0x200, $0x38;
	[tilespmem:$0x1C400] =	vst v63  }
0x34: {  	s15 =	rddreg [dreg:$0x7];
	s7 =	sand.u32 $0xFE00, s4  }
0x35: {  	[tilespmem:s19], [sflag:$0x4] =	stream.linear.gather [hbm4b:s15+s4], $0x200, $0x38;
	[tilespmem:$0x1C400] =	vst v63  }
0x36: {  	s16 =	rddreg [dreg:$0x8];
	s5 =	sshrl.u32 s7, $0x2;
	s15 =	sand.u32 $0x70, s4  }
0x37: {  	[tilespmem:s20], [sflag:$0x4] =	stream.linear.gather [hbm4b:s16+s4], $0x200, $0x38;
	[tilespmem:$0x1C400] =	vst v63  }
0x38: {  	s7 =	sor.u32 s15, s5;
	s5 =	simm.s32 $0x0;
	s16 =	simm.s32 $0x40  }
.LBB2_2:
0x39: {  	p0 =	sne.s32 s16, $0xEFC0  }
0x3a: {  	[tilespmem:s7+$0x800] =	vst v0;
	s5 =	sadd.s32 $0x10, s5;
	s7 =	smov.u32 s16;
	s16 =	sadd.s32 $0x40, s16  }
.Ltmp2:
0x3b: {  	(pc) =	sbr.rel @p0 .LBB2_2-.Ltmp2, $4  }
0x3c: {  	_ = 	snop  }
0x3d: {  	s7 =	sand.u32 $0xFE00, s7  }
0x3e: {  	s15 =	sand.u32 $0x70, s5;
	s7 =	sshrl.u32 s7, $0x2  }
0x3f: {  	s7 =	sor.u32 s15, s7  }
0x40: {  	[tilespmem:s7+$0x800] =	vst v0;
	s5 =	rddreg [dreg:$0x6]  }
0x41: {  	[spmem:s5] =	stream.linear.scatter [tilespmem:s21], [sflag:$0x5], $0x3C00, $0x38;
	[tilespmem:$0x1C400] =	vst v63  }
0x42: {  	_ =	swait.ge [sflag:s22], $0x3C00  }
0x43: {  	[sflag:s22] =	ssyncset.done $0x0  }
0x44: {  	s15 =	rddreg [dreg:$0x9];
	[sflag:s22] =	ssyncadd.s32 $0xFFFFC400  }
0x45: {  	[spmem:s15] =	stream.linear.scatter [tilespmem:s21], [sflag:$0x5], $0x3C00, $0x38;
	[tilespmem:$0x1C400] =	vst v63  }
0x46: {  	_ =	swait.ge [sflag:s22], $0x3C00  }
0x47: {  	[sflag:s22] =	ssyncset.done $0x0  }
0x48: {  	s16 =	rddreg [dreg:$0xa];
	[sflag:s22] =	ssyncadd.s32 $0xFFFFC400  }
0x49: {  	[spmem:s16] =	stream.linear.scatter [tilespmem:s21], [sflag:$0x5], $0x3C00, $0x38;
	[tilespmem:$0x1C400] =	vst v63  }
0x4a: {  	_ =	swait.ge [sflag:s22], $0x3C00  }
0x4b: {  	[sflag:s22] =	ssyncset.done $0x0  }
0x4c: {  	s7 =	rddreg [dreg:$0xb];
	[sflag:s22] =	ssyncadd.s32 $0xFFFFC400  }
0x4d: {  	[spmem:s7] =	stream.linear.scatter [tilespmem:s21], [sflag:$0x5], $0x3C00, $0x38;
	[tilespmem:$0x1C400] =	vst v63  }
0x4e: {  	_ =	swait.ge [sflag:s22], $0x3C00  }
0x4f: {  	[sflag:s22] =	ssyncset.done $0x0  }
0x50: {  	s15 =	rddreg [dreg:$0xc];
	[sflag:s22] =	ssyncadd.s32 $0xFFFFC400  }
0x51: {  	[spmem:s15] =	stream.linear.scatter [tilespmem:s21], [sflag:$0x5], $0x3C00, $0x38;
	[tilespmem:$0x1C400] =	vst v63  }
0x52: {  	_ =	swait.ge [sflag:s22], $0x3C00  }
0x53: {  	[sflag:s22] =	ssyncset.done $0x0  }
0x54: {  	s16 =	rddreg [dreg:$0xd];
	[sflag:s22] =	ssyncadd.s32 $0xFFFFC400  }
0x55: {  	[spmem:s16] =	stream.linear.scatter [tilespmem:s21], [sflag:$0x5], $0x1000, $0x38;
	[tilespmem:$0x1C400] =	vst v63  }
0x56: {  	_ =	swait.ge [sflag:s22], $0x1000  }
0x57: {  	[sflag:s22] =	ssyncset.done $0x0  }
0x58: {  	[sflag:s22] =	ssyncadd.s32 $0xFFFFF000  }
0x59: {  	[bflag:$0x0] =	sbarrier.arrive $0xFFFF  }
0x5a: {  	_ =	swait.ge [sflag:s23], $0x200  }
0x5b: {  	[sflag:s23] =	ssyncset.done $0x0  }
0x5c: {  	[sflag:s23] =	ssyncadd.s32 $0xFFFFFE00  }
0x5d: {  	_ =	swait.ge [sflag:s23], $0x200  }
0x5e: {  	[sflag:s23] =	ssyncset.done $0x0  }
0x5f: {  	s16 =	simm.s32 $0x0;
	[sflag:s23] =	ssyncadd.s32 $0xFFFFFE00  }
0x60: {  	[tilespmem:s21], [sflag:$0x1] =	stream.indirect.gather [hbm4b:s0+s24], $0x80, s16, s24, $0xb8;
	[tilespmem:$0x1C400] =	vst v63  }
0x61: {  	_ = 	snop  }
0x62: {  	[tilespmem:s26], [sflag:$0x2] =	stream.indirect.gather [hbm4b:s0+s24], $0x80, s25, s24, $0xb8;
	[tilespmem:$0x1C400] =	vst v63  }
.LBB2_4:
0x63: {  	_ =	swait.ge [sflag:s28], $0x3E80  }
0x64: {  	[sflag:s28] =	ssyncset.done $0x0  }
0x65: {  	[sflag:s28] =	ssyncadd.s32 $0xFFFFC180  }
0x66: {  	[spmem:s3] =	stream.indirect.scatter.add.f32 [tilespmem:s21], [sflag:$0x5], $0x80, s18, s24, $0xb8;
	[tilespmem:$0x1C400] =	vst v63  }
0x67: {  	_ =	swait.ge [sflag:s22], $0x3E80  }
0x68: {  	[sflag:s22] =	ssyncset.done $0x0  }
0x69: {  	[sflag:s22] =	ssyncadd.s32 $0xFFFFC180  }
0x6a: {  	[tilespmem:s21], [sflag:$0x1] =	stream.indirect.gather [hbm4b:s0+s24], $0x80, s29, s24, $0xb8;
	[tilespmem:$0x1C400] =	vst v63  }
0x6b: {  	_ =	swait.ge [sflag:s30], $0x3E80  }
0x6c: {  	[sflag:s30] =	ssyncset.done $0x0  }
0x6d: {  	[sflag:s30] =	ssyncadd.s32 $0xFFFFC180  }
0x6e: {  	[spmem:s3] =	stream.indirect.scatter.add.f32 [tilespmem:s26], [sflag:$0x5], $0x80, s31, s24, $0xb8;
	[tilespmem:$0x1C400] =	vst v63  }
0x6f: {  	_ =	swait.ge [sflag:s22], $0x3E80  }
0x70: {  	[sflag:s22] =	ssyncset.done $0x0  }
0x71: {  	[sflag:s22] =	ssyncadd.s32 $0xFFFFC180  }
0x72: {  	[tilespmem:s26], [sflag:$0x2] =	stream.indirect.gather [hbm4b:s0+s24], $0x80, s1, s24, $0xb8;
	[tilespmem:$0x1C400] =	vst v63  }
0x73: {  	_ =	swait.ge [sflag:s28], $0x3E80  }
0x74: {  	[sflag:s28] =	ssyncset.done $0x0  }
0x75: {  	[sflag:s28] =	ssyncadd.s32 $0xFFFFC180  }
0x76: {  	[spmem:s3] =	stream.indirect.scatter.add.f32 [tilespmem:s21], [sflag:$0x5], $0x80, s2, s24, $0xb8;
	[tilespmem:$0x1C400] =	vst v63  }
0x77: {  	_ =	swait.ge [sflag:s22], $0x3E80  }
0x78: {  	[sflag:s22] =	ssyncset.done $0x0  }
0x79: {  	[sflag:s22] =	ssyncadd.s32 $0xFFFFC180  }
0x7a: {  	_ =	swait.ge [sflag:s6], $0x200  }
0x7b: {  	[sflag:s6] =	ssyncset.done $0x0  }
0x7c: {  	[sflag:s6] =	ssyncadd.s32 $0xFFFFFE00  }
0x7d: {  	_ =	swait.ge [sflag:s6], $0x200  }
0x7e: {  	[sflag:s6] =	ssyncset.done $0x0  }
0x7f: {  	[sflag:s6] =	ssyncadd.s32 $0xFFFFFE00  }
0x80: {  	[tilespmem:s21], [sflag:$0x1] =	stream.indirect.gather [hbm4b:s0+s24], $0x80, s19, s24, $0xb8;
	[tilespmem:$0x1C400] =	vst v63  }
0x81: {  	_ =	swait.ge [sflag:s30], $0x3E80  }
0x82: {  	[sflag:s30] =	ssyncset.done $0x0  }
0x83: {  	[sflag:s30] =	ssyncadd.s32 $0xFFFFC180  }
0x84: {  	[spmem:s3] =	stream.indirect.scatter.add.f32 [tilespmem:s26], [sflag:$0x5], $0x80, s8, s24, $0xb8;
	[tilespmem:$0x1C400] =	vst v63  }
0x85: {  	_ =	swait.ge [sflag:s22], $0x3E80  }
0x86: {  	p0 =	seq.s32 s16, $0x480;
	[sflag:s22] =	ssyncset.done $0x0  }
0x87: {  	s5 =	sadd.s32 @!p0 s16, s17;
	[sflag:s22] =	ssyncadd.s32 $0xFFFFC180  }
0x88: {  	[tilespmem:s26], [sflag:$0x2] =	stream.indirect.gather [hbm4b:s0+s24], $0x80, s9, s24, $0xb8;
	[tilespmem:$0x1C400] =	vst v63  }
0x89: {  	s15 =	simm.s32 @!p0 $0x0;
	s7 =	sadd.s32 @!p0 $0x80, s5  }
0x8a: {  	[tilespmem:s15], [sflag:$0x3] =	stream.linear.gather @!p0 [hbm4b:s7+s15], $0x200, $0x38;
	[tilespmem:$0x1C400] =	vst v63  }
0x8b: {  	s5 =	sadd.s32 @!p0 $0xA080, s5;
	s7 =	simm.s32 @!p0 $0x400  }
0x8c: {  	[tilespmem:s7], [sflag:$0x3] =	stream.linear.gather @!p0 [hbm4b:s5+s15], $0x200, $0x38;
	[tilespmem:$0x1C400] =	vst v63  }
0x8d: {  	_ =	swait.ge [sflag:s28], $0x3E80  }
0x8e: {  	[sflag:s28] =	ssyncset.done $0x0  }
0x8f: {  	[sflag:s28] =	ssyncadd.s32 $0xFFFFC180  }
0x90: {  	[spmem:s3] =	stream.indirect.scatter.add.f32 [tilespmem:s21], [sflag:$0x5], $0x80, s20, s24, $0xb8;
	[tilespmem:$0x1C400] =	vst v63  }
0x91: {  	_ =	swait.ge [sflag:s22], $0x3E80  }
0x92: {  	[sflag:s22] =	ssyncset.done $0x0  }
0x93: {  	[sflag:s22] =	ssyncadd.s32 $0xFFFFC180  }
0x94: {  	[tilespmem:s21], [sflag:$0x1] =	stream.indirect.gather [hbm4b:s0+s24], $0x80, s10, s24, $0xb8;
	[tilespmem:$0x1C400] =	vst v63  }
0x95: {  	_ =	swait.ge [sflag:s30], $0x3E80  }
0x96: {  	[sflag:s30] =	ssyncset.done $0x0  }
0x97: {  	[sflag:s30] =	ssyncadd.s32 $0xFFFFC180  }
0x98: {  	[spmem:s3] =	stream.indirect.scatter.add.f32 [tilespmem:s26], [sflag:$0x5], $0x80, s11, s24, $0xb8;
	[tilespmem:$0x1C400] =	vst v63  }
0x99: {  	_ =	swait.ge [sflag:s22], $0x3E80  }
0x9a: {  	[sflag:s22] =	ssyncset.done $0x0  }
0x9b: {  	[sflag:s22] =	ssyncadd.s32 $0xFFFFC180  }
0x9c: {  	[tilespmem:s26], [sflag:$0x2] =	stream.indirect.gather [hbm4b:s0+s24], $0x80, s12, s24, $0xb8;
	[tilespmem:$0x1C400] =	vst v63  }
0x9d: {  	_ =	swait.ge [sflag:s28], $0x3E80  }
0x9e: {  	[sflag:s28] =	ssyncset.done $0x0  }
.Ltmp3:
0x9f: {  	[sflag:s28] =	ssyncadd.s32 $0xFFFFC180;
	(pc) =	sbr.rel @p0 .LBB2_6-.Ltmp3, $4  }
0xa0: {  	[spmem:s3] =	stream.indirect.scatter.add.f32 [tilespmem:s21], [sflag:$0x5], $0x80, s13, s24, $0xb8;
	[tilespmem:$0x1C400] =	vst v63  }
0xa1: {  	_ =	swait.ge [sflag:s22], $0x3E80  }
0xa2: {  	[sflag:s22] =	ssyncset.done $0x0  }
0xa3: {  	[sflag:s22] =	ssyncadd.s32 $0xFFFFC180  }
0xa4: {  	_ =	swait.ge [sflag:s23], $0x200  }
0xa5: {  	[sflag:s23] =	ssyncset.done $0x0  }
0xa6: {  	[sflag:s23] =	ssyncadd.s32 $0xFFFFFE00  }
0xa7: {  	_ =	swait.ge [sflag:s23], $0x200  }
0xa8: {  	[sflag:s23] =	ssyncset.done $0x0  }
0xa9: {  	[sflag:s23] =	ssyncadd.s32 $0xFFFFFE00  }
0xaa: {  	[tilespmem:s21], [sflag:$0x1] =	stream.indirect.gather [hbm4b:s0+s24], $0x80, s4, s24, $0xb8;
	[tilespmem:$0x1C400] =	vst v63  }
0xab: {  	_ =	swait.ge [sflag:s30], $0x3E80  }
0xac: {  	[sflag:s30] =	ssyncset.done $0x0  }
0xad: {  	[sflag:s30] =	ssyncadd.s32 $0xFFFFC180  }
0xae: {  	[spmem:s3] =	stream.indirect.scatter.add.f32 [tilespmem:s26], [sflag:$0x5], $0x80, s14, s24, $0xb8;
	[tilespmem:$0x1C400] =	vst v63  }
0xaf: {  	_ =	swait.ge [sflag:s22], $0x3E80  }
0xb0: {  	[sflag:s22] =	ssyncset.done $0x0  }
0xb1: {  	[sflag:s22] =	ssyncadd.s32 $0xFFFFC180  }
0xb2: {  	[tilespmem:s26], [sflag:$0x2] =	stream.indirect.gather [hbm4b:s0+s24], $0x80, s25, s24, $0xb8;
	[tilespmem:$0x1C400] =	vst v63  }
.Ltmp4:
0xb3: {  	s5 =	sadd.s32 s16, s17;
	(pc) =	sbr.rel .LBB2_4-.Ltmp4, $4  }
0xb4: {  	s7 =	sadd.s32 $0xC0, s5  }
0xb5: {  	[tilespmem:s19], [sflag:$0x4] =	stream.linear.gather [hbm4b:s7+s4], $0x200, $0x38;
	[tilespmem:$0x1C400] =	vst v63  }
0xb6: {  	s16 =	sadd.s32 $0x80, s16;
	s5 =	sadd.s32 $0xA0C0, s5  }
0xb7: {  	[tilespmem:s20], [sflag:$0x4] =	stream.linear.gather [hbm4b:s5+s4], $0x200, $0x38;
	[tilespmem:$0x1C400] =	vst v63  }
.LBB2_7:
0xb8: {  	_ =	sfence.sel $0x180000  }
0xb9: {  	[bflag:$0x0] =	sbarrier.arrive $0xFFFF  }
0xba: {  	_ =	strace $0x9000004A  }
0xbb: {  	s0 =	stileid.u32;
	[bflag:$0x2] =	sbarrier.arrive $0xFFFF  }
0xbc: {  	p0 =	sne.s32 s0, $0x0;
	s0 =	rddreg [dreg:$0x3]  }
0xbd: {  	s0 =	sadd.s32 @!p0 $0x100000, s0  }
0xbe: {  	[sflag:s0] =	ssyncadd.tile.s32 @!p0 $0x1;
	_ =	shalt  }
.Lfunc_end2:
_tile_overlayer_lowered:
.L_overlay_start_2:
0xbf: {  	(tag) =	ssettag $0x2  }
0xc0: {  	s0 =	rddreg [dreg:$0x0];
	s2 =	stileid.u32  }
0xc1: {  	s1 =	rddreg [dreg:$0x1];
	p0 =	sne.s32 s2, $0x0  }
0xc2: {  	s3 =	rddreg [dreg:$0x2];
	[bflag:$0x3] =	sbarrier.arrive $0xFFFF;
	s2 =	simm.s32 @!p0 $0x1C05  }
0xc3: {  	[timem:s3], [sflag:s2] =	dma.local @!p0 [hbm:s0], s1  }
0xc4: {  	s0 =	simm.s32 @!p0 $0x5  }
0xc5: {  	_ =	swait.ge @!p0 [sflag:s0], s1  }
0xc6: {  	s1 =	ssub.s32 @!p0 $0x0, s1;
	[sflag:s0] =	ssyncset.done @!p0 $0x0  }
0xc7: {  	[sflag:s0] =	ssyncadd.s32 @!p0 s1  }
0xc8: {  	[bflag:$0x3] =	sbarrier.arrive $0xFFFF  }
0xc9: {  	_ =	shalt  }

</sc_bundles>
